<compile_context>
chip_gen: v7x
topology: tpu7x:2x2x1
jax: 0.10.2.dev20260603
libtpu: 0.0.44.dev20260713+nightly
codegen_flags: <defaults>
</compile_context>

<pallas_src>
import functools

import jax
import jax.numpy as jnp
from jax import lax
from jax.experimental import pallas as pl
from jax.experimental.pallas import tpu as pltpu
from jax.experimental.pallas import tpu_sc as plsc

N_NODES = 10000
N_MATCH = 4096
N_EDGES = 320000
NC = 2
NS = 16
L = 16

NP = 10240
RNG = NP // NS
EB = 10000
P1_PER_TILE = N_EDGES // NS
P1_BLOCKS = P1_PER_TILE // EB
P2A_PER_TILE = N_EDGES // (NC * NS)
P2B_PER_TILE = N_EDGES // (NC * 2)
P2B_BLOCKS = P2B_PER_TILE // EB


def _dense_body(x_ref, w_ref, b_ref, s_ref, d_ref, ew_ref,
                out_ref, pk_ref, we_ref):
    out_ref[...] = lax.dot_general(
        w_ref[...], x_ref[...], (((0,), (1,)), ((), ())),
        preferred_element_type=jnp.float32) + b_ref[...]
    s32 = s_ref[...]
    d32 = d_ref[...]
    pk_ref[...] = (s32 << 14) | d32
    we_ref[...] = jnp.where(s32 == d32, 0.0, ew_ref[...])


def _dense(x, wcat, bias, srcr, dstr, wr):
    er = srcr.shape
    return pl.pallas_call(
        _dense_body,
        out_shape=(jax.ShapeDtypeStruct((16, N_NODES), jnp.float32),
                   jax.ShapeDtypeStruct(er, jnp.int32),
                   jax.ShapeDtypeStruct(er, jnp.float32)),
    )(x, wcat, bias, srcr, dstr, wr)


def _combine_body(sp_ref, dt_ref, cnt_ref, out_ref):
    sp = sp_ref[...]
    s8 = sp[0, :8] + sp[0, 8:] + sp[1, :8] + sp[1, 8:]
    t = dt_ref[0:8] + s8
    z = jax.nn.sigmoid(t[:4])
    ht = jnp.tanh(t[4:])
    e = jnp.exp((1.0 - z) * ht)
    denom = jnp.sum(e * cnt_ref[...], axis=1, keepdims=True)
    out_ref[...] = e / denom


def _combine(sp, dt, cnt):
    return pl.pallas_call(
        _combine_body,
        out_shape=jax.ShapeDtypeStruct((4, N_NODES), jnp.float32),
    )(sp, dt, cnt)


@functools.partial(
    pl.kernel,
    out_type=(jax.ShapeDtypeStruct((NC, NS, N_NODES), jnp.float32),
              jax.ShapeDtypeStruct((N_NODES,), jnp.float32)),
    mesh=plsc.VectorSubcoreMesh(core_axis_name="c", subcore_axis_name="s"),
    scratch_types=[
        pltpu.VMEM((N_NODES,), jnp.float32),
        pltpu.VMEM((NP,), jnp.float32),
        pltpu.VMEM((NP,), jnp.float32),
        pltpu.VMEM((N_NODES,), jnp.float32),
        pltpu.VMEM((EB,), jnp.int32),
        pltpu.VMEM((EB,), jnp.float32),
        pltpu.VMEM((EB,), jnp.int32),
        pltpu.VMEM((EB,), jnp.float32),
        pltpu.VMEM_SHARED((NS, NP), jnp.float32),
        pltpu.VMEM_SHARED((N_EDGES // NC,), jnp.float32),
        pltpu.SemaphoreType.DMA,
        pltpu.SemaphoreType.DMA,
        pltpu.SemaphoreType.DMA,
        pltpu.SemaphoreType.DMA,
        pltpu.SemaphoreType.DMA,
        pltpu.SemaphoreType.DMA,
        pltpu.SemaphoreType.DMA,
    ],
    compiler_params=pltpu.CompilerParams(needs_layout_passes=False),
)
def _edge_kernel(pk_hbm, w_hbm, p_hbm, home_hbm, away_hbm,
                 spart_out, cnt_out,
                 p_loc, node, red_b, acc, pk0, w0, pk1, w1,
                 slots, normbuf,
                 sem0, sem1, sem2, sem3, sem4, sem5, semp):
    c = lax.axis_index("c")
    s = lax.axis_index("s")
    zeros16 = jnp.zeros((L,), jnp.float32)
    bufsets = ((pk0, w0, (sem0, sem1)),
               (pk1, w1, (sem2, sem3)))

    def issue_edges(base, bufset):
        pb, wb, (sp_, sw) = bufset
        return (pltpu.async_copy(pk_hbm.at[pl.ds(base, EB)], pb, sp_),
                pltpu.async_copy(w_hbm.at[pl.ds(base, EB)], wb, sw))

    off1 = s * P1_PER_TILE
    h_p = pltpu.async_copy(p_hbm.at[8 + (s % 8)], p_loc, semp)
    h1 = [issue_edges(off1 + k * EB, bufsets[k]) for k in range(P1_BLOCKS)]

    def _zero(ref, n):
        @plsc.parallel_loop(0, n // L, unroll=4)
        def zb(i):
            ref[pl.ds(i * L, L)] = zeros16

    _zero(node, NP)

    loc_a = s * P2A_PER_TILE
    off_a = c * (N_EDGES // NC) + loc_a
    for k in range(P1_BLOCKS):
        pb, wb, _ = bufsets[k]
        for h in h1[k]:
            h.wait()

        @plsc.parallel_loop(0, EB // L, unroll=4)
        def deg_it(i):
            sl = pl.ds(i * L, L)
            s16 = pb[sl] >> 14
            plsc.addupdate_scatter(node, [s16], wb[sl])

        if k == 0:
            h2a = issue_edges(off_a, bufsets[0])

    pltpu.sync_copy(node, slots.at[s])
    plsc.subcore_barrier()

    rbase = s * RNG
    for t0 in range(0, NS, 4):
        hs = [pltpu.async_copy(
                  slots.at[t0 + k].at[pl.ds(rbase, RNG)],
                  red_b.at[pl.ds((t0 + k) * RNG, RNG)], sem)
              for k, sem in ((0, sem2), (1, sem3), (2, sem4), (3, sem5))]
        for h in hs:
            h.wait()

    @plsc.parallel_loop(0, RNG // L, unroll=2)
    def red_it(i):
        sl = pl.ds(rbase + i * L, L)
        tot = red_b[pl.ds(i * L, L)]
        for t in range(1, NS):
            tot = tot + red_b[pl.ds(t * RNG + i * L, L)]
        d16 = tot
        bits = plsc.bitcast(d16, jnp.int32)
        bits = jnp.int32(0x5F3759DF) - (bits >> 1)
        y = plsc.bitcast(bits, jnp.float32)
        for _ in range(3):
            y = y * (1.5 - 0.5 * d16 * y * y)
        node[sl] = jnp.where(d16 > 0.0, y, 0.0)

    pltpu.sync_copy(node.at[pl.ds(rbase, RNG)], slots.at[0].at[pl.ds(rbase, RNG)])
    plsc.subcore_barrier()
    pltpu.sync_copy(slots.at[0], node)

    for h in h2a:
        h.wait()

    @plsc.parallel_loop(0, P2A_PER_TILE // L, unroll=4)
    def norm_it(i):
        sl = pl.ds(i * L, L)
        p16 = pk0[sl]
        ds16 = plsc.load_gather(node, [p16 >> 14])
        dd16 = plsc.load_gather(node, [p16 & 16383])
        w0[sl] = -(ds16 * w0[sl] * dd16)
    pltpu.sync_copy(w0, normbuf.at[pl.ds(loc_a, P2A_PER_TILE)])

    @pl.when((c == 0) & (s == 0))
    def _cnt():
        _zero(acc, N_NODES)
        ones16 = jnp.full((L,), 1.0, jnp.float32)
        pltpu.sync_copy(home_hbm, pk0.at[pl.ds(0, N_MATCH)])
        pltpu.sync_copy(away_hbm, pk0.at[pl.ds(N_MATCH, N_MATCH)])

        @plsc.parallel_loop(0, 2 * N_MATCH // L, unroll=4)
        def hit(i):
            plsc.addupdate_scatter(acc, [pk0[pl.ds(i * L, L)]], ones16)
        pltpu.sync_copy(acc, cnt_out)

    _zero(acc, N_NODES)
    h_p.wait()
    plsc.subcore_barrier()

    half = s // 8

    def issue_2b(b):
        pb, wb, (sp_, sw) = bufsets[b % 2]
        loc = half * P2B_PER_TILE + b * EB
        off = c * (N_EDGES // NC) + loc
        return (pltpu.async_copy(pk_hbm.at[pl.ds(off, EB)], pb, sp_),
                pltpu.async_copy(normbuf.at[pl.ds(loc, EB)], wb, sw))

    pending = [issue_2b(0), issue_2b(1)]
    for b in range(P2B_BLOCKS):
        pb, wb, _ = bufsets[b % 2]
        for h in pending[b]:
            h.wait()

        @plsc.parallel_loop(0, EB // L, unroll=4)
        def it(i):
            sl = pl.ds(i * L, L)
            pk16, n16 = pb[sl], wb[sl]
            p16 = plsc.load_gather(p_loc, [pk16 >> 14])
            plsc.addupdate_scatter(acc, [pk16 & 16383], n16 * p16)

        if b + 2 < P2B_BLOCKS:
            pending.append(issue_2b(b + 2))

    pltpu.sync_copy(acc, spart_out.at[c].at[s])


@functools.partial(
    pl.kernel,
    out_type=jax.ShapeDtypeStruct((2 * N_MATCH, 4), jnp.float32),
    mesh=plsc.VectorSubcoreMesh(core_axis_name="c", subcore_axis_name="s"),
    scratch_types=[
        pltpu.VMEM((4, N_NODES), jnp.float32),
        pltpu.VMEM((256,), jnp.int32),
        pltpu.VMEM((256, 4), jnp.float32),
        pltpu.SemaphoreType.DMA,
        pltpu.SemaphoreType.DMA,
    ],
    compiler_params=pltpu.CompilerParams(needs_layout_passes=False),
)
def _gather_kernel(tab_hbm, home_hbm, away_hbm, out_hbm, tab_loc, idx_v,
                   rows_v, sem0, sem1):
    c = lax.axis_index("c")
    s = lax.axis_index("s")
    w = s * NC + c
    base = w * 256
    h_t = pltpu.async_copy(tab_hbm, tab_loc, sem0)

    @pl.when(w < 16)
    def _ih():
        pltpu.async_copy(home_hbm.at[pl.ds(base, 256)], idx_v, sem1).wait()

    @pl.when(w >= 16)
    def _ia():
        pltpu.async_copy(
            away_hbm.at[pl.ds(base - N_MATCH, 256)], idx_v, sem1).wait()

    h_t.wait()
    iota = lax.iota(jnp.int32, L)

    @plsc.parallel_loop(0, 256 // L, unroll=2)
    def it(i):
        ha16 = idx_v[pl.ds(i * L, L)]
        row16 = iota + i * L
        for cc in range(4):
            cc16 = jnp.full((L,), cc, jnp.int32)
            g = plsc.load_gather(tab_loc, [cc16, ha16])
            plsc.store_scatter(rows_v, [row16, cc16], g)
    pltpu.sync_copy(rows_v, out_hbm.at[pl.ds(base, 256)])


def kernel(edge_index, home, away, edge_weight, embedding,
           W_xz, b_xz, W_hz, b_hz, W_xr, b_xr, W_hr, b_hr,
           W_xh, b_xh, W_hh, b_hh):
    x = embedding.astype(jnp.float32)
    src = edge_index[0].astype(jnp.int32)
    dst = edge_index[1].astype(jnp.int32)
    w = edge_weight.astype(jnp.float32)
    home32 = home.astype(jnp.int32)
    away32 = away.astype(jnp.int32)

    wcat = jnp.concatenate([W_xz[0], W_xh[0], W_xz[1], W_xh[1]], axis=1)
    bias = jnp.concatenate(
        [b_xz + b_hz, b_xh + b_hh, jnp.zeros((8,), jnp.float32)])[:, None]

    out1, pkr, wer = _dense(x, wcat, bias,
                            src.reshape(-1, 128), dst.reshape(-1, 128),
                            w.reshape(-1, 128))
    packed = pkr.reshape(-1)
    weff = wer.reshape(-1)

    sp, cnt = _edge_kernel(packed, weff, out1, home32, away32)
    tab = _combine(sp, out1, cnt[None, :])
    return _gather_kernel(tab, home32, away32)

# --- scband reference (transcript-rebuilt; emitter-appended) ---
"""Pipeline reference for scband-rgnn-15848429322722 (READ-ONLY COPY).

The authoritative reference and input builder live on the scoring server;
editing this copy changes nothing except your own understanding.
"""

import jax, jax.numpy as jnp
import numpy as np

N_TEAMS = 10000
EMBED_DIM = 128
OUT_CH = 4
K = 2
N_EDGES = 320000
N_MATCHES = 4096


def setup_inputs(seed: int = 0) -> dict:
    key = jax.random.key(seed)
    ks = jax.random.split(key, 24)
    inp = {}
    inp["edge_index"] = jax.random.randint(ks[0], (2, N_EDGES), 0, N_TEAMS)
    inp["home"] = jax.random.randint(ks[1], (N_MATCHES,), 0, N_TEAMS)
    inp["away"] = jax.random.randint(ks[2], (N_MATCHES,), 0, N_TEAMS)
    inp["edge_weight"] = jax.random.uniform(ks[3], (N_EDGES,), dtype=jnp.float32)
    inp["embedding"] = jax.random.normal(ks[4], (N_TEAMS, EMBED_DIM), dtype=jnp.float32) * 0.1
    names = ["xz", "hz", "xr", "hr", "xh", "hh"]
    for i, nm in enumerate(names):
        in_dim = EMBED_DIM if nm[0] == "x" else OUT_CH
        inp["W_" + nm] = jax.random.normal(ks[5 + 2 * i], (K, in_dim, OUT_CH), dtype=jnp.float32) * (1.0 / np.sqrt(in_dim))
        inp["b_" + nm] = jax.random.normal(ks[6 + 2 * i], (OUT_CH,), dtype=jnp.float32) * 0.01
    return inp


def _compute_norm(edge_index, edge_weight, num_nodes):
    # ChebConv 'sym' normalization with lambda_max=2.0 (torch_geometric default for sym):
    # remove self loops, L = I - D^{-1/2} A D^{-1/2}, scale by 2/lambda_max = 1,
    # then self-loop weights - 1 -> 0, so effective edge norm = -A_norm, loops drop out.
    src, dst = edge_index[0], edge_index[1]
    w = jnp.where(src == dst, 0.0, edge_weight)
    deg = jax.ops.segment_sum(w, src, num_segments=num_nodes)
    deg_safe = jnp.where(deg > 0, deg, 1.0)
    dinv = jnp.where(deg > 0, jax.lax.rsqrt(deg_safe), 0.0)
    norm = -dinv[src] * w * dinv[dst]
    return norm


def _cheb(x, W, b, edge_index, norm):
    # ChebConv with K=2: out = x @ W[0] + (propagate norm-weighted x) @ W[1] + b
    src, dst = edge_index[0], edge_index[1]
    out = x @ W[0]
    Tx1 = jax.ops.segment_sum(norm[:, None] * x[src], dst, num_segments=x.shape[0])
    out = out + Tx1 @ W[1]
    return out + b


def reference(edge_index, home, away, edge_weight, embedding, W_xz, b_xz, W_hz, b_hz, W_xr, b_xr, W_hr, b_hr, W_xh, b_xh, W_hh, b_hh):
    x = embedding  # h = embedding[arange(team_count)].reshape(-1, embed_dim)
    norm = _compute_norm(edge_index, edge_weight, x.shape[0])
    H = jnp.zeros((x.shape[0], W_xz.shape[2]), dtype=x.dtype)
    # GConvGRU cell
    Z = jax.nn.sigmoid(_cheb(x, W_xz, b_xz, edge_index, norm) + _cheb(H, W_hz, b_hz, edge_index, norm))
    R = jax.nn.sigmoid(_cheb(x, W_xr, b_xr, edge_index, norm) + _cheb(H, W_hr, b_hr, edge_index, norm))
    H_tilde = jnp.tanh(_cheb(x, W_xh, b_xh, edge_index, norm) + _cheb(R * H, W_hh, b_hh, edge_index, norm))
    H = Z * H + (1.0 - Z) * H_tilde
    # h = cat([h[home], h[away]], dim=0); softmax over dim 0
    h = jnp.concatenate([H[home], H[away]], axis=0)
    return jax.nn.softmax(h, axis=0)

if __name__ == "__main__":
    import jax
    _d = setup_inputs()
    print(jax.jit(kernel)(*tuple(_d.values())))

</pallas_src>

<mosaic_0001>
#map = affine_map<(d0, d1) -> (0, 0)>
#map1 = affine_map<(d0, d1) -> (0)>
module attributes {stable_mosaic.version = 14 : i64} {
  func.func @_gather_kernel(%arg0: i32, %arg1: i32, %arg2: memref<4x10000xf32, #tpu.memory_space<hbm>>, %arg3: memref<4096xi32, #tpu.memory_space<hbm>>, %arg4: memref<4096xi32, #tpu.memory_space<hbm>>, %arg5: memref<8192x4xf32, #tpu.memory_space<hbm>>, %arg6: memref<4x10000xf32, #tpu.memory_space<vmem>>, %arg7: memref<256xi32, #tpu.memory_space<vmem>>, %arg8: memref<256x4xf32, #tpu.memory_space<vmem>>, %arg9: memref<!tpu.dma_semaphore, #tpu.memory_space<semaphore_mem>>, %arg10: memref<!tpu.dma_semaphore, #tpu.memory_space<semaphore_mem>>) attributes {dimension_semantics = [#tpu.dimension_semantics<core_parallel>, #tpu.dimension_semantics<subcore_parallel>], iteration_bounds = array<i64: 2, 16>, scalar_prefetch = 0 : i64, scratch_operands = 5 : i64, tpu.core_type = #tpu.core_type<sc_vector_subcore>, window_params = [{transform_indices = #map}, {transform_indices = #map1}, {transform_indices = #map1}, {transform_indices = #map}]} {
    %mul3A = arith.constant 2 : i32
    %mul3A_0 = arith.muli %arg1, %mul3A : i32
    %add3A = arith.addi %mul3A_0, %arg0 : i32
    %mul3A_1 = arith.constant 256 : i32
    %mul3A_2 = arith.muli %add3A, %mul3A_1 : i32
    tpu.enqueue_dma source(%arg2 : memref<4x10000xf32, #tpu.memory_space<hbm>>) target(%arg6 : memref<4x10000xf32, #tpu.memory_space<vmem>>) target_semaphore(%arg9 : memref<!tpu.dma_semaphore, #tpu.memory_space<semaphore_mem>>)
    %lt3A = arith.constant 16 : i32
    %lt3A_3 = arith.cmpi slt, %add3A, %lt3A : i32
    %convert_element_type3A = arith.extui %lt3A_3 : i1 to i32
    %cond3A = arith.constant 0 : i32
    %cond3A_4 = arith.cmpi ne, %convert_element_type3A, %cond3A : i32
    scf.if %cond3A_4 {
      %dma_start3A = tpu.memref_slice %arg3[%mul3A_2] : memref<4096xi32, #tpu.memory_space<hbm>> -> memref<256xi32, #tpu.memory_space<hbm>>
      %dma_start3A_11 = tpu.memref_slice %arg3[%mul3A_2] : memref<4096xi32, #tpu.memory_space<hbm>> -> memref<256xi32, #tpu.memory_space<hbm>>
      tpu.enqueue_dma source(%dma_start3A_11 : memref<256xi32, #tpu.memory_space<hbm>>) target(%arg7 : memref<256xi32, #tpu.memory_space<vmem>>) target_semaphore(%arg10 : memref<!tpu.dma_semaphore, #tpu.memory_space<semaphore_mem>>)
      %dma_wait3A = tpu.memref_slice %arg3[%mul3A_2] : memref<4096xi32, #tpu.memory_space<hbm>> -> memref<256xi32, #tpu.memory_space<hbm>>
      %dma_wait3A_12 = tpu.memref_slice %arg3[%mul3A_2] : memref<4096xi32, #tpu.memory_space<hbm>> -> memref<256xi32, #tpu.memory_space<hbm>>
      tpu.wait_dma2 semaphore(%arg10 : memref<!tpu.dma_semaphore, #tpu.memory_space<semaphore_mem>>) src(%dma_wait3A_12 : memref<256xi32, #tpu.memory_space<hbm>>) dst(%arg7 : memref<256xi32, #tpu.memory_space<vmem>>)
    } else {
    }
    %ge3A = arith.constant 16 : i32
    %ge3A_5 = arith.cmpi sge, %add3A, %ge3A : i32
    %convert_element_type3A_6 = arith.extui %ge3A_5 : i1 to i32
    %cond3A_7 = arith.constant 0 : i32
    %cond3A_8 = arith.cmpi ne, %convert_element_type3A_6, %cond3A_7 : i32
    scf.if %cond3A_8 {
      %sub3A = arith.constant 4096 : i32
      %sub3A_11 = arith.subi %mul3A_2, %sub3A : i32
      %dma_start3A = tpu.memref_slice %arg4[%sub3A_11] : memref<4096xi32, #tpu.memory_space<hbm>> -> memref<256xi32, #tpu.memory_space<hbm>>
      %dma_start3A_12 = tpu.memref_slice %arg4[%sub3A_11] : memref<4096xi32, #tpu.memory_space<hbm>> -> memref<256xi32, #tpu.memory_space<hbm>>
      tpu.enqueue_dma source(%dma_start3A_12 : memref<256xi32, #tpu.memory_space<hbm>>) target(%arg7 : memref<256xi32, #tpu.memory_space<vmem>>) target_semaphore(%arg10 : memref<!tpu.dma_semaphore, #tpu.memory_space<semaphore_mem>>)
      %dma_wait3A = tpu.memref_slice %arg4[%sub3A_11] : memref<4096xi32, #tpu.memory_space<hbm>> -> memref<256xi32, #tpu.memory_space<hbm>>
      %dma_wait3A_13 = tpu.memref_slice %arg4[%sub3A_11] : memref<4096xi32, #tpu.memory_space<hbm>> -> memref<256xi32, #tpu.memory_space<hbm>>
      tpu.wait_dma2 semaphore(%arg10 : memref<!tpu.dma_semaphore, #tpu.memory_space<semaphore_mem>>) src(%dma_wait3A_13 : memref<256xi32, #tpu.memory_space<hbm>>) dst(%arg7 : memref<256xi32, #tpu.memory_space<vmem>>)
    } else {
    }
    tpu.wait_dma2 semaphore(%arg9 : memref<!tpu.dma_semaphore, #tpu.memory_space<semaphore_mem>>) src(%arg2 : memref<4x10000xf32, #tpu.memory_space<hbm>>) dst(%arg6 : memref<4x10000xf32, #tpu.memory_space<vmem>>)
    %iota3A = tpu.iota {dimensions = array<i32: 0>} : vector<16xi32>
    %parallel_loop3A = arith.constant 0 : i32
    %parallel_loop3A_9 = arith.constant 16 : i32
    %parallel_loop3A_10 = arith.constant 1 : i32
    scf.for %parallel_loop3A_11 = %parallel_loop3A to %parallel_loop3A_9 step %parallel_loop3A_10  : i32 {
      %parallel_loop3A_12 = arith.constant 16 : i32
      %parallel_loop3A_13 = arith.muli %parallel_loop3A_11, %parallel_loop3A_12 : i32
      %parallel_loop3A_14 = arith.index_cast %parallel_loop3A_13 : i32 to index
      %parallel_loop3A_15 = tpu.vector_load %arg7[%parallel_loop3A_14] {strides = array<i32>} : memref<256xi32, #tpu.memory_space<vmem>>, vector<16xi32>,
      %parallel_loop3A_16 = arith.constant 16 : i32
      %parallel_loop3A_17 = arith.muli %parallel_loop3A_11, %parallel_loop3A_16 : i32
      %parallel_loop3A_18 = vector.broadcast %parallel_loop3A_17 : i32 to vector<16xi32>
      %parallel_loop3A_19 = arith.addi %iota3A, %parallel_loop3A_18 : vector<16xi32>
      %parallel_loop3A_20 = arith.constant 0 : i32
      %parallel_loop3A_21 = vector.broadcast %parallel_loop3A_20 : i32 to vector<16xi32>
      %parallel_loop3A_22 = tpu.vector_load_idx %arg6[%parallel_loop3A_21, %parallel_loop3A_15] : memref<4x10000xf32, #tpu.memory_space<vmem>>[vector<16xi32>, vector<16xi32>], vector<16xf32>,
      tpu.vector_store_idx %arg8[%parallel_loop3A_19, %parallel_loop3A_21], %parallel_loop3A_22 : memref<256x4xf32, #tpu.memory_space<vmem>>[vector<16xi32>, vector<16xi32>], vector<16xf32>,
      %parallel_loop3A_23 = arith.constant 1 : i32
      %parallel_loop3A_24 = vector.broadcast %parallel_loop3A_23 : i32 to vector<16xi32>
      %parallel_loop3A_25 = tpu.vector_load_idx %arg6[%parallel_loop3A_24, %parallel_loop3A_15] : memref<4x10000xf32, #tpu.memory_space<vmem>>[vector<16xi32>, vector<16xi32>], vector<16xf32>,
      tpu.vector_store_idx %arg8[%parallel_loop3A_19, %parallel_loop3A_24], %parallel_loop3A_25 : memref<256x4xf32, #tpu.memory_space<vmem>>[vector<16xi32>, vector<16xi32>], vector<16xf32>,
      %parallel_loop3A_26 = arith.constant 2 : i32
      %parallel_loop3A_27 = vector.broadcast %parallel_loop3A_26 : i32 to vector<16xi32>
      %parallel_loop3A_28 = tpu.vector_load_idx %arg6[%parallel_loop3A_27, %parallel_loop3A_15] : memref<4x10000xf32, #tpu.memory_space<vmem>>[vector<16xi32>, vector<16xi32>], vector<16xf32>,
      tpu.vector_store_idx %arg8[%parallel_loop3A_19, %parallel_loop3A_27], %parallel_loop3A_28 : memref<256x4xf32, #tpu.memory_space<vmem>>[vector<16xi32>, vector<16xi32>], vector<16xf32>,
      %parallel_loop3A_29 = arith.constant 3 : i32
      %parallel_loop3A_30 = vector.broadcast %parallel_loop3A_29 : i32 to vector<16xi32>
      %parallel_loop3A_31 = tpu.vector_load_idx %arg6[%parallel_loop3A_30, %parallel_loop3A_15] : memref<4x10000xf32, #tpu.memory_space<vmem>>[vector<16xi32>, vector<16xi32>], vector<16xf32>,
      tpu.vector_store_idx %arg8[%parallel_loop3A_19, %parallel_loop3A_30], %parallel_loop3A_31 : memref<256x4xf32, #tpu.memory_space<vmem>>[vector<16xi32>, vector<16xi32>], vector<16xf32>,
    } {sc.loop_unroll_factor = 2 : i64, sc.parallel_access}
    "tpu.region"() ({
      %run_scoped3A = tpu.sem_alloc : memref<!tpu.dma_semaphore, #tpu.memory_space<semaphore_mem>>
      %dma_start3A = arith.constant 0 : i32
      %dma_start3A_11 = tpu.memref_slice %arg5[%mul3A_2, %dma_start3A] : memref<8192x4xf32, #tpu.memory_space<hbm>> -> memref<256x4xf32, #tpu.memory_space<hbm>>
      %dma_start3A_12 = arith.constant 0 : i32
      %dma_start3A_13 = tpu.memref_slice %arg5[%mul3A_2, %dma_start3A_12] : memref<8192x4xf32, #tpu.memory_space<hbm>> -> memref<256x4xf32, #tpu.memory_space<hbm>>
      tpu.enqueue_dma source(%arg8 : memref<256x4xf32, #tpu.memory_space<vmem>>) target(%dma_start3A_13 : memref<256x4xf32, #tpu.memory_space<hbm>>) target_semaphore(%run_scoped3A : memref<!tpu.dma_semaphore, #tpu.memory_space<semaphore_mem>>)
      %dma_wait3A = arith.constant 0 : i32
      %dma_wait3A_14 = tpu.memref_slice %arg5[%mul3A_2, %dma_wait3A] : memref<8192x4xf32, #tpu.memory_space<hbm>> -> memref<256x4xf32, #tpu.memory_space<hbm>>
      %dma_wait3A_15 = arith.constant 0 : i32
      %dma_wait3A_16 = tpu.memref_slice %arg5[%mul3A_2, %dma_wait3A_15] : memref<8192x4xf32, #tpu.memory_space<hbm>> -> memref<256x4xf32, #tpu.memory_space<hbm>>
      tpu.wait_dma2 semaphore(%run_scoped3A : memref<!tpu.dma_semaphore, #tpu.memory_space<semaphore_mem>>) src(%arg8 : memref<256x4xf32, #tpu.memory_space<vmem>>) dst(%dma_wait3A_16 : memref<256x4xf32, #tpu.memory_space<hbm>>)
      tpu.yield
    }) : () -> ()
    return
  }
}

#map = affine_map<(d0, d1) -> (0)>
#map1 = affine_map<(d0, d1) -> (0, 0)>
#map2 = affine_map<(d0, d1) -> (0, 0, 0)>
module attributes {stable_mosaic.version = 14 : i64} {
  func.func @_edge_kernel(%arg0: i32, %arg1: i32, %arg2: memref<320000xi32, #tpu.memory_space<hbm>>, %arg3: memref<320000xf32, #tpu.memory_space<hbm>>, %arg4: memref<16x10000xf32, #tpu.memory_space<hbm>>, %arg5: memref<4096xi32, #tpu.memory_space<hbm>>, %arg6: memref<4096xi32, #tpu.memory_space<hbm>>, %arg7: memref<2x16x10000xf32, #tpu.memory_space<hbm>>, %arg8: memref<10000xf32, #tpu.memory_space<hbm>>, %arg9: memref<10000xf32, #tpu.memory_space<vmem>>, %arg10: memref<10240xf32, #tpu.memory_space<vmem>>, %arg11: memref<10240xf32, #tpu.memory_space<vmem>>, %arg12: memref<10000xf32, #tpu.memory_space<vmem>>, %arg13: memref<10000xi32, #tpu.memory_space<vmem>>, %arg14: memref<10000xf32, #tpu.memory_space<vmem>>, %arg15: memref<10000xi32, #tpu.memory_space<vmem>>, %arg16: memref<10000xf32, #tpu.memory_space<vmem>>, %arg17: memref<16x10240xf32, #tpu.memory_space<vmem_shared>>, %arg18: memref<160000xf32, #tpu.memory_space<vmem_shared>>, %arg19: memref<!tpu.dma_semaphore, #tpu.memory_space<semaphore_mem>>, %arg20: memref<!tpu.dma_semaphore, #tpu.memory_space<semaphore_mem>>, %arg21: memref<!tpu.dma_semaphore, #tpu.memory_space<semaphore_mem>>, %arg22: memref<!tpu.dma_semaphore, #tpu.memory_space<semaphore_mem>>, %arg23: memref<!tpu.dma_semaphore, #tpu.memory_space<semaphore_mem>>, %arg24: memref<!tpu.dma_semaphore, #tpu.memory_space<semaphore_mem>>, %arg25: memref<!tpu.dma_semaphore, #tpu.memory_space<semaphore_mem>>) attributes {dimension_semantics = [#tpu.dimension_semantics<core_parallel>, #tpu.dimension_semantics<subcore_parallel>], iteration_bounds = array<i64: 2, 16>, scalar_prefetch = 0 : i64, scratch_operands = 17 : i64, tpu.core_type = #tpu.core_type<sc_vector_subcore>, window_params = [{transform_indices = #map}, {transform_indices = #map}, {transform_indices = #map1}, {transform_indices = #map}, {transform_indices = #map}, {transform_indices = #map2}, {transform_indices = #map}]} {
    %broadcast_in_dim3A = arith.constant 0.000000e+00 : f32
    %broadcast_in_dim3A_0 = vector.broadcast %broadcast_in_dim3A : f32 to vector<16xf32>
    %mul3A = arith.constant 20000 : i32
    %mul3A_1 = arith.muli %arg1, %mul3A : i32
    %jit3A = arith.constant 8 : i32
    %eq3A = arith.constant 0 : i32
    %eq3A_2 = arith.cmpi eq, %jit3A, %eq3A : i32
    %jit3A_3 = arith.constant 1 : i32
    %select_n3A = arith.select %eq3A_2, %jit3A_3, %jit3A : i32
    %rem3A = arith.remsi %arg1, %select_n3A : i32
    %ne3A = arith.constant 0 : i32
    %ne3A_4 = arith.cmpi ne, %rem3A, %ne3A : i32
    %lt3A = arith.constant 0 : i32
    %lt3A_5 = arith.cmpi slt, %rem3A, %lt3A : i32
    %lt3A_6 = arith.constant 0 : i32
    %lt3A_7 = arith.cmpi slt, %select_n3A, %lt3A_6 : i32
    %ne3A_8 = arith.xori %lt3A_5, %lt3A_7 : i1
    %and3A = arith.andi %ne3A_8, %ne3A_4 : i1
    %add3A = arith.addi %rem3A, %select_n3A : i32
    %select_n3A_9 = arith.select %and3A, %add3A, %rem3A : i32
    %add3A_10 = arith.constant 8 : i32
    %add3A_11 = arith.addi %add3A_10, %select_n3A_9 : i32
    %dma_start3A = arith.constant 0 : i32
    %dma_start3A_12 = tpu.memref_slice %arg4[%add3A_11, %dma_start3A] : memref<16x10000xf32, #tpu.memory_space<hbm>> -> memref<1x10000xf32, #tpu.memory_space<hbm>>
    %dma_start3A_13 = tpu.memref_squeeze %dma_start3A_12 : memref<1x10000xf32, #tpu.memory_space<hbm>> -> memref<10000xf32, #tpu.memory_space<hbm>>
    %dma_start3A_14 = arith.constant 0 : i32
    %dma_start3A_15 = tpu.memref_slice %arg4[%add3A_11, %dma_start3A_14] : memref<16x10000xf32, #tpu.memory_space<hbm>> -> memref<1x10000xf32, #tpu.memory_space<hbm>>
    %dma_start3A_16 = tpu.memref_squeeze %dma_start3A_15 : memref<1x10000xf32, #tpu.memory_space<hbm>> -> memref<10000xf32, #tpu.memory_space<hbm>>
    tpu.enqueue_dma source(%dma_start3A_16 : memref<10000xf32, #tpu.memory_space<hbm>>) target(%arg9 : memref<10000xf32, #tpu.memory_space<vmem>>) target_semaphore(%arg25 : memref<!tpu.dma_semaphore, #tpu.memory_space<semaphore_mem>>)
    %add3A_17 = arith.constant 0 : i32
    %add3A_18 = arith.addi %mul3A_1, %add3A_17 : i32
    %dma_start3A_19 = tpu.memref_slice %arg2[%add3A_18] : memref<320000xi32, #tpu.memory_space<hbm>> -> memref<10000xi32, #tpu.memory_space<hbm>>
    %dma_start3A_20 = tpu.memref_slice %arg2[%add3A_18] : memref<320000xi32, #tpu.memory_space<hbm>> -> memref<10000xi32, #tpu.memory_space<hbm>>
    tpu.enqueue_dma source(%dma_start3A_20 : memref<10000xi32, #tpu.memory_space<hbm>>) target(%arg13 : memref<10000xi32, #tpu.memory_space<vmem>>) target_semaphore(%arg19 : memref<!tpu.dma_semaphore, #tpu.memory_space<semaphore_mem>>)
    %dma_start3A_21 = tpu.memref_slice %arg3[%add3A_18] : memref<320000xf32, #tpu.memory_space<hbm>> -> memref<10000xf32, #tpu.memory_space<hbm>>
    %dma_start3A_22 = tpu.memref_slice %arg3[%add3A_18] : memref<320000xf32, #tpu.memory_space<hbm>> -> memref<10000xf32, #tpu.memory_space<hbm>>
    tpu.enqueue_dma source(%dma_start3A_22 : memref<10000xf32, #tpu.memory_space<hbm>>) target(%arg14 : memref<10000xf32, #tpu.memory_space<vmem>>) target_semaphore(%arg20 : memref<!tpu.dma_semaphore, #tpu.memory_space<semaphore_mem>>)
    %add3A_23 = arith.constant 10000 : i32
    %add3A_24 = arith.addi %mul3A_1, %add3A_23 : i32
    %dma_start3A_25 = tpu.memref_slice %arg2[%add3A_24] : memref<320000xi32, #tpu.memory_space<hbm>> -> memref<10000xi32, #tpu.memory_space<hbm>>
    %dma_start3A_26 = tpu.memref_slice %arg2[%add3A_24] : memref<320000xi32, #tpu.memory_space<hbm>> -> memref<10000xi32, #tpu.memory_space<hbm>>
    tpu.enqueue_dma source(%dma_start3A_26 : memref<10000xi32, #tpu.memory_space<hbm>>) target(%arg15 : memref<10000xi32, #tpu.memory_space<vmem>>) target_semaphore(%arg21 : memref<!tpu.dma_semaphore, #tpu.memory_space<semaphore_mem>>)
    %dma_start3A_27 = tpu.memref_slice %arg3[%add3A_24] : memref<320000xf32, #tpu.memory_space<hbm>> -> memref<10000xf32, #tpu.memory_space<hbm>>
    %dma_start3A_28 = tpu.memref_slice %arg3[%add3A_24] : memref<320000xf32, #tpu.memory_space<hbm>> -> memref<10000xf32, #tpu.memory_space<hbm>>
    tpu.enqueue_dma source(%dma_start3A_28 : memref<10000xf32, #tpu.memory_space<hbm>>) target(%arg16 : memref<10000xf32, #tpu.memory_space<vmem>>) target_semaphore(%arg22 : memref<!tpu.dma_semaphore, #tpu.memory_space<semaphore_mem>>)
    %parallel_loop3A = arith.constant 0 : i32
    %parallel_loop3A_29 = arith.constant 640 : i32
    %parallel_loop3A_30 = arith.constant 1 : i32
    scf.for %parallel_loop3A_664 = %parallel_loop3A to %parallel_loop3A_29 step %parallel_loop3A_30  : i32 {
      %parallel_loop3A_665 = arith.constant 16 : i32
      %parallel_loop3A_666 = arith.muli %parallel_loop3A_664, %parallel_loop3A_665 : i32
      %parallel_loop3A_667 = arith.index_cast %parallel_loop3A_666 : i32 to index
      %parallel_loop3A_668 = tpu.vector_load %arg10[%parallel_loop3A_667] {strides = array<i32>} : memref<10240xf32, #tpu.memory_space<vmem>>, vector<16xf32>,
      tpu.vector_store %arg10[%parallel_loop3A_667], %broadcast_in_dim3A_0 {strides = array<i32>} : memref<10240xf32, #tpu.memory_space<vmem>>, vector<16xf32>,
    } {sc.loop_unroll_factor = 4 : i64, sc.parallel_access}
    %mul3A_31 = arith.constant 10000 : i32
    %mul3A_32 = arith.muli %arg1, %mul3A_31 : i32
    %mul3A_33 = arith.constant 160000 : i32
    %mul3A_34 = arith.muli %arg0, %mul3A_33 : i32
    %add3A_35 = arith.addi %mul3A_34, %mul3A_32 : i32
    %dma_wait3A = tpu.memref_slice %arg2[%add3A_18] : memref<320000xi32, #tpu.memory_space<hbm>> -> memref<10000xi32, #tpu.memory_space<hbm>>
    %dma_wait3A_36 = tpu.memref_slice %arg2[%add3A_18] : memref<320000xi32, #tpu.memory_space<hbm>> -> memref<10000xi32, #tpu.memory_space<hbm>>
    tpu.wait_dma2 semaphore(%arg19 : memref<!tpu.dma_semaphore, #tpu.memory_space<semaphore_mem>>) src(%dma_wait3A_36 : memref<10000xi32, #tpu.memory_space<hbm>>) dst(%arg13 : memref<10000xi32, #tpu.memory_space<vmem>>)
    %dma_wait3A_37 = tpu.memref_slice %arg3[%add3A_18] : memref<320000xf32, #tpu.memory_space<hbm>> -> memref<10000xf32, #tpu.memory_space<hbm>>
    %dma_wait3A_38 = tpu.memref_slice %arg3[%add3A_18] : memref<320000xf32, #tpu.memory_space<hbm>> -> memref<10000xf32, #tpu.memory_space<hbm>>
    tpu.wait_dma2 semaphore(%arg20 : memref<!tpu.dma_semaphore, #tpu.memory_space<semaphore_mem>>) src(%dma_wait3A_38 : memref<10000xf32, #tpu.memory_space<hbm>>) dst(%arg14 : memref<10000xf32, #tpu.memory_space<vmem>>)
    %parallel_loop3A_39 = arith.constant 0 : i32
    %parallel_loop3A_40 = arith.constant 625 : i32
    %parallel_loop3A_41 = arith.constant 1 : i32
    scf.for %parallel_loop3A_664 = %parallel_loop3A_39 to %parallel_loop3A_40 step %parallel_loop3A_41  : i32 {
      %parallel_loop3A_665 = arith.constant 16 : i32
      %parallel_loop3A_666 = arith.muli %parallel_loop3A_664, %parallel_loop3A_665 : i32
      %parallel_loop3A_667 = arith.index_cast %parallel_loop3A_666 : i32 to index
      %parallel_loop3A_668 = tpu.vector_load %arg13[%parallel_loop3A_667] {strides = array<i32>} : memref<10000xi32, #tpu.memory_space<vmem>>, vector<16xi32>,
      %parallel_loop3A_669 = arith.constant 14 : i32
      %parallel_loop3A_670 = vector.broadcast %parallel_loop3A_669 : i32 to vector<16xi32>
      %parallel_loop3A_671 = arith.shrsi %parallel_loop3A_668, %parallel_loop3A_670 : vector<16xi32>
      %parallel_loop3A_672 = arith.index_cast %parallel_loop3A_666 : i32 to index
      %parallel_loop3A_673 = tpu.vector_load %arg14[%parallel_loop3A_672] {strides = array<i32>} : memref<10000xf32, #tpu.memory_space<vmem>>, vector<16xf32>,
      tpu.vector_store_idx %arg10[%parallel_loop3A_671], %parallel_loop3A_673 {add = true} : memref<10240xf32, #tpu.memory_space<vmem>>[vector<16xi32>], vector<16xf32>,
    } {sc.loop_unroll_factor = 4 : i64, sc.parallel_access}
    %dma_start3A_42 = tpu.memref_slice %arg2[%add3A_35] : memref<320000xi32, #tpu.memory_space<hbm>> -> memref<10000xi32, #tpu.memory_space<hbm>>
    %dma_start3A_43 = tpu.memref_slice %arg2[%add3A_35] : memref<320000xi32, #tpu.memory_space<hbm>> -> memref<10000xi32, #tpu.memory_space<hbm>>
    tpu.enqueue_dma source(%dma_start3A_43 : memref<10000xi32, #tpu.memory_space<hbm>>) target(%arg13 : memref<10000xi32, #tpu.memory_space<vmem>>) target_semaphore(%arg19 : memref<!tpu.dma_semaphore, #tpu.memory_space<semaphore_mem>>)
    %dma_start3A_44 = tpu.memref_slice %arg3[%add3A_35] : memref<320000xf32, #tpu.memory_space<hbm>> -> memref<10000xf32, #tpu.memory_space<hbm>>
    %dma_start3A_45 = tpu.memref_slice %arg3[%add3A_35] : memref<320000xf32, #tpu.memory_space<hbm>> -> memref<10000xf32, #tpu.memory_space<hbm>>
    tpu.enqueue_dma source(%dma_start3A_45 : memref<10000xf32, #tpu.memory_space<hbm>>) target(%arg14 : memref<10000xf32, #tpu.memory_space<vmem>>) target_semaphore(%arg20 : memref<!tpu.dma_semaphore, #tpu.memory_space<semaphore_mem>>)
    %dma_wait3A_46 = tpu.memref_slice %arg2[%add3A_24] : memref<320000xi32, #tpu.memory_space<hbm>> -> memref<10000xi32, #tpu.memory_space<hbm>>
    %dma_wait3A_47 = tpu.memref_slice %arg2[%add3A_24] : memref<320000xi32, #tpu.memory_space<hbm>> -> memref<10000xi32, #tpu.memory_space<hbm>>
    tpu.wait_dma2 semaphore(%arg21 : memref<!tpu.dma_semaphore, #tpu.memory_space<semaphore_mem>>) src(%dma_wait3A_47 : memref<10000xi32, #tpu.memory_space<hbm>>) dst(%arg15 : memref<10000xi32, #tpu.memory_space<vmem>>)
    %dma_wait3A_48 = tpu.memref_slice %arg3[%add3A_24] : memref<320000xf32, #tpu.memory_space<hbm>> -> memref<10000xf32, #tpu.memory_space<hbm>>
    %dma_wait3A_49 = tpu.memref_slice %arg3[%add3A_24] : memref<320000xf32, #tpu.memory_space<hbm>> -> memref<10000xf32, #tpu.memory_space<hbm>>
    tpu.wait_dma2 semaphore(%arg22 : memref<!tpu.dma_semaphore, #tpu.memory_space<semaphore_mem>>) src(%dma_wait3A_49 : memref<10000xf32, #tpu.memory_space<hbm>>) dst(%arg16 : memref<10000xf32, #tpu.memory_space<vmem>>)
    %parallel_loop3A_50 = arith.constant 0 : i32
    %parallel_loop3A_51 = arith.constant 625 : i32
    %parallel_loop3A_52 = arith.constant 1 : i32
    scf.for %parallel_loop3A_664 = %parallel_loop3A_50 to %parallel_loop3A_51 step %parallel_loop3A_52  : i32 {
      %parallel_loop3A_665 = arith.constant 16 : i32
      %parallel_loop3A_666 = arith.muli %parallel_loop3A_664, %parallel_loop3A_665 : i32
      %parallel_loop3A_667 = arith.index_cast %parallel_loop3A_666 : i32 to index
      %parallel_loop3A_668 = tpu.vector_load %arg15[%parallel_loop3A_667] {strides = array<i32>} : memref<10000xi32, #tpu.memory_space<vmem>>, vector<16xi32>,
      %parallel_loop3A_669 = arith.constant 14 : i32
      %parallel_loop3A_670 = vector.broadcast %parallel_loop3A_669 : i32 to vector<16xi32>
      %parallel_loop3A_671 = arith.shrsi %parallel_loop3A_668, %parallel_loop3A_670 : vector<16xi32>
      %parallel_loop3A_672 = arith.index_cast %parallel_loop3A_666 : i32 to index
      %parallel_loop3A_673 = tpu.vector_load %arg16[%parallel_loop3A_672] {strides = array<i32>} : memref<10000xf32, #tpu.memory_space<vmem>>, vector<16xf32>,
      tpu.vector_store_idx %arg10[%parallel_loop3A_671], %parallel_loop3A_673 {add = true} : memref<10240xf32, #tpu.memory_space<vmem>>[vector<16xi32>], vector<16xf32>,
    } {sc.loop_unroll_factor = 4 : i64, sc.parallel_access}
    "tpu.region"() ({
      %run_scoped3A_664 = tpu.sem_alloc : memref<!tpu.dma_semaphore, #tpu.memory_space<semaphore_mem>>
      %dma_start3A_665 = arith.constant 0 : i32
      %dma_start3A_666 = tpu.memref_slice %arg17[%arg1, %dma_start3A_665] : memref<16x10240xf32, #tpu.memory_space<vmem_shared>> -> memref<1x10240xf32, #tpu.memory_space<vmem_shared>>
      %dma_start3A_667 = tpu.memref_squeeze %dma_start3A_666 : memref<1x10240xf32, #tpu.memory_space<vmem_shared>> -> memref<10240xf32, #tpu.memory_space<vmem_shared>>
      %dma_start3A_668 = arith.constant 0 : i32
      %dma_start3A_669 = tpu.memref_slice %arg17[%arg1, %dma_start3A_668] : memref<16x10240xf32, #tpu.memory_space<vmem_shared>> -> memref<1x10240xf32, #tpu.memory_space<vmem_shared>>
      %dma_start3A_670 = tpu.memref_squeeze %dma_start3A_669 : memref<1x10240xf32, #tpu.memory_space<vmem_shared>> -> memref<10240xf32, #tpu.memory_space<vmem_shared>>
      tpu.enqueue_dma source(%arg10 : memref<10240xf32, #tpu.memory_space<vmem>>) target(%dma_start3A_670 : memref<10240xf32, #tpu.memory_space<vmem_shared>>) target_semaphore(%run_scoped3A_664 : memref<!tpu.dma_semaphore, #tpu.memory_space<semaphore_mem>>)
      %dma_wait3A_671 = arith.constant 0 : i32
      %dma_wait3A_672 = tpu.memref_slice %arg17[%arg1, %dma_wait3A_671] : memref<16x10240xf32, #tpu.memory_space<vmem_shared>> -> memref<1x10240xf32, #tpu.memory_space<vmem_shared>>
      %dma_wait3A_673 = tpu.memref_squeeze %dma_wait3A_672 : memref<1x10240xf32, #tpu.memory_space<vmem_shared>> -> memref<10240xf32, #tpu.memory_space<vmem_shared>>
      %dma_wait3A_674 = arith.constant 0 : i32
      %dma_wait3A_675 = tpu.memref_slice %arg17[%arg1, %dma_wait3A_674] : memref<16x10240xf32, #tpu.memory_space<vmem_shared>> -> memref<1x10240xf32, #tpu.memory_space<vmem_shared>>
      %dma_wait3A_676 = tpu.memref_squeeze %dma_wait3A_675 : memref<1x10240xf32, #tpu.memory_space<vmem_shared>> -> memref<10240xf32, #tpu.memory_space<vmem_shared>>
      tpu.wait_dma2 semaphore(%run_scoped3A_664 : memref<!tpu.dma_semaphore, #tpu.memory_space<semaphore_mem>>) src(%arg10 : memref<10240xf32, #tpu.memory_space<vmem>>) dst(%dma_wait3A_676 : memref<10240xf32, #tpu.memory_space<vmem_shared>>)
      tpu.yield
    }) : () -> ()
    %barrier3A = arith.constant 0 : index
    tpu.barrier barrier_id(%barrier3A)
    %mul3A_53 = arith.constant 640 : i32
    %mul3A_54 = arith.muli %arg1, %mul3A_53 : i32
    %dma_start3A_55 = arith.constant 0 : i32
    %dma_start3A_56 = arith.constant 0 : i32
    %dma_start3A_57 = tpu.memref_slice %arg11[%dma_start3A_56] : memref<10240xf32, #tpu.memory_space<vmem>> -> memref<640xf32, #tpu.memory_space<vmem>>
    %dma_start3A_58 = arith.constant 0 : i32
    %dma_start3A_59 = tpu.memref_slice %arg17[%dma_start3A_55, %dma_start3A_58] : memref<16x10240xf32, #tpu.memory_space<vmem_shared>> -> memref<1x10240xf32, #tpu.memory_space<vmem_shared>>
    %dma_start3A_60 = tpu.memref_squeeze %dma_start3A_59 : memref<1x10240xf32, #tpu.memory_space<vmem_shared>> -> memref<10240xf32, #tpu.memory_space<vmem_shared>>
    %dma_start3A_61 = tpu.memref_slice %dma_start3A_60[%mul3A_54] : memref<10240xf32, #tpu.memory_space<vmem_shared>> -> memref<640xf32, #tpu.memory_space<vmem_shared>>
    %dma_start3A_62 = arith.constant 0 : i32
    %dma_start3A_63 = tpu.memref_slice %arg11[%dma_start3A_62] : memref<10240xf32, #tpu.memory_space<vmem>> -> memref<640xf32, #tpu.memory_space<vmem>>
    %dma_start3A_64 = arith.constant 0 : i32
    %dma_start3A_65 = tpu.memref_slice %arg17[%dma_start3A_55, %dma_start3A_64] : memref<16x10240xf32, #tpu.memory_space<vmem_shared>> -> memref<1x10240xf32, #tpu.memory_space<vmem_shared>>
    %dma_start3A_66 = tpu.memref_squeeze %dma_start3A_65 : memref<1x10240xf32, #tpu.memory_space<vmem_shared>> -> memref<10240xf32, #tpu.memory_space<vmem_shared>>
    %dma_start3A_67 = tpu.memref_slice %dma_start3A_66[%mul3A_54] : memref<10240xf32, #tpu.memory_space<vmem_shared>> -> memref<640xf32, #tpu.memory_space<vmem_shared>>
    tpu.enqueue_dma source(%dma_start3A_67 : memref<640xf32, #tpu.memory_space<vmem_shared>>) target(%dma_start3A_63 : memref<640xf32, #tpu.memory_space<vmem>>) target_semaphore(%arg21 : memref<!tpu.dma_semaphore, #tpu.memory_space<semaphore_mem>>)
    %dma_start3A_68 = arith.constant 1 : i32
    %dma_start3A_69 = arith.constant 640 : i32
    %dma_start3A_70 = tpu.memref_slice %arg11[%dma_start3A_69] : memref<10240xf32, #tpu.memory_space<vmem>> -> memref<640xf32, #tpu.memory_space<vmem>>
    %dma_start3A_71 = arith.constant 0 : i32
    %dma_start3A_72 = tpu.memref_slice %arg17[%dma_start3A_68, %dma_start3A_71] : memref<16x10240xf32, #tpu.memory_space<vmem_shared>> -> memref<1x10240xf32, #tpu.memory_space<vmem_shared>>
    %dma_start3A_73 = tpu.memref_squeeze %dma_start3A_72 : memref<1x10240xf32, #tpu.memory_space<vmem_shared>> -> memref<10240xf32, #tpu.memory_space<vmem_shared>>
    %dma_start3A_74 = tpu.memref_slice %dma_start3A_73[%mul3A_54] : memref<10240xf32, #tpu.memory_space<vmem_shared>> -> memref<640xf32, #tpu.memory_space<vmem_shared>>
    %dma_start3A_75 = arith.constant 640 : i32
    %dma_start3A_76 = tpu.memref_slice %arg11[%dma_start3A_75] : memref<10240xf32, #tpu.memory_space<vmem>> -> memref<640xf32, #tpu.memory_space<vmem>>
    %dma_start3A_77 = arith.constant 0 : i32
    %dma_start3A_78 = tpu.memref_slice %arg17[%dma_start3A_68, %dma_start3A_77] : memref<16x10240xf32, #tpu.memory_space<vmem_shared>> -> memref<1x10240xf32, #tpu.memory_space<vmem_shared>>
    %dma_start3A_79 = tpu.memref_squeeze %dma_start3A_78 : memref<1x10240xf32, #tpu.memory_space<vmem_shared>> -> memref<10240xf32, #tpu.memory_space<vmem_shared>>
    %dma_start3A_80 = tpu.memref_slice %dma_start3A_79[%mul3A_54] : memref<10240xf32, #tpu.memory_space<vmem_shared>> -> memref<640xf32, #tpu.memory_space<vmem_shared>>
    tpu.enqueue_dma source(%dma_start3A_80 : memref<640xf32, #tpu.memory_space<vmem_shared>>) target(%dma_start3A_76 : memref<640xf32, #tpu.memory_space<vmem>>) target_semaphore(%arg22 : memref<!tpu.dma_semaphore, #tpu.memory_space<semaphore_mem>>)
    %dma_start3A_81 = arith.constant 2 : i32
    %dma_start3A_82 = arith.constant 1280 : i32
    %dma_start3A_83 = tpu.memref_slice %arg11[%dma_start3A_82] : memref<10240xf32, #tpu.memory_space<vmem>> -> memref<640xf32, #tpu.memory_space<vmem>>
    %dma_start3A_84 = arith.constant 0 : i32
    %dma_start3A_85 = tpu.memref_slice %arg17[%dma_start3A_81, %dma_start3A_84] : memref<16x10240xf32, #tpu.memory_space<vmem_shared>> -> memref<1x10240xf32, #tpu.memory_space<vmem_shared>>
    %dma_start3A_86 = tpu.memref_squeeze %dma_start3A_85 : memref<1x10240xf32, #tpu.memory_space<vmem_shared>> -> memref<10240xf32, #tpu.memory_space<vmem_shared>>
    %dma_start3A_87 = tpu.memref_slice %dma_start3A_86[%mul3A_54] : memref<10240xf32, #tpu.memory_space<vmem_shared>> -> memref<640xf32, #tpu.memory_space<vmem_shared>>
    %dma_start3A_88 = arith.constant 1280 : i32
    %dma_start3A_89 = tpu.memref_slice %arg11[%dma_start3A_88] : memref<10240xf32, #tpu.memory_space<vmem>> -> memref<640xf32, #tpu.memory_space<vmem>>
    %dma_start3A_90 = arith.constant 0 : i32
    %dma_start3A_91 = tpu.memref_slice %arg17[%dma_start3A_81, %dma_start3A_90] : memref<16x10240xf32, #tpu.memory_space<vmem_shared>> -> memref<1x10240xf32, #tpu.memory_space<vmem_shared>>
    %dma_start3A_92 = tpu.memref_squeeze %dma_start3A_91 : memref<1x10240xf32, #tpu.memory_space<vmem_shared>> -> memref<10240xf32, #tpu.memory_space<vmem_shared>>
    %dma_start3A_93 = tpu.memref_slice %dma_start3A_92[%mul3A_54] : memref<10240xf32, #tpu.memory_space<vmem_shared>> -> memref<640xf32, #tpu.memory_space<vmem_shared>>
    tpu.enqueue_dma source(%dma_start3A_93 : memref<640xf32, #tpu.memory_space<vmem_shared>>) target(%dma_start3A_89 : memref<640xf32, #tpu.memory_space<vmem>>) target_semaphore(%arg23 : memref<!tpu.dma_semaphore, #tpu.memory_space<semaphore_mem>>)
    %dma_start3A_94 = arith.constant 3 : i32
    %dma_start3A_95 = arith.constant 1920 : i32
    %dma_start3A_96 = tpu.memref_slice %arg11[%dma_start3A_95] : memref<10240xf32, #tpu.memory_space<vmem>> -> memref<640xf32, #tpu.memory_space<vmem>>
    %dma_start3A_97 = arith.constant 0 : i32
    %dma_start3A_98 = tpu.memref_slice %arg17[%dma_start3A_94, %dma_start3A_97] : memref<16x10240xf32, #tpu.memory_space<vmem_shared>> -> memref<1x10240xf32, #tpu.memory_space<vmem_shared>>
    %dma_start3A_99 = tpu.memref_squeeze %dma_start3A_98 : memref<1x10240xf32, #tpu.memory_space<vmem_shared>> -> memref<10240xf32, #tpu.memory_space<vmem_shared>>
    %dma_start3A_100 = tpu.memref_slice %dma_start3A_99[%mul3A_54] : memref<10240xf32, #tpu.memory_space<vmem_shared>> -> memref<640xf32, #tpu.memory_space<vmem_shared>>
    %dma_start3A_101 = arith.constant 1920 : i32
    %dma_start3A_102 = tpu.memref_slice %arg11[%dma_start3A_101] : memref<10240xf32, #tpu.memory_space<vmem>> -> memref<640xf32, #tpu.memory_space<vmem>>
    %dma_start3A_103 = arith.constant 0 : i32
    %dma_start3A_104 = tpu.memref_slice %arg17[%dma_start3A_94, %dma_start3A_103] : memref<16x10240xf32, #tpu.memory_space<vmem_shared>> -> memref<1x10240xf32, #tpu.memory_space<vmem_shared>>
    %dma_start3A_105 = tpu.memref_squeeze %dma_start3A_104 : memref<1x10240xf32, #tpu.memory_space<vmem_shared>> -> memref<10240xf32, #tpu.memory_space<vmem_shared>>
    %dma_start3A_106 = tpu.memref_slice %dma_start3A_105[%mul3A_54] : memref<10240xf32, #tpu.memory_space<vmem_shared>> -> memref<640xf32, #tpu.memory_space<vmem_shared>>
    tpu.enqueue_dma source(%dma_start3A_106 : memref<640xf32, #tpu.memory_space<vmem_shared>>) target(%dma_start3A_102 : memref<640xf32, #tpu.memory_space<vmem>>) target_semaphore(%arg24 : memref<!tpu.dma_semaphore, #tpu.memory_space<semaphore_mem>>)
    %dma_wait3A_107 = arith.constant 0 : i32
    %dma_wait3A_108 = arith.constant 0 : i32
    %dma_wait3A_109 = tpu.memref_slice %arg11[%dma_wait3A_108] : memref<10240xf32, #tpu.memory_space<vmem>> -> memref<640xf32, #tpu.memory_space<vmem>>
    %dma_wait3A_110 = arith.constant 0 : i32
    %dma_wait3A_111 = tpu.memref_slice %arg17[%dma_wait3A_107, %dma_wait3A_110] : memref<16x10240xf32, #tpu.memory_space<vmem_shared>> -> memref<1x10240xf32, #tpu.memory_space<vmem_shared>>
    %dma_wait3A_112 = tpu.memref_squeeze %dma_wait3A_111 : memref<1x10240xf32, #tpu.memory_space<vmem_shared>> -> memref<10240xf32, #tpu.memory_space<vmem_shared>>
    %dma_wait3A_113 = tpu.memref_slice %dma_wait3A_112[%mul3A_54] : memref<10240xf32, #tpu.memory_space<vmem_shared>> -> memref<640xf32, #tpu.memory_space<vmem_shared>>
    %dma_wait3A_114 = arith.constant 0 : i32
    %dma_wait3A_115 = tpu.memref_slice %arg11[%dma_wait3A_114] : memref<10240xf32, #tpu.memory_space<vmem>> -> memref<640xf32, #tpu.memory_space<vmem>>
    %dma_wait3A_116 = arith.constant 0 : i32
    %dma_wait3A_117 = tpu.memref_slice %arg17[%dma_wait3A_107, %dma_wait3A_116] : memref<16x10240xf32, #tpu.memory_space<vmem_shared>> -> memref<1x10240xf32, #tpu.memory_space<vmem_shared>>
    %dma_wait3A_118 = tpu.memref_squeeze %dma_wait3A_117 : memref<1x10240xf32, #tpu.memory_space<vmem_shared>> -> memref<10240xf32, #tpu.memory_space<vmem_shared>>
    %dma_wait3A_119 = tpu.memref_slice %dma_wait3A_118[%mul3A_54] : memref<10240xf32, #tpu.memory_space<vmem_shared>> -> memref<640xf32, #tpu.memory_space<vmem_shared>>
    tpu.wait_dma2 semaphore(%arg21 : memref<!tpu.dma_semaphore, #tpu.memory_space<semaphore_mem>>) src(%dma_wait3A_119 : memref<640xf32, #tpu.memory_space<vmem_shared>>) dst(%dma_wait3A_115 : memref<640xf32, #tpu.memory_space<vmem>>)
    %dma_wait3A_120 = arith.constant 1 : i32
    %dma_wait3A_121 = arith.constant 640 : i32
    %dma_wait3A_122 = tpu.memref_slice %arg11[%dma_wait3A_121] : memref<10240xf32, #tpu.memory_space<vmem>> -> memref<640xf32, #tpu.memory_space<vmem>>
    %dma_wait3A_123 = arith.constant 0 : i32
    %dma_wait3A_124 = tpu.memref_slice %arg17[%dma_wait3A_120, %dma_wait3A_123] : memref<16x10240xf32, #tpu.memory_space<vmem_shared>> -> memref<1x10240xf32, #tpu.memory_space<vmem_shared>>
    %dma_wait3A_125 = tpu.memref_squeeze %dma_wait3A_124 : memref<1x10240xf32, #tpu.memory_space<vmem_shared>> -> memref<10240xf32, #tpu.memory_space<vmem_shared>>
    %dma_wait3A_126 = tpu.memref_slice %dma_wait3A_125[%mul3A_54] : memref<10240xf32, #tpu.memory_space<vmem_shared>> -> memref<640xf32, #tpu.memory_space<vmem_shared>>
    %dma_wait3A_127 = arith.constant 640 : i32
    %dma_wait3A_128 = tpu.memref_slice %arg11[%dma_wait3A_127] : memref<10240xf32, #tpu.memory_space<vmem>> -> memref<640xf32, #tpu.memory_space<vmem>>
    %dma_wait3A_129 = arith.constant 0 : i32
    %dma_wait3A_130 = tpu.memref_slice %arg17[%dma_wait3A_120, %dma_wait3A_129] : memref<16x10240xf32, #tpu.memory_space<vmem_shared>> -> memref<1x10240xf32, #tpu.memory_space<vmem_shared>>
    %dma_wait3A_131 = tpu.memref_squeeze %dma_wait3A_130 : memref<1x10240xf32, #tpu.memory_space<vmem_shared>> -> memref<10240xf32, #tpu.memory_space<vmem_shared>>
    %dma_wait3A_132 = tpu.memref_slice %dma_wait3A_131[%mul3A_54] : memref<10240xf32, #tpu.memory_space<vmem_shared>> -> memref<640xf32, #tpu.memory_space<vmem_shared>>
    tpu.wait_dma2 semaphore(%arg22 : memref<!tpu.dma_semaphore, #tpu.memory_space<semaphore_mem>>) src(%dma_wait3A_132 : memref<640xf32, #tpu.memory_space<vmem_shared>>) dst(%dma_wait3A_128 : memref<640xf32, #tpu.memory_space<vmem>>)
    %dma_wait3A_133 = arith.constant 2 : i32
    %dma_wait3A_134 = arith.constant 1280 : i32
    %dma_wait3A_135 = tpu.memref_slice %arg11[%dma_wait3A_134] : memref<10240xf32, #tpu.memory_space<vmem>> -> memref<640xf32, #tpu.memory_space<vmem>>
    %dma_wait3A_136 = arith.constant 0 : i32
    %dma_wait3A_137 = tpu.memref_slice %arg17[%dma_wait3A_133, %dma_wait3A_136] : memref<16x10240xf32, #tpu.memory_space<vmem_shared>> -> memref<1x10240xf32, #tpu.memory_space<vmem_shared>>
    %dma_wait3A_138 = tpu.memref_squeeze %dma_wait3A_137 : memref<1x10240xf32, #tpu.memory_space<vmem_shared>> -> memref<10240xf32, #tpu.memory_space<vmem_shared>>
    %dma_wait3A_139 = tpu.memref_slice %dma_wait3A_138[%mul3A_54] : memref<10240xf32, #tpu.memory_space<vmem_shared>> -> memref<640xf32, #tpu.memory_space<vmem_shared>>
    %dma_wait3A_140 = arith.constant 1280 : i32
    %dma_wait3A_141 = tpu.memref_slice %arg11[%dma_wait3A_140] : memref<10240xf32, #tpu.memory_space<vmem>> -> memref<640xf32, #tpu.memory_space<vmem>>
    %dma_wait3A_142 = arith.constant 0 : i32
    %dma_wait3A_143 = tpu.memref_slice %arg17[%dma_wait3A_133, %dma_wait3A_142] : memref<16x10240xf32, #tpu.memory_space<vmem_shared>> -> memref<1x10240xf32, #tpu.memory_space<vmem_shared>>
    %dma_wait3A_144 = tpu.memref_squeeze %dma_wait3A_143 : memref<1x10240xf32, #tpu.memory_space<vmem_shared>> -> memref<10240xf32, #tpu.memory_space<vmem_shared>>
    %dma_wait3A_145 = tpu.memref_slice %dma_wait3A_144[%mul3A_54] : memref<10240xf32, #tpu.memory_space<vmem_shared>> -> memref<640xf32, #tpu.memory_space<vmem_shared>>
    tpu.wait_dma2 semaphore(%arg23 : memref<!tpu.dma_semaphore, #tpu.memory_space<semaphore_mem>>) src(%dma_wait3A_145 : memref<640xf32, #tpu.memory_space<vmem_shared>>) dst(%dma_wait3A_141 : memref<640xf32, #tpu.memory_space<vmem>>)
    %dma_wait3A_146 = arith.constant 3 : i32
    %dma_wait3A_147 = arith.constant 1920 : i32
    %dma_wait3A_148 = tpu.memref_slice %arg11[%dma_wait3A_147] : memref<10240xf32, #tpu.memory_space<vmem>> -> memref<640xf32, #tpu.memory_space<vmem>>
    %dma_wait3A_149 = arith.constant 0 : i32
    %dma_wait3A_150 = tpu.memref_slice %arg17[%dma_wait3A_146, %dma_wait3A_149] : memref<16x10240xf32, #tpu.memory_space<vmem_shared>> -> memref<1x10240xf32, #tpu.memory_space<vmem_shared>>
    %dma_wait3A_151 = tpu.memref_squeeze %dma_wait3A_150 : memref<1x10240xf32, #tpu.memory_space<vmem_shared>> -> memref<10240xf32, #tpu.memory_space<vmem_shared>>
    %dma_wait3A_152 = tpu.memref_slice %dma_wait3A_151[%mul3A_54] : memref<10240xf32, #tpu.memory_space<vmem_shared>> -> memref<640xf32, #tpu.memory_space<vmem_shared>>
    %dma_wait3A_153 = arith.constant 1920 : i32
    %dma_wait3A_154 = tpu.memref_slice %arg11[%dma_wait3A_153] : memref<10240xf32, #tpu.memory_space<vmem>> -> memref<640xf32, #tpu.memory_space<vmem>>
    %dma_wait3A_155 = arith.constant 0 : i32
    %dma_wait3A_156 = tpu.memref_slice %arg17[%dma_wait3A_146, %dma_wait3A_155] : memref<16x10240xf32, #tpu.memory_space<vmem_shared>> -> memref<1x10240xf32, #tpu.memory_space<vmem_shared>>
    %dma_wait3A_157 = tpu.memref_squeeze %dma_wait3A_156 : memref<1x10240xf32, #tpu.memory_space<vmem_shared>> -> memref<10240xf32, #tpu.memory_space<vmem_shared>>
    %dma_wait3A_158 = tpu.memref_slice %dma_wait3A_157[%mul3A_54] : memref<10240xf32, #tpu.memory_space<vmem_shared>> -> memref<640xf32, #tpu.memory_space<vmem_shared>>
    tpu.wait_dma2 semaphore(%arg24 : memref<!tpu.dma_semaphore, #tpu.memory_space<semaphore_mem>>) src(%dma_wait3A_158 : memref<640xf32, #tpu.memory_space<vmem_shared>>) dst(%dma_wait3A_154 : memref<640xf32, #tpu.memory_space<vmem>>)
    %dma_start3A_159 = arith.constant 4 : i32
    %dma_start3A_160 = arith.constant 2560 : i32
    %dma_start3A_161 = tpu.memref_slice %arg11[%dma_start3A_160] : memref<10240xf32, #tpu.memory_space<vmem>> -> memref<640xf32, #tpu.memory_space<vmem>>
    %dma_start3A_162 = arith.constant 0 : i32
    %dma_start3A_163 = tpu.memref_slice %arg17[%dma_start3A_159, %dma_start3A_162] : memref<16x10240xf32, #tpu.memory_space<vmem_shared>> -> memref<1x10240xf32, #tpu.memory_space<vmem_shared>>
    %dma_start3A_164 = tpu.memref_squeeze %dma_start3A_163 : memref<1x10240xf32, #tpu.memory_space<vmem_shared>> -> memref<10240xf32, #tpu.memory_space<vmem_shared>>
    %dma_start3A_165 = tpu.memref_slice %dma_start3A_164[%mul3A_54] : memref<10240xf32, #tpu.memory_space<vmem_shared>> -> memref<640xf32, #tpu.memory_space<vmem_shared>>
    %dma_start3A_166 = arith.constant 2560 : i32
    %dma_start3A_167 = tpu.memref_slice %arg11[%dma_start3A_166] : memref<10240xf32, #tpu.memory_space<vmem>> -> memref<640xf32, #tpu.memory_space<vmem>>
    %dma_start3A_168 = arith.constant 0 : i32
    %dma_start3A_169 = tpu.memref_slice %arg17[%dma_start3A_159, %dma_start3A_168] : memref<16x10240xf32, #tpu.memory_space<vmem_shared>> -> memref<1x10240xf32, #tpu.memory_space<vmem_shared>>
    %dma_start3A_170 = tpu.memref_squeeze %dma_start3A_169 : memref<1x10240xf32, #tpu.memory_space<vmem_shared>> -> memref<10240xf32, #tpu.memory_space<vmem_shared>>
    %dma_start3A_171 = tpu.memref_slice %dma_start3A_170[%mul3A_54] : memref<10240xf32, #tpu.memory_space<vmem_shared>> -> memref<640xf32, #tpu.memory_space<vmem_shared>>
    tpu.enqueue_dma source(%dma_start3A_171 : memref<640xf32, #tpu.memory_space<vmem_shared>>) target(%dma_start3A_167 : memref<640xf32, #tpu.memory_space<vmem>>) target_semaphore(%arg21 : memref<!tpu.dma_semaphore, #tpu.memory_space<semaphore_mem>>)
    %dma_start3A_172 = arith.constant 5 : i32
    %dma_start3A_173 = arith.constant 3200 : i32
    %dma_start3A_174 = tpu.memref_slice %arg11[%dma_start3A_173] : memref<10240xf32, #tpu.memory_space<vmem>> -> memref<640xf32, #tpu.memory_space<vmem>>
    %dma_start3A_175 = arith.constant 0 : i32
    %dma_start3A_176 = tpu.memref_slice %arg17[%dma_start3A_172, %dma_start3A_175] : memref<16x10240xf32, #tpu.memory_space<vmem_shared>> -> memref<1x10240xf32, #tpu.memory_space<vmem_shared>>
    %dma_start3A_177 = tpu.memref_squeeze %dma_start3A_176 : memref<1x10240xf32, #tpu.memory_space<vmem_shared>> -> memref<10240xf32, #tpu.memory_space<vmem_shared>>
    %dma_start3A_178 = tpu.memref_slice %dma_start3A_177[%mul3A_54] : memref<10240xf32, #tpu.memory_space<vmem_shared>> -> memref<640xf32, #tpu.memory_space<vmem_shared>>
    %dma_start3A_179 = arith.constant 3200 : i32
    %dma_start3A_180 = tpu.memref_slice %arg11[%dma_start3A_179] : memref<10240xf32, #tpu.memory_space<vmem>> -> memref<640xf32, #tpu.memory_space<vmem>>
    %dma_start3A_181 = arith.constant 0 : i32
    %dma_start3A_182 = tpu.memref_slice %arg17[%dma_start3A_172, %dma_start3A_181] : memref<16x10240xf32, #tpu.memory_space<vmem_shared>> -> memref<1x10240xf32, #tpu.memory_space<vmem_shared>>
    %dma_start3A_183 = tpu.memref_squeeze %dma_start3A_182 : memref<1x10240xf32, #tpu.memory_space<vmem_shared>> -> memref<10240xf32, #tpu.memory_space<vmem_shared>>
    %dma_start3A_184 = tpu.memref_slice %dma_start3A_183[%mul3A_54] : memref<10240xf32, #tpu.memory_space<vmem_shared>> -> memref<640xf32, #tpu.memory_space<vmem_shared>>
    tpu.enqueue_dma source(%dma_start3A_184 : memref<640xf32, #tpu.memory_space<vmem_shared>>) target(%dma_start3A_180 : memref<640xf32, #tpu.memory_space<vmem>>) target_semaphore(%arg22 : memref<!tpu.dma_semaphore, #tpu.memory_space<semaphore_mem>>)
    %dma_start3A_185 = arith.constant 6 : i32
    %dma_start3A_186 = arith.constant 3840 : i32
    %dma_start3A_187 = tpu.memref_slice %arg11[%dma_start3A_186] : memref<10240xf32, #tpu.memory_space<vmem>> -> memref<640xf32, #tpu.memory_space<vmem>>
    %dma_start3A_188 = arith.constant 0 : i32
    %dma_start3A_189 = tpu.memref_slice %arg17[%dma_start3A_185, %dma_start3A_188] : memref<16x10240xf32, #tpu.memory_space<vmem_shared>> -> memref<1x10240xf32, #tpu.memory_space<vmem_shared>>
    %dma_start3A_190 = tpu.memref_squeeze %dma_start3A_189 : memref<1x10240xf32, #tpu.memory_space<vmem_shared>> -> memref<10240xf32, #tpu.memory_space<vmem_shared>>
    %dma_start3A_191 = tpu.memref_slice %dma_start3A_190[%mul3A_54] : memref<10240xf32, #tpu.memory_space<vmem_shared>> -> memref<640xf32, #tpu.memory_space<vmem_shared>>
    %dma_start3A_192 = arith.constant 3840 : i32
    %dma_start3A_193 = tpu.memref_slice %arg11[%dma_start3A_192] : memref<10240xf32, #tpu.memory_space<vmem>> -> memref<640xf32, #tpu.memory_space<vmem>>
    %dma_start3A_194 = arith.constant 0 : i32
    %dma_start3A_195 = tpu.memref_slice %arg17[%dma_start3A_185, %dma_start3A_194] : memref<16x10240xf32, #tpu.memory_space<vmem_shared>> -> memref<1x10240xf32, #tpu.memory_space<vmem_shared>>
    %dma_start3A_196 = tpu.memref_squeeze %dma_start3A_195 : memref<1x10240xf32, #tpu.memory_space<vmem_shared>> -> memref<10240xf32, #tpu.memory_space<vmem_shared>>
    %dma_start3A_197 = tpu.memref_slice %dma_start3A_196[%mul3A_54] : memref<10240xf32, #tpu.memory_space<vmem_shared>> -> memref<640xf32, #tpu.memory_space<vmem_shared>>
    tpu.enqueue_dma source(%dma_start3A_197 : memref<640xf32, #tpu.memory_space<vmem_shared>>) target(%dma_start3A_193 : memref<640xf32, #tpu.memory_space<vmem>>) target_semaphore(%arg23 : memref<!tpu.dma_semaphore, #tpu.memory_space<semaphore_mem>>)
    %dma_start3A_198 = arith.constant 7 : i32
    %dma_start3A_199 = arith.constant 4480 : i32
    %dma_start3A_200 = tpu.memref_slice %arg11[%dma_start3A_199] : memref<10240xf32, #tpu.memory_space<vmem>> -> memref<640xf32, #tpu.memory_space<vmem>>
    %dma_start3A_201 = arith.constant 0 : i32
    %dma_start3A_202 = tpu.memref_slice %arg17[%dma_start3A_198, %dma_start3A_201] : memref<16x10240xf32, #tpu.memory_space<vmem_shared>> -> memref<1x10240xf32, #tpu.memory_space<vmem_shared>>
    %dma_start3A_203 = tpu.memref_squeeze %dma_start3A_202 : memref<1x10240xf32, #tpu.memory_space<vmem_shared>> -> memref<10240xf32, #tpu.memory_space<vmem_shared>>
    %dma_start3A_204 = tpu.memref_slice %dma_start3A_203[%mul3A_54] : memref<10240xf32, #tpu.memory_space<vmem_shared>> -> memref<640xf32, #tpu.memory_space<vmem_shared>>
    %dma_start3A_205 = arith.constant 4480 : i32
    %dma_start3A_206 = tpu.memref_slice %arg11[%dma_start3A_205] : memref<10240xf32, #tpu.memory_space<vmem>> -> memref<640xf32, #tpu.memory_space<vmem>>
    %dma_start3A_207 = arith.constant 0 : i32
    %dma_start3A_208 = tpu.memref_slice %arg17[%dma_start3A_198, %dma_start3A_207] : memref<16x10240xf32, #tpu.memory_space<vmem_shared>> -> memref<1x10240xf32, #tpu.memory_space<vmem_shared>>
    %dma_start3A_209 = tpu.memref_squeeze %dma_start3A_208 : memref<1x10240xf32, #tpu.memory_space<vmem_shared>> -> memref<10240xf32, #tpu.memory_space<vmem_shared>>
    %dma_start3A_210 = tpu.memref_slice %dma_start3A_209[%mul3A_54] : memref<10240xf32, #tpu.memory_space<vmem_shared>> -> memref<640xf32, #tpu.memory_space<vmem_shared>>
    tpu.enqueue_dma source(%dma_start3A_210 : memref<640xf32, #tpu.memory_space<vmem_shared>>) target(%dma_start3A_206 : memref<640xf32, #tpu.memory_space<vmem>>) target_semaphore(%arg24 : memref<!tpu.dma_semaphore, #tpu.memory_space<semaphore_mem>>)
    %dma_wait3A_211 = arith.constant 4 : i32
    %dma_wait3A_212 = arith.constant 2560 : i32
    %dma_wait3A_213 = tpu.memref_slice %arg11[%dma_wait3A_212] : memref<10240xf32, #tpu.memory_space<vmem>> -> memref<640xf32, #tpu.memory_space<vmem>>
    %dma_wait3A_214 = arith.constant 0 : i32
    %dma_wait3A_215 = tpu.memref_slice %arg17[%dma_wait3A_211, %dma_wait3A_214] : memref<16x10240xf32, #tpu.memory_space<vmem_shared>> -> memref<1x10240xf32, #tpu.memory_space<vmem_shared>>
    %dma_wait3A_216 = tpu.memref_squeeze %dma_wait3A_215 : memref<1x10240xf32, #tpu.memory_space<vmem_shared>> -> memref<10240xf32, #tpu.memory_space<vmem_shared>>
    %dma_wait3A_217 = tpu.memref_slice %dma_wait3A_216[%mul3A_54] : memref<10240xf32, #tpu.memory_space<vmem_shared>> -> memref<640xf32, #tpu.memory_space<vmem_shared>>
    %dma_wait3A_218 = arith.constant 2560 : i32
    %dma_wait3A_219 = tpu.memref_slice %arg11[%dma_wait3A_218] : memref<10240xf32, #tpu.memory_space<vmem>> -> memref<640xf32, #tpu.memory_space<vmem>>
    %dma_wait3A_220 = arith.constant 0 : i32
    %dma_wait3A_221 = tpu.memref_slice %arg17[%dma_wait3A_211, %dma_wait3A_220] : memref<16x10240xf32, #tpu.memory_space<vmem_shared>> -> memref<1x10240xf32, #tpu.memory_space<vmem_shared>>
    %dma_wait3A_222 = tpu.memref_squeeze %dma_wait3A_221 : memref<1x10240xf32, #tpu.memory_space<vmem_shared>> -> memref<10240xf32, #tpu.memory_space<vmem_shared>>
    %dma_wait3A_223 = tpu.memref_slice %dma_wait3A_222[%mul3A_54] : memref<10240xf32, #tpu.memory_space<vmem_shared>> -> memref<640xf32, #tpu.memory_space<vmem_shared>>
    tpu.wait_dma2 semaphore(%arg21 : memref<!tpu.dma_semaphore, #tpu.memory_space<semaphore_mem>>) src(%dma_wait3A_223 : memref<640xf32, #tpu.memory_space<vmem_shared>>) dst(%dma_wait3A_219 : memref<640xf32, #tpu.memory_space<vmem>>)
    %dma_wait3A_224 = arith.constant 5 : i32
    %dma_wait3A_225 = arith.constant 3200 : i32
    %dma_wait3A_226 = tpu.memref_slice %arg11[%dma_wait3A_225] : memref<10240xf32, #tpu.memory_space<vmem>> -> memref<640xf32, #tpu.memory_space<vmem>>
    %dma_wait3A_227 = arith.constant 0 : i32
    %dma_wait3A_228 = tpu.memref_slice %arg17[%dma_wait3A_224, %dma_wait3A_227] : memref<16x10240xf32, #tpu.memory_space<vmem_shared>> -> memref<1x10240xf32, #tpu.memory_space<vmem_shared>>
    %dma_wait3A_229 = tpu.memref_squeeze %dma_wait3A_228 : memref<1x10240xf32, #tpu.memory_space<vmem_shared>> -> memref<10240xf32, #tpu.memory_space<vmem_shared>>
    %dma_wait3A_230 = tpu.memref_slice %dma_wait3A_229[%mul3A_54] : memref<10240xf32, #tpu.memory_space<vmem_shared>> -> memref<640xf32, #tpu.memory_space<vmem_shared>>
    %dma_wait3A_231 = arith.constant 3200 : i32
    %dma_wait3A_232 = tpu.memref_slice %arg11[%dma_wait3A_231] : memref<10240xf32, #tpu.memory_space<vmem>> -> memref<640xf32, #tpu.memory_space<vmem>>
    %dma_wait3A_233 = arith.constant 0 : i32
    %dma_wait3A_234 = tpu.memref_slice %arg17[%dma_wait3A_224, %dma_wait3A_233] : memref<16x10240xf32, #tpu.memory_space<vmem_shared>> -> memref<1x10240xf32, #tpu.memory_space<vmem_shared>>
    %dma_wait3A_235 = tpu.memref_squeeze %dma_wait3A_234 : memref<1x10240xf32, #tpu.memory_space<vmem_shared>> -> memref<10240xf32, #tpu.memory_space<vmem_shared>>
    %dma_wait3A_236 = tpu.memref_slice %dma_wait3A_235[%mul3A_54] : memref<10240xf32, #tpu.memory_space<vmem_shared>> -> memref<640xf32, #tpu.memory_space<vmem_shared>>
    tpu.wait_dma2 semaphore(%arg22 : memref<!tpu.dma_semaphore, #tpu.memory_space<semaphore_mem>>) src(%dma_wait3A_236 : memref<640xf32, #tpu.memory_space<vmem_shared>>) dst(%dma_wait3A_232 : memref<640xf32, #tpu.memory_space<vmem>>)
    %dma_wait3A_237 = arith.constant 6 : i32
    %dma_wait3A_238 = arith.constant 3840 : i32
    %dma_wait3A_239 = tpu.memref_slice %arg11[%dma_wait3A_238] : memref<10240xf32, #tpu.memory_space<vmem>> -> memref<640xf32, #tpu.memory_space<vmem>>
    %dma_wait3A_240 = arith.constant 0 : i32
    %dma_wait3A_241 = tpu.memref_slice %arg17[%dma_wait3A_237, %dma_wait3A_240] : memref<16x10240xf32, #tpu.memory_space<vmem_shared>> -> memref<1x10240xf32, #tpu.memory_space<vmem_shared>>
    %dma_wait3A_242 = tpu.memref_squeeze %dma_wait3A_241 : memref<1x10240xf32, #tpu.memory_space<vmem_shared>> -> memref<10240xf32, #tpu.memory_space<vmem_shared>>
    %dma_wait3A_243 = tpu.memref_slice %dma_wait3A_242[%mul3A_54] : memref<10240xf32, #tpu.memory_space<vmem_shared>> -> memref<640xf32, #tpu.memory_space<vmem_shared>>
    %dma_wait3A_244 = arith.constant 3840 : i32
    %dma_wait3A_245 = tpu.memref_slice %arg11[%dma_wait3A_244] : memref<10240xf32, #tpu.memory_space<vmem>> -> memref<640xf32, #tpu.memory_space<vmem>>
    %dma_wait3A_246 = arith.constant 0 : i32
    %dma_wait3A_247 = tpu.memref_slice %arg17[%dma_wait3A_237, %dma_wait3A_246] : memref<16x10240xf32, #tpu.memory_space<vmem_shared>> -> memref<1x10240xf32, #tpu.memory_space<vmem_shared>>
    %dma_wait3A_248 = tpu.memref_squeeze %dma_wait3A_247 : memref<1x10240xf32, #tpu.memory_space<vmem_shared>> -> memref<10240xf32, #tpu.memory_space<vmem_shared>>
    %dma_wait3A_249 = tpu.memref_slice %dma_wait3A_248[%mul3A_54] : memref<10240xf32, #tpu.memory_space<vmem_shared>> -> memref<640xf32, #tpu.memory_space<vmem_shared>>
    tpu.wait_dma2 semaphore(%arg23 : memref<!tpu.dma_semaphore, #tpu.memory_space<semaphore_mem>>) src(%dma_wait3A_249 : memref<640xf32, #tpu.memory_space<vmem_shared>>) dst(%dma_wait3A_245 : memref<640xf32, #tpu.memory_space<vmem>>)
    %dma_wait3A_250 = arith.constant 7 : i32
    %dma_wait3A_251 = arith.constant 4480 : i32
    %dma_wait3A_252 = tpu.memref_slice %arg11[%dma_wait3A_251] : memref<10240xf32, #tpu.memory_space<vmem>> -> memref<640xf32, #tpu.memory_space<vmem>>
    %dma_wait3A_253 = arith.constant 0 : i32
    %dma_wait3A_254 = tpu.memref_slice %arg17[%dma_wait3A_250, %dma_wait3A_253] : memref<16x10240xf32, #tpu.memory_space<vmem_shared>> -> memref<1x10240xf32, #tpu.memory_space<vmem_shared>>
    %dma_wait3A_255 = tpu.memref_squeeze %dma_wait3A_254 : memref<1x10240xf32, #tpu.memory_space<vmem_shared>> -> memref<10240xf32, #tpu.memory_space<vmem_shared>>
    %dma_wait3A_256 = tpu.memref_slice %dma_wait3A_255[%mul3A_54] : memref<10240xf32, #tpu.memory_space<vmem_shared>> -> memref<640xf32, #tpu.memory_space<vmem_shared>>
    %dma_wait3A_257 = arith.constant 4480 : i32
    %dma_wait3A_258 = tpu.memref_slice %arg11[%dma_wait3A_257] : memref<10240xf32, #tpu.memory_space<vmem>> -> memref<640xf32, #tpu.memory_space<vmem>>
    %dma_wait3A_259 = arith.constant 0 : i32
    %dma_wait3A_260 = tpu.memref_slice %arg17[%dma_wait3A_250, %dma_wait3A_259] : memref<16x10240xf32, #tpu.memory_space<vmem_shared>> -> memref<1x10240xf32, #tpu.memory_space<vmem_shared>>
    %dma_wait3A_261 = tpu.memref_squeeze %dma_wait3A_260 : memref<1x10240xf32, #tpu.memory_space<vmem_shared>> -> memref<10240xf32, #tpu.memory_space<vmem_shared>>
    %dma_wait3A_262 = tpu.memref_slice %dma_wait3A_261[%mul3A_54] : memref<10240xf32, #tpu.memory_space<vmem_shared>> -> memref<640xf32, #tpu.memory_space<vmem_shared>>
    tpu.wait_dma2 semaphore(%arg24 : memref<!tpu.dma_semaphore, #tpu.memory_space<semaphore_mem>>) src(%dma_wait3A_262 : memref<640xf32, #tpu.memory_space<vmem_shared>>) dst(%dma_wait3A_258 : memref<640xf32, #tpu.memory_space<vmem>>)
    %dma_start3A_263 = arith.constant 8 : i32
    %dma_start3A_264 = arith.constant 5120 : i32
    %dma_start3A_265 = tpu.memref_slice %arg11[%dma_start3A_264] : memref<10240xf32, #tpu.memory_space<vmem>> -> memref<640xf32, #tpu.memory_space<vmem>>
    %dma_start3A_266 = arith.constant 0 : i32
    %dma_start3A_267 = tpu.memref_slice %arg17[%dma_start3A_263, %dma_start3A_266] : memref<16x10240xf32, #tpu.memory_space<vmem_shared>> -> memref<1x10240xf32, #tpu.memory_space<vmem_shared>>
    %dma_start3A_268 = tpu.memref_squeeze %dma_start3A_267 : memref<1x10240xf32, #tpu.memory_space<vmem_shared>> -> memref<10240xf32, #tpu.memory_space<vmem_shared>>
    %dma_start3A_269 = tpu.memref_slice %dma_start3A_268[%mul3A_54] : memref<10240xf32, #tpu.memory_space<vmem_shared>> -> memref<640xf32, #tpu.memory_space<vmem_shared>>
    %dma_start3A_270 = arith.constant 5120 : i32
    %dma_start3A_271 = tpu.memref_slice %arg11[%dma_start3A_270] : memref<10240xf32, #tpu.memory_space<vmem>> -> memref<640xf32, #tpu.memory_space<vmem>>
    %dma_start3A_272 = arith.constant 0 : i32
    %dma_start3A_273 = tpu.memref_slice %arg17[%dma_start3A_263, %dma_start3A_272] : memref<16x10240xf32, #tpu.memory_space<vmem_shared>> -> memref<1x10240xf32, #tpu.memory_space<vmem_shared>>
    %dma_start3A_274 = tpu.memref_squeeze %dma_start3A_273 : memref<1x10240xf32, #tpu.memory_space<vmem_shared>> -> memref<10240xf32, #tpu.memory_space<vmem_shared>>
    %dma_start3A_275 = tpu.memref_slice %dma_start3A_274[%mul3A_54] : memref<10240xf32, #tpu.memory_space<vmem_shared>> -> memref<640xf32, #tpu.memory_space<vmem_shared>>
    tpu.enqueue_dma source(%dma_start3A_275 : memref<640xf32, #tpu.memory_space<vmem_shared>>) target(%dma_start3A_271 : memref<640xf32, #tpu.memory_space<vmem>>) target_semaphore(%arg21 : memref<!tpu.dma_semaphore, #tpu.memory_space<semaphore_mem>>)
    %dma_start3A_276 = arith.constant 9 : i32
    %dma_start3A_277 = arith.constant 5760 : i32
    %dma_start3A_278 = tpu.memref_slice %arg11[%dma_start3A_277] : memref<10240xf32, #tpu.memory_space<vmem>> -> memref<640xf32, #tpu.memory_space<vmem>>
    %dma_start3A_279 = arith.constant 0 : i32
    %dma_start3A_280 = tpu.memref_slice %arg17[%dma_start3A_276, %dma_start3A_279] : memref<16x10240xf32, #tpu.memory_space<vmem_shared>> -> memref<1x10240xf32, #tpu.memory_space<vmem_shared>>
    %dma_start3A_281 = tpu.memref_squeeze %dma_start3A_280 : memref<1x10240xf32, #tpu.memory_space<vmem_shared>> -> memref<10240xf32, #tpu.memory_space<vmem_shared>>
    %dma_start3A_282 = tpu.memref_slice %dma_start3A_281[%mul3A_54] : memref<10240xf32, #tpu.memory_space<vmem_shared>> -> memref<640xf32, #tpu.memory_space<vmem_shared>>
    %dma_start3A_283 = arith.constant 5760 : i32
    %dma_start3A_284 = tpu.memref_slice %arg11[%dma_start3A_283] : memref<10240xf32, #tpu.memory_space<vmem>> -> memref<640xf32, #tpu.memory_space<vmem>>
    %dma_start3A_285 = arith.constant 0 : i32
    %dma_start3A_286 = tpu.memref_slice %arg17[%dma_start3A_276, %dma_start3A_285] : memref<16x10240xf32, #tpu.memory_space<vmem_shared>> -> memref<1x10240xf32, #tpu.memory_space<vmem_shared>>
    %dma_start3A_287 = tpu.memref_squeeze %dma_start3A_286 : memref<1x10240xf32, #tpu.memory_space<vmem_shared>> -> memref<10240xf32, #tpu.memory_space<vmem_shared>>
    %dma_start3A_288 = tpu.memref_slice %dma_start3A_287[%mul3A_54] : memref<10240xf32, #tpu.memory_space<vmem_shared>> -> memref<640xf32, #tpu.memory_space<vmem_shared>>
    tpu.enqueue_dma source(%dma_start3A_288 : memref<640xf32, #tpu.memory_space<vmem_shared>>) target(%dma_start3A_284 : memref<640xf32, #tpu.memory_space<vmem>>) target_semaphore(%arg22 : memref<!tpu.dma_semaphore, #tpu.memory_space<semaphore_mem>>)
    %dma_start3A_289 = arith.constant 10 : i32
    %dma_start3A_290 = arith.constant 6400 : i32
    %dma_start3A_291 = tpu.memref_slice %arg11[%dma_start3A_290] : memref<10240xf32, #tpu.memory_space<vmem>> -> memref<640xf32, #tpu.memory_space<vmem>>
    %dma_start3A_292 = arith.constant 0 : i32
    %dma_start3A_293 = tpu.memref_slice %arg17[%dma_start3A_289, %dma_start3A_292] : memref<16x10240xf32, #tpu.memory_space<vmem_shared>> -> memref<1x10240xf32, #tpu.memory_space<vmem_shared>>
    %dma_start3A_294 = tpu.memref_squeeze %dma_start3A_293 : memref<1x10240xf32, #tpu.memory_space<vmem_shared>> -> memref<10240xf32, #tpu.memory_space<vmem_shared>>
    %dma_start3A_295 = tpu.memref_slice %dma_start3A_294[%mul3A_54] : memref<10240xf32, #tpu.memory_space<vmem_shared>> -> memref<640xf32, #tpu.memory_space<vmem_shared>>
    %dma_start3A_296 = arith.constant 6400 : i32
    %dma_start3A_297 = tpu.memref_slice %arg11[%dma_start3A_296] : memref<10240xf32, #tpu.memory_space<vmem>> -> memref<640xf32, #tpu.memory_space<vmem>>
    %dma_start3A_298 = arith.constant 0 : i32
    %dma_start3A_299 = tpu.memref_slice %arg17[%dma_start3A_289, %dma_start3A_298] : memref<16x10240xf32, #tpu.memory_space<vmem_shared>> -> memref<1x10240xf32, #tpu.memory_space<vmem_shared>>
    %dma_start3A_300 = tpu.memref_squeeze %dma_start3A_299 : memref<1x10240xf32, #tpu.memory_space<vmem_shared>> -> memref<10240xf32, #tpu.memory_space<vmem_shared>>
    %dma_start3A_301 = tpu.memref_slice %dma_start3A_300[%mul3A_54] : memref<10240xf32, #tpu.memory_space<vmem_shared>> -> memref<640xf32, #tpu.memory_space<vmem_shared>>
    tpu.enqueue_dma source(%dma_start3A_301 : memref<640xf32, #tpu.memory_space<vmem_shared>>) target(%dma_start3A_297 : memref<640xf32, #tpu.memory_space<vmem>>) target_semaphore(%arg23 : memref<!tpu.dma_semaphore, #tpu.memory_space<semaphore_mem>>)
    %dma_start3A_302 = arith.constant 11 : i32
    %dma_start3A_303 = arith.constant 7040 : i32
    %dma_start3A_304 = tpu.memref_slice %arg11[%dma_start3A_303] : memref<10240xf32, #tpu.memory_space<vmem>> -> memref<640xf32, #tpu.memory_space<vmem>>
    %dma_start3A_305 = arith.constant 0 : i32
    %dma_start3A_306 = tpu.memref_slice %arg17[%dma_start3A_302, %dma_start3A_305] : memref<16x10240xf32, #tpu.memory_space<vmem_shared>> -> memref<1x10240xf32, #tpu.memory_space<vmem_shared>>
    %dma_start3A_307 = tpu.memref_squeeze %dma_start3A_306 : memref<1x10240xf32, #tpu.memory_space<vmem_shared>> -> memref<10240xf32, #tpu.memory_space<vmem_shared>>
    %dma_start3A_308 = tpu.memref_slice %dma_start3A_307[%mul3A_54] : memref<10240xf32, #tpu.memory_space<vmem_shared>> -> memref<640xf32, #tpu.memory_space<vmem_shared>>
    %dma_start3A_309 = arith.constant 7040 : i32
    %dma_start3A_310 = tpu.memref_slice %arg11[%dma_start3A_309] : memref<10240xf32, #tpu.memory_space<vmem>> -> memref<640xf32, #tpu.memory_space<vmem>>
    %dma_start3A_311 = arith.constant 0 : i32
    %dma_start3A_312 = tpu.memref_slice %arg17[%dma_start3A_302, %dma_start3A_311] : memref<16x10240xf32, #tpu.memory_space<vmem_shared>> -> memref<1x10240xf32, #tpu.memory_space<vmem_shared>>
    %dma_start3A_313 = tpu.memref_squeeze %dma_start3A_312 : memref<1x10240xf32, #tpu.memory_space<vmem_shared>> -> memref<10240xf32, #tpu.memory_space<vmem_shared>>
    %dma_start3A_314 = tpu.memref_slice %dma_start3A_313[%mul3A_54] : memref<10240xf32, #tpu.memory_space<vmem_shared>> -> memref<640xf32, #tpu.memory_space<vmem_shared>>
    tpu.enqueue_dma source(%dma_start3A_314 : memref<640xf32, #tpu.memory_space<vmem_shared>>) target(%dma_start3A_310 : memref<640xf32, #tpu.memory_space<vmem>>) target_semaphore(%arg24 : memref<!tpu.dma_semaphore, #tpu.memory_space<semaphore_mem>>)
    %dma_wait3A_315 = arith.constant 8 : i32
    %dma_wait3A_316 = arith.constant 5120 : i32
    %dma_wait3A_317 = tpu.memref_slice %arg11[%dma_wait3A_316] : memref<10240xf32, #tpu.memory_space<vmem>> -> memref<640xf32, #tpu.memory_space<vmem>>
    %dma_wait3A_318 = arith.constant 0 : i32
    %dma_wait3A_319 = tpu.memref_slice %arg17[%dma_wait3A_315, %dma_wait3A_318] : memref<16x10240xf32, #tpu.memory_space<vmem_shared>> -> memref<1x10240xf32, #tpu.memory_space<vmem_shared>>
    %dma_wait3A_320 = tpu.memref_squeeze %dma_wait3A_319 : memref<1x10240xf32, #tpu.memory_space<vmem_shared>> -> memref<10240xf32, #tpu.memory_space<vmem_shared>>
    %dma_wait3A_321 = tpu.memref_slice %dma_wait3A_320[%mul3A_54] : memref<10240xf32, #tpu.memory_space<vmem_shared>> -> memref<640xf32, #tpu.memory_space<vmem_shared>>
    %dma_wait3A_322 = arith.constant 5120 : i32
    %dma_wait3A_323 = tpu.memref_slice %arg11[%dma_wait3A_322] : memref<10240xf32, #tpu.memory_space<vmem>> -> memref<640xf32, #tpu.memory_space<vmem>>
    %dma_wait3A_324 = arith.constant 0 : i32
    %dma_wait3A_325 = tpu.memref_slice %arg17[%dma_wait3A_315, %dma_wait3A_324] : memref<16x10240xf32, #tpu.memory_space<vmem_shared>> -> memref<1x10240xf32, #tpu.memory_space<vmem_shared>>
    %dma_wait3A_326 = tpu.memref_squeeze %dma_wait3A_325 : memref<1x10240xf32, #tpu.memory_space<vmem_shared>> -> memref<10240xf32, #tpu.memory_space<vmem_shared>>
    %dma_wait3A_327 = tpu.memref_slice %dma_wait3A_326[%mul3A_54] : memref<10240xf32, #tpu.memory_space<vmem_shared>> -> memref<640xf32, #tpu.memory_space<vmem_shared>>
    tpu.wait_dma2 semaphore(%arg21 : memref<!tpu.dma_semaphore, #tpu.memory_space<semaphore_mem>>) src(%dma_wait3A_327 : memref<640xf32, #tpu.memory_space<vmem_shared>>) dst(%dma_wait3A_323 : memref<640xf32, #tpu.memory_space<vmem>>)
    %dma_wait3A_328 = arith.constant 9 : i32
    %dma_wait3A_329 = arith.constant 5760 : i32
    %dma_wait3A_330 = tpu.memref_slice %arg11[%dma_wait3A_329] : memref<10240xf32, #tpu.memory_space<vmem>> -> memref<640xf32, #tpu.memory_space<vmem>>
    %dma_wait3A_331 = arith.constant 0 : i32
    %dma_wait3A_332 = tpu.memref_slice %arg17[%dma_wait3A_328, %dma_wait3A_331] : memref<16x10240xf32, #tpu.memory_space<vmem_shared>> -> memref<1x10240xf32, #tpu.memory_space<vmem_shared>>
    %dma_wait3A_333 = tpu.memref_squeeze %dma_wait3A_332 : memref<1x10240xf32, #tpu.memory_space<vmem_shared>> -> memref<10240xf32, #tpu.memory_space<vmem_shared>>
    %dma_wait3A_334 = tpu.memref_slice %dma_wait3A_333[%mul3A_54] : memref<10240xf32, #tpu.memory_space<vmem_shared>> -> memref<640xf32, #tpu.memory_space<vmem_shared>>
    %dma_wait3A_335 = arith.constant 5760 : i32
    %dma_wait3A_336 = tpu.memref_slice %arg11[%dma_wait3A_335] : memref<10240xf32, #tpu.memory_space<vmem>> -> memref<640xf32, #tpu.memory_space<vmem>>
    %dma_wait3A_337 = arith.constant 0 : i32
    %dma_wait3A_338 = tpu.memref_slice %arg17[%dma_wait3A_328, %dma_wait3A_337] : memref<16x10240xf32, #tpu.memory_space<vmem_shared>> -> memref<1x10240xf32, #tpu.memory_space<vmem_shared>>
    %dma_wait3A_339 = tpu.memref_squeeze %dma_wait3A_338 : memref<1x10240xf32, #tpu.memory_space<vmem_shared>> -> memref<10240xf32, #tpu.memory_space<vmem_shared>>
    %dma_wait3A_340 = tpu.memref_slice %dma_wait3A_339[%mul3A_54] : memref<10240xf32, #tpu.memory_space<vmem_shared>> -> memref<640xf32, #tpu.memory_space<vmem_shared>>
    tpu.wait_dma2 semaphore(%arg22 : memref<!tpu.dma_semaphore, #tpu.memory_space<semaphore_mem>>) src(%dma_wait3A_340 : memref<640xf32, #tpu.memory_space<vmem_shared>>) dst(%dma_wait3A_336 : memref<640xf32, #tpu.memory_space<vmem>>)
    %dma_wait3A_341 = arith.constant 10 : i32
    %dma_wait3A_342 = arith.constant 6400 : i32
    %dma_wait3A_343 = tpu.memref_slice %arg11[%dma_wait3A_342] : memref<10240xf32, #tpu.memory_space<vmem>> -> memref<640xf32, #tpu.memory_space<vmem>>
    %dma_wait3A_344 = arith.constant 0 : i32
    %dma_wait3A_345 = tpu.memref_slice %arg17[%dma_wait3A_341, %dma_wait3A_344] : memref<16x10240xf32, #tpu.memory_space<vmem_shared>> -> memref<1x10240xf32, #tpu.memory_space<vmem_shared>>
    %dma_wait3A_346 = tpu.memref_squeeze %dma_wait3A_345 : memref<1x10240xf32, #tpu.memory_space<vmem_shared>> -> memref<10240xf32, #tpu.memory_space<vmem_shared>>
    %dma_wait3A_347 = tpu.memref_slice %dma_wait3A_346[%mul3A_54] : memref<10240xf32, #tpu.memory_space<vmem_shared>> -> memref<640xf32, #tpu.memory_space<vmem_shared>>
    %dma_wait3A_348 = arith.constant 6400 : i32
    %dma_wait3A_349 = tpu.memref_slice %arg11[%dma_wait3A_348] : memref<10240xf32, #tpu.memory_space<vmem>> -> memref<640xf32, #tpu.memory_space<vmem>>
    %dma_wait3A_350 = arith.constant 0 : i32
    %dma_wait3A_351 = tpu.memref_slice %arg17[%dma_wait3A_341, %dma_wait3A_350] : memref<16x10240xf32, #tpu.memory_space<vmem_shared>> -> memref<1x10240xf32, #tpu.memory_space<vmem_shared>>
    %dma_wait3A_352 = tpu.memref_squeeze %dma_wait3A_351 : memref<1x10240xf32, #tpu.memory_space<vmem_shared>> -> memref<10240xf32, #tpu.memory_space<vmem_shared>>
    %dma_wait3A_353 = tpu.memref_slice %dma_wait3A_352[%mul3A_54] : memref<10240xf32, #tpu.memory_space<vmem_shared>> -> memref<640xf32, #tpu.memory_space<vmem_shared>>
    tpu.wait_dma2 semaphore(%arg23 : memref<!tpu.dma_semaphore, #tpu.memory_space<semaphore_mem>>) src(%dma_wait3A_353 : memref<640xf32, #tpu.memory_space<vmem_shared>>) dst(%dma_wait3A_349 : memref<640xf32, #tpu.memory_space<vmem>>)
    %dma_wait3A_354 = arith.constant 11 : i32
    %dma_wait3A_355 = arith.constant 7040 : i32
    %dma_wait3A_356 = tpu.memref_slice %arg11[%dma_wait3A_355] : memref<10240xf32, #tpu.memory_space<vmem>> -> memref<640xf32, #tpu.memory_space<vmem>>
    %dma_wait3A_357 = arith.constant 0 : i32
    %dma_wait3A_358 = tpu.memref_slice %arg17[%dma_wait3A_354, %dma_wait3A_357] : memref<16x10240xf32, #tpu.memory_space<vmem_shared>> -> memref<1x10240xf32, #tpu.memory_space<vmem_shared>>
    %dma_wait3A_359 = tpu.memref_squeeze %dma_wait3A_358 : memref<1x10240xf32, #tpu.memory_space<vmem_shared>> -> memref<10240xf32, #tpu.memory_space<vmem_shared>>
    %dma_wait3A_360 = tpu.memref_slice %dma_wait3A_359[%mul3A_54] : memref<10240xf32, #tpu.memory_space<vmem_shared>> -> memref<640xf32, #tpu.memory_space<vmem_shared>>
    %dma_wait3A_361 = arith.constant 7040 : i32
    %dma_wait3A_362 = tpu.memref_slice %arg11[%dma_wait3A_361] : memref<10240xf32, #tpu.memory_space<vmem>> -> memref<640xf32, #tpu.memory_space<vmem>>
    %dma_wait3A_363 = arith.constant 0 : i32
    %dma_wait3A_364 = tpu.memref_slice %arg17[%dma_wait3A_354, %dma_wait3A_363] : memref<16x10240xf32, #tpu.memory_space<vmem_shared>> -> memref<1x10240xf32, #tpu.memory_space<vmem_shared>>
    %dma_wait3A_365 = tpu.memref_squeeze %dma_wait3A_364 : memref<1x10240xf32, #tpu.memory_space<vmem_shared>> -> memref<10240xf32, #tpu.memory_space<vmem_shared>>
    %dma_wait3A_366 = tpu.memref_slice %dma_wait3A_365[%mul3A_54] : memref<10240xf32, #tpu.memory_space<vmem_shared>> -> memref<640xf32, #tpu.memory_space<vmem_shared>>
    tpu.wait_dma2 semaphore(%arg24 : memref<!tpu.dma_semaphore, #tpu.memory_space<semaphore_mem>>) src(%dma_wait3A_366 : memref<640xf32, #tpu.memory_space<vmem_shared>>) dst(%dma_wait3A_362 : memref<640xf32, #tpu.memory_space<vmem>>)
    %dma_start3A_367 = arith.constant 12 : i32
    %dma_start3A_368 = arith.constant 7680 : i32
    %dma_start3A_369 = tpu.memref_slice %arg11[%dma_start3A_368] : memref<10240xf32, #tpu.memory_space<vmem>> -> memref<640xf32, #tpu.memory_space<vmem>>
    %dma_start3A_370 = arith.constant 0 : i32
    %dma_start3A_371 = tpu.memref_slice %arg17[%dma_start3A_367, %dma_start3A_370] : memref<16x10240xf32, #tpu.memory_space<vmem_shared>> -> memref<1x10240xf32, #tpu.memory_space<vmem_shared>>
    %dma_start3A_372 = tpu.memref_squeeze %dma_start3A_371 : memref<1x10240xf32, #tpu.memory_space<vmem_shared>> -> memref<10240xf32, #tpu.memory_space<vmem_shared>>
    %dma_start3A_373 = tpu.memref_slice %dma_start3A_372[%mul3A_54] : memref<10240xf32, #tpu.memory_space<vmem_shared>> -> memref<640xf32, #tpu.memory_space<vmem_shared>>
    %dma_start3A_374 = arith.constant 7680 : i32
    %dma_start3A_375 = tpu.memref_slice %arg11[%dma_start3A_374] : memref<10240xf32, #tpu.memory_space<vmem>> -> memref<640xf32, #tpu.memory_space<vmem>>
    %dma_start3A_376 = arith.constant 0 : i32
    %dma_start3A_377 = tpu.memref_slice %arg17[%dma_start3A_367, %dma_start3A_376] : memref<16x10240xf32, #tpu.memory_space<vmem_shared>> -> memref<1x10240xf32, #tpu.memory_space<vmem_shared>>
    %dma_start3A_378 = tpu.memref_squeeze %dma_start3A_377 : memref<1x10240xf32, #tpu.memory_space<vmem_shared>> -> memref<10240xf32, #tpu.memory_space<vmem_shared>>
    %dma_start3A_379 = tpu.memref_slice %dma_start3A_378[%mul3A_54] : memref<10240xf32, #tpu.memory_space<vmem_shared>> -> memref<640xf32, #tpu.memory_space<vmem_shared>>
    tpu.enqueue_dma source(%dma_start3A_379 : memref<640xf32, #tpu.memory_space<vmem_shared>>) target(%dma_start3A_375 : memref<640xf32, #tpu.memory_space<vmem>>) target_semaphore(%arg21 : memref<!tpu.dma_semaphore, #tpu.memory_space<semaphore_mem>>)
    %dma_start3A_380 = arith.constant 13 : i32
    %dma_start3A_381 = arith.constant 8320 : i32
    %dma_start3A_382 = tpu.memref_slice %arg11[%dma_start3A_381] : memref<10240xf32, #tpu.memory_space<vmem>> -> memref<640xf32, #tpu.memory_space<vmem>>
    %dma_start3A_383 = arith.constant 0 : i32
    %dma_start3A_384 = tpu.memref_slice %arg17[%dma_start3A_380, %dma_start3A_383] : memref<16x10240xf32, #tpu.memory_space<vmem_shared>> -> memref<1x10240xf32, #tpu.memory_space<vmem_shared>>
    %dma_start3A_385 = tpu.memref_squeeze %dma_start3A_384 : memref<1x10240xf32, #tpu.memory_space<vmem_shared>> -> memref<10240xf32, #tpu.memory_space<vmem_shared>>
    %dma_start3A_386 = tpu.memref_slice %dma_start3A_385[%mul3A_54] : memref<10240xf32, #tpu.memory_space<vmem_shared>> -> memref<640xf32, #tpu.memory_space<vmem_shared>>
    %dma_start3A_387 = arith.constant 8320 : i32
    %dma_start3A_388 = tpu.memref_slice %arg11[%dma_start3A_387] : memref<10240xf32, #tpu.memory_space<vmem>> -> memref<640xf32, #tpu.memory_space<vmem>>
    %dma_start3A_389 = arith.constant 0 : i32
    %dma_start3A_390 = tpu.memref_slice %arg17[%dma_start3A_380, %dma_start3A_389] : memref<16x10240xf32, #tpu.memory_space<vmem_shared>> -> memref<1x10240xf32, #tpu.memory_space<vmem_shared>>
    %dma_start3A_391 = tpu.memref_squeeze %dma_start3A_390 : memref<1x10240xf32, #tpu.memory_space<vmem_shared>> -> memref<10240xf32, #tpu.memory_space<vmem_shared>>
    %dma_start3A_392 = tpu.memref_slice %dma_start3A_391[%mul3A_54] : memref<10240xf32, #tpu.memory_space<vmem_shared>> -> memref<640xf32, #tpu.memory_space<vmem_shared>>
    tpu.enqueue_dma source(%dma_start3A_392 : memref<640xf32, #tpu.memory_space<vmem_shared>>) target(%dma_start3A_388 : memref<640xf32, #tpu.memory_space<vmem>>) target_semaphore(%arg22 : memref<!tpu.dma_semaphore, #tpu.memory_space<semaphore_mem>>)
    %dma_start3A_393 = arith.constant 14 : i32
    %dma_start3A_394 = arith.constant 8960 : i32
    %dma_start3A_395 = tpu.memref_slice %arg11[%dma_start3A_394] : memref<10240xf32, #tpu.memory_space<vmem>> -> memref<640xf32, #tpu.memory_space<vmem>>
    %dma_start3A_396 = arith.constant 0 : i32
    %dma_start3A_397 = tpu.memref_slice %arg17[%dma_start3A_393, %dma_start3A_396] : memref<16x10240xf32, #tpu.memory_space<vmem_shared>> -> memref<1x10240xf32, #tpu.memory_space<vmem_shared>>
    %dma_start3A_398 = tpu.memref_squeeze %dma_start3A_397 : memref<1x10240xf32, #tpu.memory_space<vmem_shared>> -> memref<10240xf32, #tpu.memory_space<vmem_shared>>
    %dma_start3A_399 = tpu.memref_slice %dma_start3A_398[%mul3A_54] : memref<10240xf32, #tpu.memory_space<vmem_shared>> -> memref<640xf32, #tpu.memory_space<vmem_shared>>
    %dma_start3A_400 = arith.constant 8960 : i32
    %dma_start3A_401 = tpu.memref_slice %arg11[%dma_start3A_400] : memref<10240xf32, #tpu.memory_space<vmem>> -> memref<640xf32, #tpu.memory_space<vmem>>
    %dma_start3A_402 = arith.constant 0 : i32
    %dma_start3A_403 = tpu.memref_slice %arg17[%dma_start3A_393, %dma_start3A_402] : memref<16x10240xf32, #tpu.memory_space<vmem_shared>> -> memref<1x10240xf32, #tpu.memory_space<vmem_shared>>
    %dma_start3A_404 = tpu.memref_squeeze %dma_start3A_403 : memref<1x10240xf32, #tpu.memory_space<vmem_shared>> -> memref<10240xf32, #tpu.memory_space<vmem_shared>>
    %dma_start3A_405 = tpu.memref_slice %dma_start3A_404[%mul3A_54] : memref<10240xf32, #tpu.memory_space<vmem_shared>> -> memref<640xf32, #tpu.memory_space<vmem_shared>>
    tpu.enqueue_dma source(%dma_start3A_405 : memref<640xf32, #tpu.memory_space<vmem_shared>>) target(%dma_start3A_401 : memref<640xf32, #tpu.memory_space<vmem>>) target_semaphore(%arg23 : memref<!tpu.dma_semaphore, #tpu.memory_space<semaphore_mem>>)
    %dma_start3A_406 = arith.constant 15 : i32
    %dma_start3A_407 = arith.constant 9600 : i32
    %dma_start3A_408 = tpu.memref_slice %arg11[%dma_start3A_407] : memref<10240xf32, #tpu.memory_space<vmem>> -> memref<640xf32, #tpu.memory_space<vmem>>
    %dma_start3A_409 = arith.constant 0 : i32
    %dma_start3A_410 = tpu.memref_slice %arg17[%dma_start3A_406, %dma_start3A_409] : memref<16x10240xf32, #tpu.memory_space<vmem_shared>> -> memref<1x10240xf32, #tpu.memory_space<vmem_shared>>
    %dma_start3A_411 = tpu.memref_squeeze %dma_start3A_410 : memref<1x10240xf32, #tpu.memory_space<vmem_shared>> -> memref<10240xf32, #tpu.memory_space<vmem_shared>>
    %dma_start3A_412 = tpu.memref_slice %dma_start3A_411[%mul3A_54] : memref<10240xf32, #tpu.memory_space<vmem_shared>> -> memref<640xf32, #tpu.memory_space<vmem_shared>>
    %dma_start3A_413 = arith.constant 9600 : i32
    %dma_start3A_414 = tpu.memref_slice %arg11[%dma_start3A_413] : memref<10240xf32, #tpu.memory_space<vmem>> -> memref<640xf32, #tpu.memory_space<vmem>>
    %dma_start3A_415 = arith.constant 0 : i32
    %dma_start3A_416 = tpu.memref_slice %arg17[%dma_start3A_406, %dma_start3A_415] : memref<16x10240xf32, #tpu.memory_space<vmem_shared>> -> memref<1x10240xf32, #tpu.memory_space<vmem_shared>>
    %dma_start3A_417 = tpu.memref_squeeze %dma_start3A_416 : memref<1x10240xf32, #tpu.memory_space<vmem_shared>> -> memref<10240xf32, #tpu.memory_space<vmem_shared>>
    %dma_start3A_418 = tpu.memref_slice %dma_start3A_417[%mul3A_54] : memref<10240xf32, #tpu.memory_space<vmem_shared>> -> memref<640xf32, #tpu.memory_space<vmem_shared>>
    tpu.enqueue_dma source(%dma_start3A_418 : memref<640xf32, #tpu.memory_space<vmem_shared>>) target(%dma_start3A_414 : memref<640xf32, #tpu.memory_space<vmem>>) target_semaphore(%arg24 : memref<!tpu.dma_semaphore, #tpu.memory_space<semaphore_mem>>)
    %dma_wait3A_419 = arith.constant 12 : i32
    %dma_wait3A_420 = arith.constant 7680 : i32
    %dma_wait3A_421 = tpu.memref_slice %arg11[%dma_wait3A_420] : memref<10240xf32, #tpu.memory_space<vmem>> -> memref<640xf32, #tpu.memory_space<vmem>>
    %dma_wait3A_422 = arith.constant 0 : i32
    %dma_wait3A_423 = tpu.memref_slice %arg17[%dma_wait3A_419, %dma_wait3A_422] : memref<16x10240xf32, #tpu.memory_space<vmem_shared>> -> memref<1x10240xf32, #tpu.memory_space<vmem_shared>>
    %dma_wait3A_424 = tpu.memref_squeeze %dma_wait3A_423 : memref<1x10240xf32, #tpu.memory_space<vmem_shared>> -> memref<10240xf32, #tpu.memory_space<vmem_shared>>
    %dma_wait3A_425 = tpu.memref_slice %dma_wait3A_424[%mul3A_54] : memref<10240xf32, #tpu.memory_space<vmem_shared>> -> memref<640xf32, #tpu.memory_space<vmem_shared>>
    %dma_wait3A_426 = arith.constant 7680 : i32
    %dma_wait3A_427 = tpu.memref_slice %arg11[%dma_wait3A_426] : memref<10240xf32, #tpu.memory_space<vmem>> -> memref<640xf32, #tpu.memory_space<vmem>>
    %dma_wait3A_428 = arith.constant 0 : i32
    %dma_wait3A_429 = tpu.memref_slice %arg17[%dma_wait3A_419, %dma_wait3A_428] : memref<16x10240xf32, #tpu.memory_space<vmem_shared>> -> memref<1x10240xf32, #tpu.memory_space<vmem_shared>>
    %dma_wait3A_430 = tpu.memref_squeeze %dma_wait3A_429 : memref<1x10240xf32, #tpu.memory_space<vmem_shared>> -> memref<10240xf32, #tpu.memory_space<vmem_shared>>
    %dma_wait3A_431 = tpu.memref_slice %dma_wait3A_430[%mul3A_54] : memref<10240xf32, #tpu.memory_space<vmem_shared>> -> memref<640xf32, #tpu.memory_space<vmem_shared>>
    tpu.wait_dma2 semaphore(%arg21 : memref<!tpu.dma_semaphore, #tpu.memory_space<semaphore_mem>>) src(%dma_wait3A_431 : memref<640xf32, #tpu.memory_space<vmem_shared>>) dst(%dma_wait3A_427 : memref<640xf32, #tpu.memory_space<vmem>>)
    %dma_wait3A_432 = arith.constant 13 : i32
    %dma_wait3A_433 = arith.constant 8320 : i32
    %dma_wait3A_434 = tpu.memref_slice %arg11[%dma_wait3A_433] : memref<10240xf32, #tpu.memory_space<vmem>> -> memref<640xf32, #tpu.memory_space<vmem>>
    %dma_wait3A_435 = arith.constant 0 : i32
    %dma_wait3A_436 = tpu.memref_slice %arg17[%dma_wait3A_432, %dma_wait3A_435] : memref<16x10240xf32, #tpu.memory_space<vmem_shared>> -> memref<1x10240xf32, #tpu.memory_space<vmem_shared>>
    %dma_wait3A_437 = tpu.memref_squeeze %dma_wait3A_436 : memref<1x10240xf32, #tpu.memory_space<vmem_shared>> -> memref<10240xf32, #tpu.memory_space<vmem_shared>>
    %dma_wait3A_438 = tpu.memref_slice %dma_wait3A_437[%mul3A_54] : memref<10240xf32, #tpu.memory_space<vmem_shared>> -> memref<640xf32, #tpu.memory_space<vmem_shared>>
    %dma_wait3A_439 = arith.constant 8320 : i32
    %dma_wait3A_440 = tpu.memref_slice %arg11[%dma_wait3A_439] : memref<10240xf32, #tpu.memory_space<vmem>> -> memref<640xf32, #tpu.memory_space<vmem>>
    %dma_wait3A_441 = arith.constant 0 : i32
    %dma_wait3A_442 = tpu.memref_slice %arg17[%dma_wait3A_432, %dma_wait3A_441] : memref<16x10240xf32, #tpu.memory_space<vmem_shared>> -> memref<1x10240xf32, #tpu.memory_space<vmem_shared>>
    %dma_wait3A_443 = tpu.memref_squeeze %dma_wait3A_442 : memref<1x10240xf32, #tpu.memory_space<vmem_shared>> -> memref<10240xf32, #tpu.memory_space<vmem_shared>>
    %dma_wait3A_444 = tpu.memref_slice %dma_wait3A_443[%mul3A_54] : memref<10240xf32, #tpu.memory_space<vmem_shared>> -> memref<640xf32, #tpu.memory_space<vmem_shared>>
    tpu.wait_dma2 semaphore(%arg22 : memref<!tpu.dma_semaphore, #tpu.memory_space<semaphore_mem>>) src(%dma_wait3A_444 : memref<640xf32, #tpu.memory_space<vmem_shared>>) dst(%dma_wait3A_440 : memref<640xf32, #tpu.memory_space<vmem>>)
    %dma_wait3A_445 = arith.constant 14 : i32
    %dma_wait3A_446 = arith.constant 8960 : i32
    %dma_wait3A_447 = tpu.memref_slice %arg11[%dma_wait3A_446] : memref<10240xf32, #tpu.memory_space<vmem>> -> memref<640xf32, #tpu.memory_space<vmem>>
    %dma_wait3A_448 = arith.constant 0 : i32
    %dma_wait3A_449 = tpu.memref_slice %arg17[%dma_wait3A_445, %dma_wait3A_448] : memref<16x10240xf32, #tpu.memory_space<vmem_shared>> -> memref<1x10240xf32, #tpu.memory_space<vmem_shared>>
    %dma_wait3A_450 = tpu.memref_squeeze %dma_wait3A_449 : memref<1x10240xf32, #tpu.memory_space<vmem_shared>> -> memref<10240xf32, #tpu.memory_space<vmem_shared>>
    %dma_wait3A_451 = tpu.memref_slice %dma_wait3A_450[%mul3A_54] : memref<10240xf32, #tpu.memory_space<vmem_shared>> -> memref<640xf32, #tpu.memory_space<vmem_shared>>
    %dma_wait3A_452 = arith.constant 8960 : i32
    %dma_wait3A_453 = tpu.memref_slice %arg11[%dma_wait3A_452] : memref<10240xf32, #tpu.memory_space<vmem>> -> memref<640xf32, #tpu.memory_space<vmem>>
    %dma_wait3A_454 = arith.constant 0 : i32
    %dma_wait3A_455 = tpu.memref_slice %arg17[%dma_wait3A_445, %dma_wait3A_454] : memref<16x10240xf32, #tpu.memory_space<vmem_shared>> -> memref<1x10240xf32, #tpu.memory_space<vmem_shared>>
    %dma_wait3A_456 = tpu.memref_squeeze %dma_wait3A_455 : memref<1x10240xf32, #tpu.memory_space<vmem_shared>> -> memref<10240xf32, #tpu.memory_space<vmem_shared>>
    %dma_wait3A_457 = tpu.memref_slice %dma_wait3A_456[%mul3A_54] : memref<10240xf32, #tpu.memory_space<vmem_shared>> -> memref<640xf32, #tpu.memory_space<vmem_shared>>
    tpu.wait_dma2 semaphore(%arg23 : memref<!tpu.dma_semaphore, #tpu.memory_space<semaphore_mem>>) src(%dma_wait3A_457 : memref<640xf32, #tpu.memory_space<vmem_shared>>) dst(%dma_wait3A_453 : memref<640xf32, #tpu.memory_space<vmem>>)
    %dma_wait3A_458 = arith.constant 15 : i32
    %dma_wait3A_459 = arith.constant 9600 : i32
    %dma_wait3A_460 = tpu.memref_slice %arg11[%dma_wait3A_459] : memref<10240xf32, #tpu.memory_space<vmem>> -> memref<640xf32, #tpu.memory_space<vmem>>
    %dma_wait3A_461 = arith.constant 0 : i32
    %dma_wait3A_462 = tpu.memref_slice %arg17[%dma_wait3A_458, %dma_wait3A_461] : memref<16x10240xf32, #tpu.memory_space<vmem_shared>> -> memref<1x10240xf32, #tpu.memory_space<vmem_shared>>
    %dma_wait3A_463 = tpu.memref_squeeze %dma_wait3A_462 : memref<1x10240xf32, #tpu.memory_space<vmem_shared>> -> memref<10240xf32, #tpu.memory_space<vmem_shared>>
    %dma_wait3A_464 = tpu.memref_slice %dma_wait3A_463[%mul3A_54] : memref<10240xf32, #tpu.memory_space<vmem_shared>> -> memref<640xf32, #tpu.memory_space<vmem_shared>>
    %dma_wait3A_465 = arith.constant 9600 : i32
    %dma_wait3A_466 = tpu.memref_slice %arg11[%dma_wait3A_465] : memref<10240xf32, #tpu.memory_space<vmem>> -> memref<640xf32, #tpu.memory_space<vmem>>
    %dma_wait3A_467 = arith.constant 0 : i32
    %dma_wait3A_468 = tpu.memref_slice %arg17[%dma_wait3A_458, %dma_wait3A_467] : memref<16x10240xf32, #tpu.memory_space<vmem_shared>> -> memref<1x10240xf32, #tpu.memory_space<vmem_shared>>
    %dma_wait3A_469 = tpu.memref_squeeze %dma_wait3A_468 : memref<1x10240xf32, #tpu.memory_space<vmem_shared>> -> memref<10240xf32, #tpu.memory_space<vmem_shared>>
    %dma_wait3A_470 = tpu.memref_slice %dma_wait3A_469[%mul3A_54] : memref<10240xf32, #tpu.memory_space<vmem_shared>> -> memref<640xf32, #tpu.memory_space<vmem_shared>>
    tpu.wait_dma2 semaphore(%arg24 : memref<!tpu.dma_semaphore, #tpu.memory_space<semaphore_mem>>) src(%dma_wait3A_470 : memref<640xf32, #tpu.memory_space<vmem_shared>>) dst(%dma_wait3A_466 : memref<640xf32, #tpu.memory_space<vmem>>)
    %parallel_loop3A_471 = arith.constant 0 : i32
    %parallel_loop3A_472 = arith.constant 40 : i32
    %parallel_loop3A_473 = arith.constant 1 : i32
    scf.for %parallel_loop3A_664 = %parallel_loop3A_471 to %parallel_loop3A_472 step %parallel_loop3A_473  : i32 {
      %parallel_loop3A_665 = arith.constant 16 : i32
      %parallel_loop3A_666 = arith.muli %parallel_loop3A_664, %parallel_loop3A_665 : i32
      %parallel_loop3A_667 = arith.addi %mul3A_54, %parallel_loop3A_666 : i32
      %parallel_loop3A_668 = arith.constant 16 : i32
      %parallel_loop3A_669 = arith.muli %parallel_loop3A_664, %parallel_loop3A_668 : i32
      %parallel_loop3A_670 = arith.index_cast %parallel_loop3A_669 : i32 to index
      %parallel_loop3A_671 = tpu.vector_load %arg11[%parallel_loop3A_670] {strides = array<i32>} : memref<10240xf32, #tpu.memory_space<vmem>>, vector<16xf32>,
      %parallel_loop3A_672 = arith.constant 16 : i32
      %parallel_loop3A_673 = arith.muli %parallel_loop3A_664, %parallel_loop3A_672 : i32
      %parallel_loop3A_674 = arith.constant 640 : i32
      %parallel_loop3A_675 = arith.addi %parallel_loop3A_674, %parallel_loop3A_673 : i32
      %parallel_loop3A_676 = arith.index_cast %parallel_loop3A_675 : i32 to index
      %parallel_loop3A_677 = tpu.vector_load %arg11[%parallel_loop3A_676] {strides = array<i32>} : memref<10240xf32, #tpu.memory_space<vmem>>, vector<16xf32>,
      %parallel_loop3A_678 = arith.addf %parallel_loop3A_671, %parallel_loop3A_677 : vector<16xf32>
      %parallel_loop3A_679 = arith.constant 16 : i32
      %parallel_loop3A_680 = arith.muli %parallel_loop3A_664, %parallel_loop3A_679 : i32
      %parallel_loop3A_681 = arith.constant 1280 : i32
      %parallel_loop3A_682 = arith.addi %parallel_loop3A_681, %parallel_loop3A_680 : i32
      %parallel_loop3A_683 = arith.index_cast %parallel_loop3A_682 : i32 to index
      %parallel_loop3A_684 = tpu.vector_load %arg11[%parallel_loop3A_683] {strides = array<i32>} : memref<10240xf32, #tpu.memory_space<vmem>>, vector<16xf32>,
      %parallel_loop3A_685 = arith.addf %parallel_loop3A_678, %parallel_loop3A_684 : vector<16xf32>
      %parallel_loop3A_686 = arith.constant 16 : i32
      %parallel_loop3A_687 = arith.muli %parallel_loop3A_664, %parallel_loop3A_686 : i32
      %parallel_loop3A_688 = arith.constant 1920 : i32
      %parallel_loop3A_689 = arith.addi %parallel_loop3A_688, %parallel_loop3A_687 : i32
      %parallel_loop3A_690 = arith.index_cast %parallel_loop3A_689 : i32 to index
      %parallel_loop3A_691 = tpu.vector_load %arg11[%parallel_loop3A_690] {strides = array<i32>} : memref<10240xf32, #tpu.memory_space<vmem>>, vector<16xf32>,
      %parallel_loop3A_692 = arith.addf %parallel_loop3A_685, %parallel_loop3A_691 : vector<16xf32>
      %parallel_loop3A_693 = arith.constant 16 : i32
      %parallel_loop3A_694 = arith.muli %parallel_loop3A_664, %parallel_loop3A_693 : i32
      %parallel_loop3A_695 = arith.constant 2560 : i32
      %parallel_loop3A_696 = arith.addi %parallel_loop3A_695, %parallel_loop3A_694 : i32
      %parallel_loop3A_697 = arith.index_cast %parallel_loop3A_696 : i32 to index
      %parallel_loop3A_698 = tpu.vector_load %arg11[%parallel_loop3A_697] {strides = array<i32>} : memref<10240xf32, #tpu.memory_space<vmem>>, vector<16xf32>,
      %parallel_loop3A_699 = arith.addf %parallel_loop3A_692, %parallel_loop3A_698 : vector<16xf32>
      %parallel_loop3A_700 = arith.constant 16 : i32
      %parallel_loop3A_701 = arith.muli %parallel_loop3A_664, %parallel_loop3A_700 : i32
      %parallel_loop3A_702 = arith.constant 3200 : i32
      %parallel_loop3A_703 = arith.addi %parallel_loop3A_702, %parallel_loop3A_701 : i32
      %parallel_loop3A_704 = arith.index_cast %parallel_loop3A_703 : i32 to index
      %parallel_loop3A_705 = tpu.vector_load %arg11[%parallel_loop3A_704] {strides = array<i32>} : memref<10240xf32, #tpu.memory_space<vmem>>, vector<16xf32>,
      %parallel_loop3A_706 = arith.addf %parallel_loop3A_699, %parallel_loop3A_705 : vector<16xf32>
      %parallel_loop3A_707 = arith.constant 16 : i32
      %parallel_loop3A_708 = arith.muli %parallel_loop3A_664, %parallel_loop3A_707 : i32
      %parallel_loop3A_709 = arith.constant 3840 : i32
      %parallel_loop3A_710 = arith.addi %parallel_loop3A_709, %parallel_loop3A_708 : i32
      %parallel_loop3A_711 = arith.index_cast %parallel_loop3A_710 : i32 to index
      %parallel_loop3A_712 = tpu.vector_load %arg11[%parallel_loop3A_711] {strides = array<i32>} : memref<10240xf32, #tpu.memory_space<vmem>>, vector<16xf32>,
      %parallel_loop3A_713 = arith.addf %parallel_loop3A_706, %parallel_loop3A_712 : vector<16xf32>
      %parallel_loop3A_714 = arith.constant 16 : i32
      %parallel_loop3A_715 = arith.muli %parallel_loop3A_664, %parallel_loop3A_714 : i32
      %parallel_loop3A_716 = arith.constant 4480 : i32
      %parallel_loop3A_717 = arith.addi %parallel_loop3A_716, %parallel_loop3A_715 : i32
      %parallel_loop3A_718 = arith.index_cast %parallel_loop3A_717 : i32 to index
      %parallel_loop3A_719 = tpu.vector_load %arg11[%parallel_loop3A_718] {strides = array<i32>} : memref<10240xf32, #tpu.memory_space<vmem>>, vector<16xf32>,
      %parallel_loop3A_720 = arith.addf %parallel_loop3A_713, %parallel_loop3A_719 : vector<16xf32>
      %parallel_loop3A_721 = arith.constant 16 : i32
      %parallel_loop3A_722 = arith.muli %parallel_loop3A_664, %parallel_loop3A_721 : i32
      %parallel_loop3A_723 = arith.constant 5120 : i32
      %parallel_loop3A_724 = arith.addi %parallel_loop3A_723, %parallel_loop3A_722 : i32
      %parallel_loop3A_725 = arith.index_cast %parallel_loop3A_724 : i32 to index
      %parallel_loop3A_726 = tpu.vector_load %arg11[%parallel_loop3A_725] {strides = array<i32>} : memref<10240xf32, #tpu.memory_space<vmem>>, vector<16xf32>,
      %parallel_loop3A_727 = arith.addf %parallel_loop3A_720, %parallel_loop3A_726 : vector<16xf32>
      %parallel_loop3A_728 = arith.constant 16 : i32
      %parallel_loop3A_729 = arith.muli %parallel_loop3A_664, %parallel_loop3A_728 : i32
      %parallel_loop3A_730 = arith.constant 5760 : i32
      %parallel_loop3A_731 = arith.addi %parallel_loop3A_730, %parallel_loop3A_729 : i32
      %parallel_loop3A_732 = arith.index_cast %parallel_loop3A_731 : i32 to index
      %parallel_loop3A_733 = tpu.vector_load %arg11[%parallel_loop3A_732] {strides = array<i32>} : memref<10240xf32, #tpu.memory_space<vmem>>, vector<16xf32>,
      %parallel_loop3A_734 = arith.addf %parallel_loop3A_727, %parallel_loop3A_733 : vector<16xf32>
      %parallel_loop3A_735 = arith.constant 16 : i32
      %parallel_loop3A_736 = arith.muli %parallel_loop3A_664, %parallel_loop3A_735 : i32
      %parallel_loop3A_737 = arith.constant 6400 : i32
      %parallel_loop3A_738 = arith.addi %parallel_loop3A_737, %parallel_loop3A_736 : i32
      %parallel_loop3A_739 = arith.index_cast %parallel_loop3A_738 : i32 to index
      %parallel_loop3A_740 = tpu.vector_load %arg11[%parallel_loop3A_739] {strides = array<i32>} : memref<10240xf32, #tpu.memory_space<vmem>>, vector<16xf32>,
      %parallel_loop3A_741 = arith.addf %parallel_loop3A_734, %parallel_loop3A_740 : vector<16xf32>
      %parallel_loop3A_742 = arith.constant 16 : i32
      %parallel_loop3A_743 = arith.muli %parallel_loop3A_664, %parallel_loop3A_742 : i32
      %parallel_loop3A_744 = arith.constant 7040 : i32
      %parallel_loop3A_745 = arith.addi %parallel_loop3A_744, %parallel_loop3A_743 : i32
      %parallel_loop3A_746 = arith.index_cast %parallel_loop3A_745 : i32 to index
      %parallel_loop3A_747 = tpu.vector_load %arg11[%parallel_loop3A_746] {strides = array<i32>} : memref<10240xf32, #tpu.memory_space<vmem>>, vector<16xf32>,
      %parallel_loop3A_748 = arith.addf %parallel_loop3A_741, %parallel_loop3A_747 : vector<16xf32>
      %parallel_loop3A_749 = arith.constant 16 : i32
      %parallel_loop3A_750 = arith.muli %parallel_loop3A_664, %parallel_loop3A_749 : i32
      %parallel_loop3A_751 = arith.constant 7680 : i32
      %parallel_loop3A_752 = arith.addi %parallel_loop3A_751, %parallel_loop3A_750 : i32
      %parallel_loop3A_753 = arith.index_cast %parallel_loop3A_752 : i32 to index
      %parallel_loop3A_754 = tpu.vector_load %arg11[%parallel_loop3A_753] {strides = array<i32>} : memref<10240xf32, #tpu.memory_space<vmem>>, vector<16xf32>,
      %parallel_loop3A_755 = arith.addf %parallel_loop3A_748, %parallel_loop3A_754 : vector<16xf32>
      %parallel_loop3A_756 = arith.constant 16 : i32
      %parallel_loop3A_757 = arith.muli %parallel_loop3A_664, %parallel_loop3A_756 : i32
      %parallel_loop3A_758 = arith.constant 8320 : i32
      %parallel_loop3A_759 = arith.addi %parallel_loop3A_758, %parallel_loop3A_757 : i32
      %parallel_loop3A_760 = arith.index_cast %parallel_loop3A_759 : i32 to index
      %parallel_loop3A_761 = tpu.vector_load %arg11[%parallel_loop3A_760] {strides = array<i32>} : memref<10240xf32, #tpu.memory_space<vmem>>, vector<16xf32>,
      %parallel_loop3A_762 = arith.addf %parallel_loop3A_755, %parallel_loop3A_761 : vector<16xf32>
      %parallel_loop3A_763 = arith.constant 16 : i32
      %parallel_loop3A_764 = arith.muli %parallel_loop3A_664, %parallel_loop3A_763 : i32
      %parallel_loop3A_765 = arith.constant 8960 : i32
      %parallel_loop3A_766 = arith.addi %parallel_loop3A_765, %parallel_loop3A_764 : i32
      %parallel_loop3A_767 = arith.index_cast %parallel_loop3A_766 : i32 to index
      %parallel_loop3A_768 = tpu.vector_load %arg11[%parallel_loop3A_767] {strides = array<i32>} : memref<10240xf32, #tpu.memory_space<vmem>>, vector<16xf32>,
      %parallel_loop3A_769 = arith.addf %parallel_loop3A_762, %parallel_loop3A_768 : vector<16xf32>
      %parallel_loop3A_770 = arith.constant 16 : i32
      %parallel_loop3A_771 = arith.muli %parallel_loop3A_664, %parallel_loop3A_770 : i32
      %parallel_loop3A_772 = arith.constant 9600 : i32
      %parallel_loop3A_773 = arith.addi %parallel_loop3A_772, %parallel_loop3A_771 : i32
      %parallel_loop3A_774 = arith.index_cast %parallel_loop3A_773 : i32 to index
      %parallel_loop3A_775 = tpu.vector_load %arg11[%parallel_loop3A_774] {strides = array<i32>} : memref<10240xf32, #tpu.memory_space<vmem>>, vector<16xf32>,
      %parallel_loop3A_776 = arith.addf %parallel_loop3A_769, %parallel_loop3A_775 : vector<16xf32>
      %parallel_loop3A_777 = vector.bitcast %parallel_loop3A_776 : vector<16xf32> to vector<16xi32>
      %parallel_loop3A_778 = arith.constant 1 : i32
      %parallel_loop3A_779 = vector.broadcast %parallel_loop3A_778 : i32 to vector<16xi32>
      %parallel_loop3A_780 = arith.shrsi %parallel_loop3A_777, %parallel_loop3A_779 : vector<16xi32>
      %parallel_loop3A_781 = arith.constant 1597463007 : i32
      %parallel_loop3A_782 = vector.broadcast %parallel_loop3A_781 : i32 to vector<16xi32>
      %parallel_loop3A_783 = arith.subi %parallel_loop3A_782, %parallel_loop3A_780 : vector<16xi32>
      %parallel_loop3A_784 = vector.bitcast %parallel_loop3A_783 : vector<16xi32> to vector<16xf32>
      %parallel_loop3A_785 = arith.constant 5.000000e-01 : f32
      %parallel_loop3A_786 = vector.broadcast %parallel_loop3A_785 : f32 to vector<16xf32>
      %parallel_loop3A_787 = arith.mulf %parallel_loop3A_786, %parallel_loop3A_776 : vector<16xf32>
      %parallel_loop3A_788 = arith.mulf %parallel_loop3A_787, %parallel_loop3A_784 : vector<16xf32>
      %parallel_loop3A_789 = arith.mulf %parallel_loop3A_788, %parallel_loop3A_784 : vector<16xf32>
      %parallel_loop3A_790 = arith.constant 1.500000e+00 : f32
      %parallel_loop3A_791 = vector.broadcast %parallel_loop3A_790 : f32 to vector<16xf32>
      %parallel_loop3A_792 = arith.subf %parallel_loop3A_791, %parallel_loop3A_789 : vector<16xf32>
      %parallel_loop3A_793 = arith.mulf %parallel_loop3A_784, %parallel_loop3A_792 : vector<16xf32>
      %parallel_loop3A_794 = arith.constant 5.000000e-01 : f32
      %parallel_loop3A_795 = vector.broadcast %parallel_loop3A_794 : f32 to vector<16xf32>
      %parallel_loop3A_796 = arith.mulf %parallel_loop3A_795, %parallel_loop3A_776 : vector<16xf32>
      %parallel_loop3A_797 = arith.mulf %parallel_loop3A_796, %parallel_loop3A_793 : vector<16xf32>
      %parallel_loop3A_798 = arith.mulf %parallel_loop3A_797, %parallel_loop3A_793 : vector<16xf32>
      %parallel_loop3A_799 = arith.constant 1.500000e+00 : f32
      %parallel_loop3A_800 = vector.broadcast %parallel_loop3A_799 : f32 to vector<16xf32>
      %parallel_loop3A_801 = arith.subf %parallel_loop3A_800, %parallel_loop3A_798 : vector<16xf32>
      %parallel_loop3A_802 = arith.mulf %parallel_loop3A_793, %parallel_loop3A_801 : vector<16xf32>
      %parallel_loop3A_803 = arith.constant 5.000000e-01 : f32
      %parallel_loop3A_804 = vector.broadcast %parallel_loop3A_803 : f32 to vector<16xf32>
      %parallel_loop3A_805 = arith.mulf %parallel_loop3A_804, %parallel_loop3A_776 : vector<16xf32>
      %parallel_loop3A_806 = arith.mulf %parallel_loop3A_805, %parallel_loop3A_802 : vector<16xf32>
      %parallel_loop3A_807 = arith.mulf %parallel_loop3A_806, %parallel_loop3A_802 : vector<16xf32>
      %parallel_loop3A_808 = arith.constant 1.500000e+00 : f32
      %parallel_loop3A_809 = vector.broadcast %parallel_loop3A_808 : f32 to vector<16xf32>
      %parallel_loop3A_810 = arith.subf %parallel_loop3A_809, %parallel_loop3A_807 : vector<16xf32>
      %parallel_loop3A_811 = arith.mulf %parallel_loop3A_802, %parallel_loop3A_810 : vector<16xf32>
      %parallel_loop3A_812 = arith.constant 0.000000e+00 : f32
      %parallel_loop3A_813 = vector.broadcast %parallel_loop3A_812 : f32 to vector<16xf32>
      %parallel_loop3A_814 = arith.cmpf ogt, %parallel_loop3A_776, %parallel_loop3A_813 : vector<16xf32>
      %parallel_loop3A_815 = arith.constant 0.000000e+00 : f32
      %parallel_loop3A_816 = vector.broadcast %parallel_loop3A_815 : f32 to vector<16xf32>
      %parallel_loop3A_817 = arith.select %parallel_loop3A_814, %parallel_loop3A_811, %parallel_loop3A_816 : vector<16xi1>, vector<16xf32>
      %parallel_loop3A_818 = arith.index_cast %parallel_loop3A_667 : i32 to index
      %parallel_loop3A_819 = tpu.vector_load %arg10[%parallel_loop3A_818] {strides = array<i32>} : memref<10240xf32, #tpu.memory_space<vmem>>, vector<16xf32>,
      tpu.vector_store %arg10[%parallel_loop3A_818], %parallel_loop3A_817 {strides = array<i32>} : memref<10240xf32, #tpu.memory_space<vmem>>, vector<16xf32>,
    } {sc.loop_unroll_factor = 2 : i64, sc.parallel_access}
    %run_scoped3A = arith.constant 0 : i32
    "tpu.region"() ({
      %run_scoped3A_664 = tpu.sem_alloc : memref<!tpu.dma_semaphore, #tpu.memory_space<semaphore_mem>>
      %dma_start3A_665 = tpu.memref_slice %arg10[%mul3A_54] : memref<10240xf32, #tpu.memory_space<vmem>> -> memref<640xf32, #tpu.memory_space<vmem>>
      %dma_start3A_666 = arith.constant 0 : i32
      %dma_start3A_667 = tpu.memref_slice %arg17[%run_scoped3A, %dma_start3A_666] : memref<16x10240xf32, #tpu.memory_space<vmem_shared>> -> memref<1x10240xf32, #tpu.memory_space<vmem_shared>>
      %dma_start3A_668 = tpu.memref_squeeze %dma_start3A_667 : memref<1x10240xf32, #tpu.memory_space<vmem_shared>> -> memref<10240xf32, #tpu.memory_space<vmem_shared>>
      %dma_start3A_669 = tpu.memref_slice %dma_start3A_668[%mul3A_54] : memref<10240xf32, #tpu.memory_space<vmem_shared>> -> memref<640xf32, #tpu.memory_space<vmem_shared>>
      %dma_start3A_670 = arith.constant 0 : i32
      %dma_start3A_671 = tpu.memref_slice %arg17[%run_scoped3A, %dma_start3A_670] : memref<16x10240xf32, #tpu.memory_space<vmem_shared>> -> memref<1x10240xf32, #tpu.memory_space<vmem_shared>>
      %dma_start3A_672 = tpu.memref_squeeze %dma_start3A_671 : memref<1x10240xf32, #tpu.memory_space<vmem_shared>> -> memref<10240xf32, #tpu.memory_space<vmem_shared>>
      %dma_start3A_673 = tpu.memref_slice %dma_start3A_672[%mul3A_54] : memref<10240xf32, #tpu.memory_space<vmem_shared>> -> memref<640xf32, #tpu.memory_space<vmem_shared>>
      %dma_start3A_674 = tpu.memref_slice %arg10[%mul3A_54] : memref<10240xf32, #tpu.memory_space<vmem>> -> memref<640xf32, #tpu.memory_space<vmem>>
      tpu.enqueue_dma source(%dma_start3A_674 : memref<640xf32, #tpu.memory_space<vmem>>) target(%dma_start3A_673 : memref<640xf32, #tpu.memory_space<vmem_shared>>) target_semaphore(%run_scoped3A_664 : memref<!tpu.dma_semaphore, #tpu.memory_space<semaphore_mem>>)
      %dma_wait3A_675 = tpu.memref_slice %arg10[%mul3A_54] : memref<10240xf32, #tpu.memory_space<vmem>> -> memref<640xf32, #tpu.memory_space<vmem>>
      %dma_wait3A_676 = arith.constant 0 : i32
      %dma_wait3A_677 = tpu.memref_slice %arg17[%run_scoped3A, %dma_wait3A_676] : memref<16x10240xf32, #tpu.memory_space<vmem_shared>> -> memref<1x10240xf32, #tpu.memory_space<vmem_shared>>
      %dma_wait3A_678 = tpu.memref_squeeze %dma_wait3A_677 : memref<1x10240xf32, #tpu.memory_space<vmem_shared>> -> memref<10240xf32, #tpu.memory_space<vmem_shared>>
      %dma_wait3A_679 = tpu.memref_slice %dma_wait3A_678[%mul3A_54] : memref<10240xf32, #tpu.memory_space<vmem_shared>> -> memref<640xf32, #tpu.memory_space<vmem_shared>>
      %dma_wait3A_680 = arith.constant 0 : i32
      %dma_wait3A_681 = tpu.memref_slice %arg17[%run_scoped3A, %dma_wait3A_680] : memref<16x10240xf32, #tpu.memory_space<vmem_shared>> -> memref<1x10240xf32, #tpu.memory_space<vmem_shared>>
      %dma_wait3A_682 = tpu.memref_squeeze %dma_wait3A_681 : memref<1x10240xf32, #tpu.memory_space<vmem_shared>> -> memref<10240xf32, #tpu.memory_space<vmem_shared>>
      %dma_wait3A_683 = tpu.memref_slice %dma_wait3A_682[%mul3A_54] : memref<10240xf32, #tpu.memory_space<vmem_shared>> -> memref<640xf32, #tpu.memory_space<vmem_shared>>
      %dma_wait3A_684 = tpu.memref_slice %arg10[%mul3A_54] : memref<10240xf32, #tpu.memory_space<vmem>> -> memref<640xf32, #tpu.memory_space<vmem>>
      tpu.wait_dma2 semaphore(%run_scoped3A_664 : memref<!tpu.dma_semaphore, #tpu.memory_space<semaphore_mem>>) src(%dma_wait3A_684 : memref<640xf32, #tpu.memory_space<vmem>>) dst(%dma_wait3A_683 : memref<640xf32, #tpu.memory_space<vmem_shared>>)
      tpu.yield
    }) : () -> ()
    %barrier3A_474 = arith.constant 0 : index
    tpu.barrier barrier_id(%barrier3A_474)
    %run_scoped3A_475 = arith.constant 0 : i32
    "tpu.region"() ({
      %run_scoped3A_664 = tpu.sem_alloc : memref<!tpu.dma_semaphore, #tpu.memory_space<semaphore_mem>>
      %dma_start3A_665 = arith.constant 0 : i32
      %dma_start3A_666 = tpu.memref_slice %arg17[%run_scoped3A_475, %dma_start3A_665] : memref<16x10240xf32, #tpu.memory_space<vmem_shared>> -> memref<1x10240xf32, #tpu.memory_space<vmem_shared>>
      %dma_start3A_667 = tpu.memref_squeeze %dma_start3A_666 : memref<1x10240xf32, #tpu.memory_space<vmem_shared>> -> memref<10240xf32, #tpu.memory_space<vmem_shared>>
      %dma_start3A_668 = arith.constant 0 : i32
      %dma_start3A_669 = tpu.memref_slice %arg17[%run_scoped3A_475, %dma_start3A_668] : memref<16x10240xf32, #tpu.memory_space<vmem_shared>> -> memref<1x10240xf32, #tpu.memory_space<vmem_shared>>
      %dma_start3A_670 = tpu.memref_squeeze %dma_start3A_669 : memref<1x10240xf32, #tpu.memory_space<vmem_shared>> -> memref<10240xf32, #tpu.memory_space<vmem_shared>>
      tpu.enqueue_dma source(%dma_start3A_670 : memref<10240xf32, #tpu.memory_space<vmem_shared>>) target(%arg10 : memref<10240xf32, #tpu.memory_space<vmem>>) target_semaphore(%run_scoped3A_664 : memref<!tpu.dma_semaphore, #tpu.memory_space<semaphore_mem>>)
      %dma_wait3A_671 = arith.constant 0 : i32
      %dma_wait3A_672 = tpu.memref_slice %arg17[%run_scoped3A_475, %dma_wait3A_671] : memref<16x10240xf32, #tpu.memory_space<vmem_shared>> -> memref<1x10240xf32, #tpu.memory_space<vmem_shared>>
      %dma_wait3A_673 = tpu.memref_squeeze %dma_wait3A_672 : memref<1x10240xf32, #tpu.memory_space<vmem_shared>> -> memref<10240xf32, #tpu.memory_space<vmem_shared>>
      %dma_wait3A_674 = arith.constant 0 : i32
      %dma_wait3A_675 = tpu.memref_slice %arg17[%run_scoped3A_475, %dma_wait3A_674] : memref<16x10240xf32, #tpu.memory_space<vmem_shared>> -> memref<1x10240xf32, #tpu.memory_space<vmem_shared>>
      %dma_wait3A_676 = tpu.memref_squeeze %dma_wait3A_675 : memref<1x10240xf32, #tpu.memory_space<vmem_shared>> -> memref<10240xf32, #tpu.memory_space<vmem_shared>>
      tpu.wait_dma2 semaphore(%run_scoped3A_664 : memref<!tpu.dma_semaphore, #tpu.memory_space<semaphore_mem>>) src(%dma_wait3A_676 : memref<10240xf32, #tpu.memory_space<vmem_shared>>) dst(%arg10 : memref<10240xf32, #tpu.memory_space<vmem>>)
      tpu.yield
    }) : () -> ()
    %dma_wait3A_476 = tpu.memref_slice %arg2[%add3A_35] : memref<320000xi32, #tpu.memory_space<hbm>> -> memref<10000xi32, #tpu.memory_space<hbm>>
    %dma_wait3A_477 = tpu.memref_slice %arg2[%add3A_35] : memref<320000xi32, #tpu.memory_space<hbm>> -> memref<10000xi32, #tpu.memory_space<hbm>>
    tpu.wait_dma2 semaphore(%arg19 : memref<!tpu.dma_semaphore, #tpu.memory_space<semaphore_mem>>) src(%dma_wait3A_477 : memref<10000xi32, #tpu.memory_space<hbm>>) dst(%arg13 : memref<10000xi32, #tpu.memory_space<vmem>>)
    %dma_wait3A_478 = tpu.memref_slice %arg3[%add3A_35] : memref<320000xf32, #tpu.memory_space<hbm>> -> memref<10000xf32, #tpu.memory_space<hbm>>
    %dma_wait3A_479 = tpu.memref_slice %arg3[%add3A_35] : memref<320000xf32, #tpu.memory_space<hbm>> -> memref<10000xf32, #tpu.memory_space<hbm>>
    tpu.wait_dma2 semaphore(%arg20 : memref<!tpu.dma_semaphore, #tpu.memory_space<semaphore_mem>>) src(%dma_wait3A_479 : memref<10000xf32, #tpu.memory_space<hbm>>) dst(%arg14 : memref<10000xf32, #tpu.memory_space<vmem>>)
    %parallel_loop3A_480 = arith.constant 0 : i32
    %parallel_loop3A_481 = arith.constant 625 : i32
    %parallel_loop3A_482 = arith.constant 1 : i32
    scf.for %parallel_loop3A_664 = %parallel_loop3A_480 to %parallel_loop3A_481 step %parallel_loop3A_482  : i32 {
      %parallel_loop3A_665 = arith.constant 16 : i32
      %parallel_loop3A_666 = arith.muli %parallel_loop3A_664, %parallel_loop3A_665 : i32
      %parallel_loop3A_667 = arith.index_cast %parallel_loop3A_666 : i32 to index
      %parallel_loop3A_668 = tpu.vector_load %arg13[%parallel_loop3A_667] {strides = array<i32>} : memref<10000xi32, #tpu.memory_space<vmem>>, vector<16xi32>,
      %parallel_loop3A_669 = arith.constant 14 : i32
      %parallel_loop3A_670 = vector.broadcast %parallel_loop3A_669 : i32 to vector<16xi32>
      %parallel_loop3A_671 = arith.shrsi %parallel_loop3A_668, %parallel_loop3A_670 : vector<16xi32>
      %parallel_loop3A_672 = tpu.vector_load_idx %arg10[%parallel_loop3A_671] : memref<10240xf32, #tpu.memory_space<vmem>>[vector<16xi32>], vector<16xf32>,
      %parallel_loop3A_673 = arith.constant 16383 : i32
      %parallel_loop3A_674 = vector.broadcast %parallel_loop3A_673 : i32 to vector<16xi32>
      %parallel_loop3A_675 = arith.andi %parallel_loop3A_668, %parallel_loop3A_674 : vector<16xi32>
      %parallel_loop3A_676 = tpu.vector_load_idx %arg10[%parallel_loop3A_675] : memref<10240xf32, #tpu.memory_space<vmem>>[vector<16xi32>], vector<16xf32>,
      %parallel_loop3A_677 = arith.index_cast %parallel_loop3A_666 : i32 to index
      %parallel_loop3A_678 = tpu.vector_load %arg14[%parallel_loop3A_677] {strides = array<i32>} : memref<10000xf32, #tpu.memory_space<vmem>>, vector<16xf32>,
      %parallel_loop3A_679 = arith.mulf %parallel_loop3A_672, %parallel_loop3A_678 : vector<16xf32>
      %parallel_loop3A_680 = arith.mulf %parallel_loop3A_679, %parallel_loop3A_676 : vector<16xf32>
      %parallel_loop3A_681 = arith.constant 0.000000e+00 : f32
      %parallel_loop3A_682 = vector.broadcast %parallel_loop3A_681 : f32 to vector<16xf32>
      %parallel_loop3A_683 = arith.subf %parallel_loop3A_682, %parallel_loop3A_680 : vector<16xf32>
      %parallel_loop3A_684 = arith.index_cast %parallel_loop3A_666 : i32 to index
      %parallel_loop3A_685 = tpu.vector_load %arg14[%parallel_loop3A_684] {strides = array<i32>} : memref<10000xf32, #tpu.memory_space<vmem>>, vector<16xf32>,
      tpu.vector_store %arg14[%parallel_loop3A_684], %parallel_loop3A_683 {strides = array<i32>} : memref<10000xf32, #tpu.memory_space<vmem>>, vector<16xf32>,
    } {sc.loop_unroll_factor = 4 : i64, sc.parallel_access}
    "tpu.region"() ({
      %run_scoped3A_664 = tpu.sem_alloc : memref<!tpu.dma_semaphore, #tpu.memory_space<semaphore_mem>>
      %dma_start3A_665 = tpu.memref_slice %arg18[%mul3A_32] : memref<160000xf32, #tpu.memory_space<vmem_shared>> -> memref<10000xf32, #tpu.memory_space<vmem_shared>>
      %dma_start3A_666 = tpu.memref_slice %arg18[%mul3A_32] : memref<160000xf32, #tpu.memory_space<vmem_shared>> -> memref<10000xf32, #tpu.memory_space<vmem_shared>>
      tpu.enqueue_dma source(%arg14 : memref<10000xf32, #tpu.memory_space<vmem>>) target(%dma_start3A_666 : memref<10000xf32, #tpu.memory_space<vmem_shared>>) target_semaphore(%run_scoped3A_664 : memref<!tpu.dma_semaphore, #tpu.memory_space<semaphore_mem>>)
      %dma_wait3A_667 = tpu.memref_slice %arg18[%mul3A_32] : memref<160000xf32, #tpu.memory_space<vmem_shared>> -> memref<10000xf32, #tpu.memory_space<vmem_shared>>
      %dma_wait3A_668 = tpu.memref_slice %arg18[%mul3A_32] : memref<160000xf32, #tpu.memory_space<vmem_shared>> -> memref<10000xf32, #tpu.memory_space<vmem_shared>>
      tpu.wait_dma2 semaphore(%run_scoped3A_664 : memref<!tpu.dma_semaphore, #tpu.memory_space<semaphore_mem>>) src(%arg14 : memref<10000xf32, #tpu.memory_space<vmem>>) dst(%dma_wait3A_668 : memref<10000xf32, #tpu.memory_space<vmem_shared>>)
      tpu.yield
    }) : () -> ()
    %eq3A_483 = arith.constant 0 : i32
    %eq3A_484 = arith.cmpi eq, %arg0, %eq3A_483 : i32
    %eq3A_485 = arith.constant 0 : i32
    %eq3A_486 = arith.cmpi eq, %arg1, %eq3A_485 : i32
    %and3A_487 = arith.andi %eq3A_484, %eq3A_486 : i1
    %convert_element_type3A = arith.extui %and3A_487 : i1 to i32
    %cond3A = arith.constant 0 : i32
    %cond3A_488 = arith.cmpi ne, %convert_element_type3A, %cond3A : i32
    scf.if %cond3A_488 {
      %parallel_loop3A_664 = arith.constant 0 : i32
      %parallel_loop3A_665 = arith.constant 625 : i32
      %parallel_loop3A_666 = arith.constant 1 : i32
      scf.for %parallel_loop3A_672 = %parallel_loop3A_664 to %parallel_loop3A_665 step %parallel_loop3A_666  : i32 {
        %parallel_loop3A_673 = arith.constant 16 : i32
        %parallel_loop3A_674 = arith.muli %parallel_loop3A_672, %parallel_loop3A_673 : i32
        %parallel_loop3A_675 = arith.index_cast %parallel_loop3A_674 : i32 to index
        %parallel_loop3A_676 = tpu.vector_load %arg12[%parallel_loop3A_675] {strides = array<i32>} : memref<10000xf32, #tpu.memory_space<vmem>>, vector<16xf32>,
        tpu.vector_store %arg12[%parallel_loop3A_675], %broadcast_in_dim3A_0 {strides = array<i32>} : memref<10000xf32, #tpu.memory_space<vmem>>, vector<16xf32>,
      } {sc.loop_unroll_factor = 4 : i64, sc.parallel_access}
      %broadcast_in_dim3A_667 = arith.constant 1.000000e+00 : f32
      %broadcast_in_dim3A_668 = vector.broadcast %broadcast_in_dim3A_667 : f32 to vector<16xf32>
      "tpu.region"() ({
        %run_scoped3A_672 = tpu.sem_alloc : memref<!tpu.dma_semaphore, #tpu.memory_space<semaphore_mem>>
        %dma_start3A_673 = arith.constant 0 : i32
        %dma_start3A_674 = tpu.memref_slice %arg13[%dma_start3A_673] : memref<10000xi32, #tpu.memory_space<vmem>> -> memref<4096xi32, #tpu.memory_space<vmem>>
        %dma_start3A_675 = arith.constant 0 : i32
        %dma_start3A_676 = tpu.memref_slice %arg13[%dma_start3A_675] : memref<10000xi32, #tpu.memory_space<vmem>> -> memref<4096xi32, #tpu.memory_space<vmem>>
        tpu.enqueue_dma source(%arg5 : memref<4096xi32, #tpu.memory_space<hbm>>) target(%dma_start3A_676 : memref<4096xi32, #tpu.memory_space<vmem>>) target_semaphore(%run_scoped3A_672 : memref<!tpu.dma_semaphore, #tpu.memory_space<semaphore_mem>>)
        %dma_wait3A_677 = arith.constant 0 : i32
        %dma_wait3A_678 = tpu.memref_slice %arg13[%dma_wait3A_677] : memref<10000xi32, #tpu.memory_space<vmem>> -> memref<4096xi32, #tpu.memory_space<vmem>>
        %dma_wait3A_679 = arith.constant 0 : i32
        %dma_wait3A_680 = tpu.memref_slice %arg13[%dma_wait3A_679] : memref<10000xi32, #tpu.memory_space<vmem>> -> memref<4096xi32, #tpu.memory_space<vmem>>
        tpu.wait_dma2 semaphore(%run_scoped3A_672 : memref<!tpu.dma_semaphore, #tpu.memory_space<semaphore_mem>>) src(%arg5 : memref<4096xi32, #tpu.memory_space<hbm>>) dst(%dma_wait3A_680 : memref<4096xi32, #tpu.memory_space<vmem>>)
        tpu.yield
      }) : () -> ()
      "tpu.region"() ({
        %run_scoped3A_672 = tpu.sem_alloc : memref<!tpu.dma_semaphore, #tpu.memory_space<semaphore_mem>>
        %dma_start3A_673 = arith.constant 4096 : i32
        %dma_start3A_674 = tpu.memref_slice %arg13[%dma_start3A_673] : memref<10000xi32, #tpu.memory_space<vmem>> -> memref<4096xi32, #tpu.memory_space<vmem>>
        %dma_start3A_675 = arith.constant 4096 : i32
        %dma_start3A_676 = tpu.memref_slice %arg13[%dma_start3A_675] : memref<10000xi32, #tpu.memory_space<vmem>> -> memref<4096xi32, #tpu.memory_space<vmem>>
        tpu.enqueue_dma source(%arg6 : memref<4096xi32, #tpu.memory_space<hbm>>) target(%dma_start3A_676 : memref<4096xi32, #tpu.memory_space<vmem>>) target_semaphore(%run_scoped3A_672 : memref<!tpu.dma_semaphore, #tpu.memory_space<semaphore_mem>>)
        %dma_wait3A_677 = arith.constant 4096 : i32
        %dma_wait3A_678 = tpu.memref_slice %arg13[%dma_wait3A_677] : memref<10000xi32, #tpu.memory_space<vmem>> -> memref<4096xi32, #tpu.memory_space<vmem>>
        %dma_wait3A_679 = arith.constant 4096 : i32
        %dma_wait3A_680 = tpu.memref_slice %arg13[%dma_wait3A_679] : memref<10000xi32, #tpu.memory_space<vmem>> -> memref<4096xi32, #tpu.memory_space<vmem>>
        tpu.wait_dma2 semaphore(%run_scoped3A_672 : memref<!tpu.dma_semaphore, #tpu.memory_space<semaphore_mem>>) src(%arg6 : memref<4096xi32, #tpu.memory_space<hbm>>) dst(%dma_wait3A_680 : memref<4096xi32, #tpu.memory_space<vmem>>)
        tpu.yield
      }) : () -> ()
      %parallel_loop3A_669 = arith.constant 0 : i32
      %parallel_loop3A_670 = arith.constant 512 : i32
      %parallel_loop3A_671 = arith.constant 1 : i32
      scf.for %parallel_loop3A_672 = %parallel_loop3A_669 to %parallel_loop3A_670 step %parallel_loop3A_671  : i32 {
        %parallel_loop3A_673 = arith.constant 16 : i32
        %parallel_loop3A_674 = arith.muli %parallel_loop3A_672, %parallel_loop3A_673 : i32
        %parallel_loop3A_675 = arith.index_cast %parallel_loop3A_674 : i32 to index
        %parallel_loop3A_676 = tpu.vector_load %arg13[%parallel_loop3A_675] {strides = array<i32>} : memref<10000xi32, #tpu.memory_space<vmem>>, vector<16xi32>,
        tpu.vector_store_idx %arg12[%parallel_loop3A_676], %broadcast_in_dim3A_668 {add = true} : memref<10000xf32, #tpu.memory_space<vmem>>[vector<16xi32>], vector<16xf32>,
      } {sc.loop_unroll_factor = 4 : i64, sc.parallel_access}
      "tpu.region"() ({
        %run_scoped3A_672 = tpu.sem_alloc : memref<!tpu.dma_semaphore, #tpu.memory_space<semaphore_mem>>
        tpu.enqueue_dma source(%arg12 : memref<10000xf32, #tpu.memory_space<vmem>>) target(%arg8 : memref<10000xf32, #tpu.memory_space<hbm>>) target_semaphore(%run_scoped3A_672 : memref<!tpu.dma_semaphore, #tpu.memory_space<semaphore_mem>>)
        tpu.wait_dma2 semaphore(%run_scoped3A_672 : memref<!tpu.dma_semaphore, #tpu.memory_space<semaphore_mem>>) src(%arg12 : memref<10000xf32, #tpu.memory_space<vmem>>) dst(%arg8 : memref<10000xf32, #tpu.memory_space<hbm>>)
        tpu.yield
      }) : () -> ()
    } else {
    }
    %parallel_loop3A_489 = arith.constant 0 : i32
    %parallel_loop3A_490 = arith.constant 625 : i32
    %parallel_loop3A_491 = arith.constant 1 : i32
    scf.for %parallel_loop3A_664 = %parallel_loop3A_489 to %parallel_loop3A_490 step %parallel_loop3A_491  : i32 {
      %parallel_loop3A_665 = arith.constant 16 : i32
      %parallel_loop3A_666 = arith.muli %parallel_loop3A_664, %parallel_loop3A_665 : i32
      %parallel_loop3A_667 = arith.index_cast %parallel_loop3A_666 : i32 to index
      %parallel_loop3A_668 = tpu.vector_load %arg12[%parallel_loop3A_667] {strides = array<i32>} : memref<10000xf32, #tpu.memory_space<vmem>>, vector<16xf32>,
      tpu.vector_store %arg12[%parallel_loop3A_667], %broadcast_in_dim3A_0 {strides = array<i32>} : memref<10000xf32, #tpu.memory_space<vmem>>, vector<16xf32>,
    } {sc.loop_unroll_factor = 4 : i64, sc.parallel_access}
    %dma_wait3A_492 = arith.constant 0 : i32
    %dma_wait3A_493 = tpu.memref_slice %arg4[%add3A_11, %dma_wait3A_492] : memref<16x10000xf32, #tpu.memory_space<hbm>> -> memref<1x10000xf32, #tpu.memory_space<hbm>>
    %dma_wait3A_494 = tpu.memref_squeeze %dma_wait3A_493 : memref<1x10000xf32, #tpu.memory_space<hbm>> -> memref<10000xf32, #tpu.memory_space<hbm>>
    %dma_wait3A_495 = arith.constant 0 : i32
    %dma_wait3A_496 = tpu.memref_slice %arg4[%add3A_11, %dma_wait3A_495] : memref<16x10000xf32, #tpu.memory_space<hbm>> -> memref<1x10000xf32, #tpu.memory_space<hbm>>
    %dma_wait3A_497 = tpu.memref_squeeze %dma_wait3A_496 : memref<1x10000xf32, #tpu.memory_space<hbm>> -> memref<10000xf32, #tpu.memory_space<hbm>>
    tpu.wait_dma2 semaphore(%arg25 : memref<!tpu.dma_semaphore, #tpu.memory_space<semaphore_mem>>) src(%dma_wait3A_497 : memref<10000xf32, #tpu.memory_space<hbm>>) dst(%arg9 : memref<10000xf32, #tpu.memory_space<vmem>>)
    %barrier3A_498 = arith.constant 0 : index
    tpu.barrier barrier_id(%barrier3A_498)
    %jit3A_499 = arith.constant 8 : i32
    %div3A = arith.divsi %arg1, %jit3A_499 : i32
    %sign3A = arith.constant 0 : i32
    %sign3A_500 = arith.cmpi sgt, %arg1, %sign3A : i32
    %sign3A_501 = arith.extui %sign3A_500 : i1 to i32
    %sign3A_502 = arith.constant 0 : i32
    %sign3A_503 = arith.cmpi slt, %arg1, %sign3A_502 : i32
    %sign3A_504 = arith.extui %sign3A_503 : i1 to i32
    %sign3A_505 = arith.subi %sign3A_501, %sign3A_504 : i32
    %sign3A_506 = arith.constant 0 : i32
    %sign3A_507 = arith.cmpi sgt, %jit3A_499, %sign3A_506 : i32
    %sign3A_508 = arith.extui %sign3A_507 : i1 to i32
    %sign3A_509 = arith.constant 0 : i32
    %sign3A_510 = arith.cmpi slt, %jit3A_499, %sign3A_509 : i32
    %sign3A_511 = arith.extui %sign3A_510 : i1 to i32
    %sign3A_512 = arith.subi %sign3A_508, %sign3A_511 : i32
    %ne3A_513 = arith.cmpi ne, %sign3A_505, %sign3A_512 : i32
    %rem3A_514 = arith.remsi %arg1, %jit3A_499 : i32
    %ne3A_515 = arith.constant 0 : i32
    %ne3A_516 = arith.cmpi ne, %rem3A_514, %ne3A_515 : i32
    %and3A_517 = arith.andi %ne3A_513, %ne3A_516 : i1
    %sub3A = arith.constant 1 : i32
    %sub3A_518 = arith.subi %div3A, %sub3A : i32
    %select_n3A_519 = arith.select %and3A_517, %sub3A_518, %div3A : i32
    %mul3A_520 = arith.constant 80000 : i32
    %mul3A_521 = arith.muli %select_n3A_519, %mul3A_520 : i32
    %add3A_522 = arith.constant 0 : i32
    %add3A_523 = arith.addi %mul3A_521, %add3A_522 : i32
    %mul3A_524 = arith.constant 160000 : i32
    %mul3A_525 = arith.muli %arg0, %mul3A_524 : i32
    %add3A_526 = arith.addi %mul3A_525, %add3A_523 : i32
    %dma_start3A_527 = tpu.memref_slice %arg2[%add3A_526] : memref<320000xi32, #tpu.memory_space<hbm>> -> memref<10000xi32, #tpu.memory_space<hbm>>
    %dma_start3A_528 = tpu.memref_slice %arg2[%add3A_526] : memref<320000xi32, #tpu.memory_space<hbm>> -> memref<10000xi32, #tpu.memory_space<hbm>>
    tpu.enqueue_dma source(%dma_start3A_528 : memref<10000xi32, #tpu.memory_space<hbm>>) target(%arg13 : memref<10000xi32, #tpu.memory_space<vmem>>) target_semaphore(%arg19 : memref<!tpu.dma_semaphore, #tpu.memory_space<semaphore_mem>>)
    %dma_start3A_529 = tpu.memref_slice %arg18[%add3A_523] : memref<160000xf32, #tpu.memory_space<vmem_shared>> -> memref<10000xf32, #tpu.memory_space<vmem_shared>>
    %dma_start3A_530 = tpu.memref_slice %arg18[%add3A_523] : memref<160000xf32, #tpu.memory_space<vmem_shared>> -> memref<10000xf32, #tpu.memory_space<vmem_shared>>
    tpu.enqueue_dma source(%dma_start3A_530 : memref<10000xf32, #tpu.memory_space<vmem_shared>>) target(%arg14 : memref<10000xf32, #tpu.memory_space<vmem>>) target_semaphore(%arg20 : memref<!tpu.dma_semaphore, #tpu.memory_space<semaphore_mem>>)
    %mul3A_531 = arith.constant 80000 : i32
    %mul3A_532 = arith.muli %select_n3A_519, %mul3A_531 : i32
    %add3A_533 = arith.constant 10000 : i32
    %add3A_534 = arith.addi %mul3A_532, %add3A_533 : i32
    %mul3A_535 = arith.constant 160000 : i32
    %mul3A_536 = arith.muli %arg0, %mul3A_535 : i32
    %add3A_537 = arith.addi %mul3A_536, %add3A_534 : i32
    %dma_start3A_538 = tpu.memref_slice %arg2[%add3A_537] : memref<320000xi32, #tpu.memory_space<hbm>> -> memref<10000xi32, #tpu.memory_space<hbm>>
    %dma_start3A_539 = tpu.memref_slice %arg2[%add3A_537] : memref<320000xi32, #tpu.memory_space<hbm>> -> memref<10000xi32, #tpu.memory_space<hbm>>
    tpu.enqueue_dma source(%dma_start3A_539 : memref<10000xi32, #tpu.memory_space<hbm>>) target(%arg15 : memref<10000xi32, #tpu.memory_space<vmem>>) target_semaphore(%arg21 : memref<!tpu.dma_semaphore, #tpu.memory_space<semaphore_mem>>)
    %dma_start3A_540 = tpu.memref_slice %arg18[%add3A_534] : memref<160000xf32, #tpu.memory_space<vmem_shared>> -> memref<10000xf32, #tpu.memory_space<vmem_shared>>
    %dma_start3A_541 = tpu.memref_slice %arg18[%add3A_534] : memref<160000xf32, #tpu.memory_space<vmem_shared>> -> memref<10000xf32, #tpu.memory_space<vmem_shared>>
    tpu.enqueue_dma source(%dma_start3A_541 : memref<10000xf32, #tpu.memory_space<vmem_shared>>) target(%arg16 : memref<10000xf32, #tpu.memory_space<vmem>>) target_semaphore(%arg22 : memref<!tpu.dma_semaphore, #tpu.memory_space<semaphore_mem>>)
    %dma_wait3A_542 = tpu.memref_slice %arg2[%add3A_526] : memref<320000xi32, #tpu.memory_space<hbm>> -> memref<10000xi32, #tpu.memory_space<hbm>>
    %dma_wait3A_543 = tpu.memref_slice %arg2[%add3A_526] : memref<320000xi32, #tpu.memory_space<hbm>> -> memref<10000xi32, #tpu.memory_space<hbm>>
    tpu.wait_dma2 semaphore(%arg19 : memref<!tpu.dma_semaphore, #tpu.memory_space<semaphore_mem>>) src(%dma_wait3A_543 : memref<10000xi32, #tpu.memory_space<hbm>>) dst(%arg13 : memref<10000xi32, #tpu.memory_space<vmem>>)
    %dma_wait3A_544 = tpu.memref_slice %arg18[%add3A_523] : memref<160000xf32, #tpu.memory_space<vmem_shared>> -> memref<10000xf32, #tpu.memory_space<vmem_shared>>
    %dma_wait3A_545 = tpu.memref_slice %arg18[%add3A_523] : memref<160000xf32, #tpu.memory_space<vmem_shared>> -> memref<10000xf32, #tpu.memory_space<vmem_shared>>
    tpu.wait_dma2 semaphore(%arg20 : memref<!tpu.dma_semaphore, #tpu.memory_space<semaphore_mem>>) src(%dma_wait3A_545 : memref<10000xf32, #tpu.memory_space<vmem_shared>>) dst(%arg14 : memref<10000xf32, #tpu.memory_space<vmem>>)
    %parallel_loop3A_546 = arith.constant 0 : i32
    %parallel_loop3A_547 = arith.constant 625 : i32
    %parallel_loop3A_548 = arith.constant 1 : i32
    scf.for %parallel_loop3A_664 = %parallel_loop3A_546 to %parallel_loop3A_547 step %parallel_loop3A_548  : i32 {
      %parallel_loop3A_665 = arith.constant 16 : i32
      %parallel_loop3A_666 = arith.muli %parallel_loop3A_664, %parallel_loop3A_665 : i32
      %parallel_loop3A_667 = arith.index_cast %parallel_loop3A_666 : i32 to index
      %parallel_loop3A_668 = tpu.vector_load %arg13[%parallel_loop3A_667] {strides = array<i32>} : memref<10000xi32, #tpu.memory_space<vmem>>, vector<16xi32>,
      %parallel_loop3A_669 = arith.index_cast %parallel_loop3A_666 : i32 to index
      %parallel_loop3A_670 = tpu.vector_load %arg14[%parallel_loop3A_669] {strides = array<i32>} : memref<10000xf32, #tpu.memory_space<vmem>>, vector<16xf32>,
      %parallel_loop3A_671 = arith.constant 14 : i32
      %parallel_loop3A_672 = vector.broadcast %parallel_loop3A_671 : i32 to vector<16xi32>
      %parallel_loop3A_673 = arith.shrsi %parallel_loop3A_668, %parallel_loop3A_672 : vector<16xi32>
      %parallel_loop3A_674 = tpu.vector_load_idx %arg9[%parallel_loop3A_673] : memref<10000xf32, #tpu.memory_space<vmem>>[vector<16xi32>], vector<16xf32>,
      %parallel_loop3A_675 = arith.constant 16383 : i32
      %parallel_loop3A_676 = vector.broadcast %parallel_loop3A_675 : i32 to vector<16xi32>
      %parallel_loop3A_677 = arith.andi %parallel_loop3A_668, %parallel_loop3A_676 : vector<16xi32>
      %parallel_loop3A_678 = arith.mulf %parallel_loop3A_670, %parallel_loop3A_674 : vector<16xf32>
      tpu.vector_store_idx %arg12[%parallel_loop3A_677], %parallel_loop3A_678 {add = true} : memref<10000xf32, #tpu.memory_space<vmem>>[vector<16xi32>], vector<16xf32>,
    } {sc.loop_unroll_factor = 4 : i64, sc.parallel_access}
    %mul3A_549 = arith.constant 80000 : i32
    %mul3A_550 = arith.muli %select_n3A_519, %mul3A_549 : i32
    %add3A_551 = arith.constant 20000 : i32
    %add3A_552 = arith.addi %mul3A_550, %add3A_551 : i32
    %mul3A_553 = arith.constant 160000 : i32
    %mul3A_554 = arith.muli %arg0, %mul3A_553 : i32
    %add3A_555 = arith.addi %mul3A_554, %add3A_552 : i32
    %dma_start3A_556 = tpu.memref_slice %arg2[%add3A_555] : memref<320000xi32, #tpu.memory_space<hbm>> -> memref<10000xi32, #tpu.memory_space<hbm>>
    %dma_start3A_557 = tpu.memref_slice %arg2[%add3A_555] : memref<320000xi32, #tpu.memory_space<hbm>> -> memref<10000xi32, #tpu.memory_space<hbm>>
    tpu.enqueue_dma source(%dma_start3A_557 : memref<10000xi32, #tpu.memory_space<hbm>>) target(%arg13 : memref<10000xi32, #tpu.memory_space<vmem>>) target_semaphore(%arg19 : memref<!tpu.dma_semaphore, #tpu.memory_space<semaphore_mem>>)
    %dma_start3A_558 = tpu.memref_slice %arg18[%add3A_552] : memref<160000xf32, #tpu.memory_space<vmem_shared>> -> memref<10000xf32, #tpu.memory_space<vmem_shared>>
    %dma_start3A_559 = tpu.memref_slice %arg18[%add3A_552] : memref<160000xf32, #tpu.memory_space<vmem_shared>> -> memref<10000xf32, #tpu.memory_space<vmem_shared>>
    tpu.enqueue_dma source(%dma_start3A_559 : memref<10000xf32, #tpu.memory_space<vmem_shared>>) target(%arg14 : memref<10000xf32, #tpu.memory_space<vmem>>) target_semaphore(%arg20 : memref<!tpu.dma_semaphore, #tpu.memory_space<semaphore_mem>>)
    %dma_wait3A_560 = tpu.memref_slice %arg2[%add3A_537] : memref<320000xi32, #tpu.memory_space<hbm>> -> memref<10000xi32, #tpu.memory_space<hbm>>
    %dma_wait3A_561 = tpu.memref_slice %arg2[%add3A_537] : memref<320000xi32, #tpu.memory_space<hbm>> -> memref<10000xi32, #tpu.memory_space<hbm>>
    tpu.wait_dma2 semaphore(%arg21 : memref<!tpu.dma_semaphore, #tpu.memory_space<semaphore_mem>>) src(%dma_wait3A_561 : memref<10000xi32, #tpu.memory_space<hbm>>) dst(%arg15 : memref<10000xi32, #tpu.memory_space<vmem>>)
    %dma_wait3A_562 = tpu.memref_slice %arg18[%add3A_534] : memref<160000xf32, #tpu.memory_space<vmem_shared>> -> memref<10000xf32, #tpu.memory_space<vmem_shared>>
    %dma_wait3A_563 = tpu.memref_slice %arg18[%add3A_534] : memref<160000xf32, #tpu.memory_space<vmem_shared>> -> memref<10000xf32, #tpu.memory_space<vmem_shared>>
    tpu.wait_dma2 semaphore(%arg22 : memref<!tpu.dma_semaphore, #tpu.memory_space<semaphore_mem>>) src(%dma_wait3A_563 : memref<10000xf32, #tpu.memory_space<vmem_shared>>) dst(%arg16 : memref<10000xf32, #tpu.memory_space<vmem>>)
    %parallel_loop3A_564 = arith.constant 0 : i32
    %parallel_loop3A_565 = arith.constant 625 : i32
    %parallel_loop3A_566 = arith.constant 1 : i32
    scf.for %parallel_loop3A_664 = %parallel_loop3A_564 to %parallel_loop3A_565 step %parallel_loop3A_566  : i32 {
      %parallel_loop3A_665 = arith.constant 16 : i32
      %parallel_loop3A_666 = arith.muli %parallel_loop3A_664, %parallel_loop3A_665 : i32
      %parallel_loop3A_667 = arith.index_cast %parallel_loop3A_666 : i32 to index
      %parallel_loop3A_668 = tpu.vector_load %arg15[%parallel_loop3A_667] {strides = array<i32>} : memref<10000xi32, #tpu.memory_space<vmem>>, vector<16xi32>,
      %parallel_loop3A_669 = arith.index_cast %parallel_loop3A_666 : i32 to index
      %parallel_loop3A_670 = tpu.vector_load %arg16[%parallel_loop3A_669] {strides = array<i32>} : memref<10000xf32, #tpu.memory_space<vmem>>, vector<16xf32>,
      %parallel_loop3A_671 = arith.constant 14 : i32
      %parallel_loop3A_672 = vector.broadcast %parallel_loop3A_671 : i32 to vector<16xi32>
      %parallel_loop3A_673 = arith.shrsi %parallel_loop3A_668, %parallel_loop3A_672 : vector<16xi32>
      %parallel_loop3A_674 = tpu.vector_load_idx %arg9[%parallel_loop3A_673] : memref<10000xf32, #tpu.memory_space<vmem>>[vector<16xi32>], vector<16xf32>,
      %parallel_loop3A_675 = arith.constant 16383 : i32
      %parallel_loop3A_676 = vector.broadcast %parallel_loop3A_675 : i32 to vector<16xi32>
      %parallel_loop3A_677 = arith.andi %parallel_loop3A_668, %parallel_loop3A_676 : vector<16xi32>
      %parallel_loop3A_678 = arith.mulf %parallel_loop3A_670, %parallel_loop3A_674 : vector<16xf32>
      tpu.vector_store_idx %arg12[%parallel_loop3A_677], %parallel_loop3A_678 {add = true} : memref<10000xf32, #tpu.memory_space<vmem>>[vector<16xi32>], vector<16xf32>,
    } {sc.loop_unroll_factor = 4 : i64, sc.parallel_access}
    %mul3A_567 = arith.constant 80000 : i32
    %mul3A_568 = arith.muli %select_n3A_519, %mul3A_567 : i32
    %add3A_569 = arith.constant 30000 : i32
    %add3A_570 = arith.addi %mul3A_568, %add3A_569 : i32
    %mul3A_571 = arith.constant 160000 : i32
    %mul3A_572 = arith.muli %arg0, %mul3A_571 : i32
    %add3A_573 = arith.addi %mul3A_572, %add3A_570 : i32
    %dma_start3A_574 = tpu.memref_slice %arg2[%add3A_573] : memref<320000xi32, #tpu.memory_space<hbm>> -> memref<10000xi32, #tpu.memory_space<hbm>>
    %dma_start3A_575 = tpu.memref_slice %arg2[%add3A_573] : memref<320000xi32, #tpu.memory_space<hbm>> -> memref<10000xi32, #tpu.memory_space<hbm>>
    tpu.enqueue_dma source(%dma_start3A_575 : memref<10000xi32, #tpu.memory_space<hbm>>) target(%arg15 : memref<10000xi32, #tpu.memory_space<vmem>>) target_semaphore(%arg21 : memref<!tpu.dma_semaphore, #tpu.memory_space<semaphore_mem>>)
    %dma_start3A_576 = tpu.memref_slice %arg18[%add3A_570] : memref<160000xf32, #tpu.memory_space<vmem_shared>> -> memref<10000xf32, #tpu.memory_space<vmem_shared>>
    %dma_start3A_577 = tpu.memref_slice %arg18[%add3A_570] : memref<160000xf32, #tpu.memory_space<vmem_shared>> -> memref<10000xf32, #tpu.memory_space<vmem_shared>>
    tpu.enqueue_dma source(%dma_start3A_577 : memref<10000xf32, #tpu.memory_space<vmem_shared>>) target(%arg16 : memref<10000xf32, #tpu.memory_space<vmem>>) target_semaphore(%arg22 : memref<!tpu.dma_semaphore, #tpu.memory_space<semaphore_mem>>)
    %dma_wait3A_578 = tpu.memref_slice %arg2[%add3A_555] : memref<320000xi32, #tpu.memory_space<hbm>> -> memref<10000xi32, #tpu.memory_space<hbm>>
    %dma_wait3A_579 = tpu.memref_slice %arg2[%add3A_555] : memref<320000xi32, #tpu.memory_space<hbm>> -> memref<10000xi32, #tpu.memory_space<hbm>>
    tpu.wait_dma2 semaphore(%arg19 : memref<!tpu.dma_semaphore, #tpu.memory_space<semaphore_mem>>) src(%dma_wait3A_579 : memref<10000xi32, #tpu.memory_space<hbm>>) dst(%arg13 : memref<10000xi32, #tpu.memory_space<vmem>>)
    %dma_wait3A_580 = tpu.memref_slice %arg18[%add3A_552] : memref<160000xf32, #tpu.memory_space<vmem_shared>> -> memref<10000xf32, #tpu.memory_space<vmem_shared>>
    %dma_wait3A_581 = tpu.memref_slice %arg18[%add3A_552] : memref<160000xf32, #tpu.memory_space<vmem_shared>> -> memref<10000xf32, #tpu.memory_space<vmem_shared>>
    tpu.wait_dma2 semaphore(%arg20 : memref<!tpu.dma_semaphore, #tpu.memory_space<semaphore_mem>>) src(%dma_wait3A_581 : memref<10000xf32, #tpu.memory_space<vmem_shared>>) dst(%arg14 : memref<10000xf32, #tpu.memory_space<vmem>>)
    %parallel_loop3A_582 = arith.constant 0 : i32
    %parallel_loop3A_583 = arith.constant 625 : i32
    %parallel_loop3A_584 = arith.constant 1 : i32
    scf.for %parallel_loop3A_664 = %parallel_loop3A_582 to %parallel_loop3A_583 step %parallel_loop3A_584  : i32 {
      %parallel_loop3A_665 = arith.constant 16 : i32
      %parallel_loop3A_666 = arith.muli %parallel_loop3A_664, %parallel_loop3A_665 : i32
      %parallel_loop3A_667 = arith.index_cast %parallel_loop3A_666 : i32 to index
      %parallel_loop3A_668 = tpu.vector_load %arg13[%parallel_loop3A_667] {strides = array<i32>} : memref<10000xi32, #tpu.memory_space<vmem>>, vector<16xi32>,
      %parallel_loop3A_669 = arith.index_cast %parallel_loop3A_666 : i32 to index
      %parallel_loop3A_670 = tpu.vector_load %arg14[%parallel_loop3A_669] {strides = array<i32>} : memref<10000xf32, #tpu.memory_space<vmem>>, vector<16xf32>,
      %parallel_loop3A_671 = arith.constant 14 : i32
      %parallel_loop3A_672 = vector.broadcast %parallel_loop3A_671 : i32 to vector<16xi32>
      %parallel_loop3A_673 = arith.shrsi %parallel_loop3A_668, %parallel_loop3A_672 : vector<16xi32>
      %parallel_loop3A_674 = tpu.vector_load_idx %arg9[%parallel_loop3A_673] : memref<10000xf32, #tpu.memory_space<vmem>>[vector<16xi32>], vector<16xf32>,
      %parallel_loop3A_675 = arith.constant 16383 : i32
      %parallel_loop3A_676 = vector.broadcast %parallel_loop3A_675 : i32 to vector<16xi32>
      %parallel_loop3A_677 = arith.andi %parallel_loop3A_668, %parallel_loop3A_676 : vector<16xi32>
      %parallel_loop3A_678 = arith.mulf %parallel_loop3A_670, %parallel_loop3A_674 : vector<16xf32>
      tpu.vector_store_idx %arg12[%parallel_loop3A_677], %parallel_loop3A_678 {add = true} : memref<10000xf32, #tpu.memory_space<vmem>>[vector<16xi32>], vector<16xf32>,
    } {sc.loop_unroll_factor = 4 : i64, sc.parallel_access}
    %mul3A_585 = arith.constant 80000 : i32
    %mul3A_586 = arith.muli %select_n3A_519, %mul3A_585 : i32
    %add3A_587 = arith.constant 40000 : i32
    %add3A_588 = arith.addi %mul3A_586, %add3A_587 : i32
    %mul3A_589 = arith.constant 160000 : i32
    %mul3A_590 = arith.muli %arg0, %mul3A_589 : i32
    %add3A_591 = arith.addi %mul3A_590, %add3A_588 : i32
    %dma_start3A_592 = tpu.memref_slice %arg2[%add3A_591] : memref<320000xi32, #tpu.memory_space<hbm>> -> memref<10000xi32, #tpu.memory_space<hbm>>
    %dma_start3A_593 = tpu.memref_slice %arg2[%add3A_591] : memref<320000xi32, #tpu.memory_space<hbm>> -> memref<10000xi32, #tpu.memory_space<hbm>>
    tpu.enqueue_dma source(%dma_start3A_593 : memref<10000xi32, #tpu.memory_space<hbm>>) target(%arg13 : memref<10000xi32, #tpu.memory_space<vmem>>) target_semaphore(%arg19 : memref<!tpu.dma_semaphore, #tpu.memory_space<semaphore_mem>>)
    %dma_start3A_594 = tpu.memref_slice %arg18[%add3A_588] : memref<160000xf32, #tpu.memory_space<vmem_shared>> -> memref<10000xf32, #tpu.memory_space<vmem_shared>>
    %dma_start3A_595 = tpu.memref_slice %arg18[%add3A_588] : memref<160000xf32, #tpu.memory_space<vmem_shared>> -> memref<10000xf32, #tpu.memory_space<vmem_shared>>
    tpu.enqueue_dma source(%dma_start3A_595 : memref<10000xf32, #tpu.memory_space<vmem_shared>>) target(%arg14 : memref<10000xf32, #tpu.memory_space<vmem>>) target_semaphore(%arg20 : memref<!tpu.dma_semaphore, #tpu.memory_space<semaphore_mem>>)
    %dma_wait3A_596 = tpu.memref_slice %arg2[%add3A_573] : memref<320000xi32, #tpu.memory_space<hbm>> -> memref<10000xi32, #tpu.memory_space<hbm>>
    %dma_wait3A_597 = tpu.memref_slice %arg2[%add3A_573] : memref<320000xi32, #tpu.memory_space<hbm>> -> memref<10000xi32, #tpu.memory_space<hbm>>
    tpu.wait_dma2 semaphore(%arg21 : memref<!tpu.dma_semaphore, #tpu.memory_space<semaphore_mem>>) src(%dma_wait3A_597 : memref<10000xi32, #tpu.memory_space<hbm>>) dst(%arg15 : memref<10000xi32, #tpu.memory_space<vmem>>)
    %dma_wait3A_598 = tpu.memref_slice %arg18[%add3A_570] : memref<160000xf32, #tpu.memory_space<vmem_shared>> -> memref<10000xf32, #tpu.memory_space<vmem_shared>>
    %dma_wait3A_599 = tpu.memref_slice %arg18[%add3A_570] : memref<160000xf32, #tpu.memory_space<vmem_shared>> -> memref<10000xf32, #tpu.memory_space<vmem_shared>>
    tpu.wait_dma2 semaphore(%arg22 : memref<!tpu.dma_semaphore, #tpu.memory_space<semaphore_mem>>) src(%dma_wait3A_599 : memref<10000xf32, #tpu.memory_space<vmem_shared>>) dst(%arg16 : memref<10000xf32, #tpu.memory_space<vmem>>)
    %parallel_loop3A_600 = arith.constant 0 : i32
    %parallel_loop3A_601 = arith.constant 625 : i32
    %parallel_loop3A_602 = arith.constant 1 : i32
    scf.for %parallel_loop3A_664 = %parallel_loop3A_600 to %parallel_loop3A_601 step %parallel_loop3A_602  : i32 {
      %parallel_loop3A_665 = arith.constant 16 : i32
      %parallel_loop3A_666 = arith.muli %parallel_loop3A_664, %parallel_loop3A_665 : i32
      %parallel_loop3A_667 = arith.index_cast %parallel_loop3A_666 : i32 to index
      %parallel_loop3A_668 = tpu.vector_load %arg15[%parallel_loop3A_667] {strides = array<i32>} : memref<10000xi32, #tpu.memory_space<vmem>>, vector<16xi32>,
      %parallel_loop3A_669 = arith.index_cast %parallel_loop3A_666 : i32 to index
      %parallel_loop3A_670 = tpu.vector_load %arg16[%parallel_loop3A_669] {strides = array<i32>} : memref<10000xf32, #tpu.memory_space<vmem>>, vector<16xf32>,
      %parallel_loop3A_671 = arith.constant 14 : i32
      %parallel_loop3A_672 = vector.broadcast %parallel_loop3A_671 : i32 to vector<16xi32>
      %parallel_loop3A_673 = arith.shrsi %parallel_loop3A_668, %parallel_loop3A_672 : vector<16xi32>
      %parallel_loop3A_674 = tpu.vector_load_idx %arg9[%parallel_loop3A_673] : memref<10000xf32, #tpu.memory_space<vmem>>[vector<16xi32>], vector<16xf32>,
      %parallel_loop3A_675 = arith.constant 16383 : i32
      %parallel_loop3A_676 = vector.broadcast %parallel_loop3A_675 : i32 to vector<16xi32>
      %parallel_loop3A_677 = arith.andi %parallel_loop3A_668, %parallel_loop3A_676 : vector<16xi32>
      %parallel_loop3A_678 = arith.mulf %parallel_loop3A_670, %parallel_loop3A_674 : vector<16xf32>
      tpu.vector_store_idx %arg12[%parallel_loop3A_677], %parallel_loop3A_678 {add = true} : memref<10000xf32, #tpu.memory_space<vmem>>[vector<16xi32>], vector<16xf32>,
    } {sc.loop_unroll_factor = 4 : i64, sc.parallel_access}
    %mul3A_603 = arith.constant 80000 : i32
    %mul3A_604 = arith.muli %select_n3A_519, %mul3A_603 : i32
    %add3A_605 = arith.constant 50000 : i32
    %add3A_606 = arith.addi %mul3A_604, %add3A_605 : i32
    %mul3A_607 = arith.constant 160000 : i32
    %mul3A_608 = arith.muli %arg0, %mul3A_607 : i32
    %add3A_609 = arith.addi %mul3A_608, %add3A_606 : i32
    %dma_start3A_610 = tpu.memref_slice %arg2[%add3A_609] : memref<320000xi32, #tpu.memory_space<hbm>> -> memref<10000xi32, #tpu.memory_space<hbm>>
    %dma_start3A_611 = tpu.memref_slice %arg2[%add3A_609] : memref<320000xi32, #tpu.memory_space<hbm>> -> memref<10000xi32, #tpu.memory_space<hbm>>
    tpu.enqueue_dma source(%dma_start3A_611 : memref<10000xi32, #tpu.memory_space<hbm>>) target(%arg15 : memref<10000xi32, #tpu.memory_space<vmem>>) target_semaphore(%arg21 : memref<!tpu.dma_semaphore, #tpu.memory_space<semaphore_mem>>)
    %dma_start3A_612 = tpu.memref_slice %arg18[%add3A_606] : memref<160000xf32, #tpu.memory_space<vmem_shared>> -> memref<10000xf32, #tpu.memory_space<vmem_shared>>
    %dma_start3A_613 = tpu.memref_slice %arg18[%add3A_606] : memref<160000xf32, #tpu.memory_space<vmem_shared>> -> memref<10000xf32, #tpu.memory_space<vmem_shared>>
    tpu.enqueue_dma source(%dma_start3A_613 : memref<10000xf32, #tpu.memory_space<vmem_shared>>) target(%arg16 : memref<10000xf32, #tpu.memory_space<vmem>>) target_semaphore(%arg22 : memref<!tpu.dma_semaphore, #tpu.memory_space<semaphore_mem>>)
    %dma_wait3A_614 = tpu.memref_slice %arg2[%add3A_591] : memref<320000xi32, #tpu.memory_space<hbm>> -> memref<10000xi32, #tpu.memory_space<hbm>>
    %dma_wait3A_615 = tpu.memref_slice %arg2[%add3A_591] : memref<320000xi32, #tpu.memory_space<hbm>> -> memref<10000xi32, #tpu.memory_space<hbm>>
    tpu.wait_dma2 semaphore(%arg19 : memref<!tpu.dma_semaphore, #tpu.memory_space<semaphore_mem>>) src(%dma_wait3A_615 : memref<10000xi32, #tpu.memory_space<hbm>>) dst(%arg13 : memref<10000xi32, #tpu.memory_space<vmem>>)
    %dma_wait3A_616 = tpu.memref_slice %arg18[%add3A_588] : memref<160000xf32, #tpu.memory_space<vmem_shared>> -> memref<10000xf32, #tpu.memory_space<vmem_shared>>
    %dma_wait3A_617 = tpu.memref_slice %arg18[%add3A_588] : memref<160000xf32, #tpu.memory_space<vmem_shared>> -> memref<10000xf32, #tpu.memory_space<vmem_shared>>
    tpu.wait_dma2 semaphore(%arg20 : memref<!tpu.dma_semaphore, #tpu.memory_space<semaphore_mem>>) src(%dma_wait3A_617 : memref<10000xf32, #tpu.memory_space<vmem_shared>>) dst(%arg14 : memref<10000xf32, #tpu.memory_space<vmem>>)
    %parallel_loop3A_618 = arith.constant 0 : i32
    %parallel_loop3A_619 = arith.constant 625 : i32
    %parallel_loop3A_620 = arith.constant 1 : i32
    scf.for %parallel_loop3A_664 = %parallel_loop3A_618 to %parallel_loop3A_619 step %parallel_loop3A_620  : i32 {
      %parallel_loop3A_665 = arith.constant 16 : i32
      %parallel_loop3A_666 = arith.muli %parallel_loop3A_664, %parallel_loop3A_665 : i32
      %parallel_loop3A_667 = arith.index_cast %parallel_loop3A_666 : i32 to index
      %parallel_loop3A_668 = tpu.vector_load %arg13[%parallel_loop3A_667] {strides = array<i32>} : memref<10000xi32, #tpu.memory_space<vmem>>, vector<16xi32>,
      %parallel_loop3A_669 = arith.index_cast %parallel_loop3A_666 : i32 to index
      %parallel_loop3A_670 = tpu.vector_load %arg14[%parallel_loop3A_669] {strides = array<i32>} : memref<10000xf32, #tpu.memory_space<vmem>>, vector<16xf32>,
      %parallel_loop3A_671 = arith.constant 14 : i32
      %parallel_loop3A_672 = vector.broadcast %parallel_loop3A_671 : i32 to vector<16xi32>
      %parallel_loop3A_673 = arith.shrsi %parallel_loop3A_668, %parallel_loop3A_672 : vector<16xi32>
      %parallel_loop3A_674 = tpu.vector_load_idx %arg9[%parallel_loop3A_673] : memref<10000xf32, #tpu.memory_space<vmem>>[vector<16xi32>], vector<16xf32>,
      %parallel_loop3A_675 = arith.constant 16383 : i32
      %parallel_loop3A_676 = vector.broadcast %parallel_loop3A_675 : i32 to vector<16xi32>
      %parallel_loop3A_677 = arith.andi %parallel_loop3A_668, %parallel_loop3A_676 : vector<16xi32>
      %parallel_loop3A_678 = arith.mulf %parallel_loop3A_670, %parallel_loop3A_674 : vector<16xf32>
      tpu.vector_store_idx %arg12[%parallel_loop3A_677], %parallel_loop3A_678 {add = true} : memref<10000xf32, #tpu.memory_space<vmem>>[vector<16xi32>], vector<16xf32>,
    } {sc.loop_unroll_factor = 4 : i64, sc.parallel_access}
    %mul3A_621 = arith.constant 80000 : i32
    %mul3A_622 = arith.muli %select_n3A_519, %mul3A_621 : i32
    %add3A_623 = arith.constant 60000 : i32
    %add3A_624 = arith.addi %mul3A_622, %add3A_623 : i32
    %mul3A_625 = arith.constant 160000 : i32
    %mul3A_626 = arith.muli %arg0, %mul3A_625 : i32
    %add3A_627 = arith.addi %mul3A_626, %add3A_624 : i32
    %dma_start3A_628 = tpu.memref_slice %arg2[%add3A_627] : memref<320000xi32, #tpu.memory_space<hbm>> -> memref<10000xi32, #tpu.memory_space<hbm>>
    %dma_start3A_629 = tpu.memref_slice %arg2[%add3A_627] : memref<320000xi32, #tpu.memory_space<hbm>> -> memref<10000xi32, #tpu.memory_space<hbm>>
    tpu.enqueue_dma source(%dma_start3A_629 : memref<10000xi32, #tpu.memory_space<hbm>>) target(%arg13 : memref<10000xi32, #tpu.memory_space<vmem>>) target_semaphore(%arg19 : memref<!tpu.dma_semaphore, #tpu.memory_space<semaphore_mem>>)
    %dma_start3A_630 = tpu.memref_slice %arg18[%add3A_624] : memref<160000xf32, #tpu.memory_space<vmem_shared>> -> memref<10000xf32, #tpu.memory_space<vmem_shared>>
    %dma_start3A_631 = tpu.memref_slice %arg18[%add3A_624] : memref<160000xf32, #tpu.memory_space<vmem_shared>> -> memref<10000xf32, #tpu.memory_space<vmem_shared>>
    tpu.enqueue_dma source(%dma_start3A_631 : memref<10000xf32, #tpu.memory_space<vmem_shared>>) target(%arg14 : memref<10000xf32, #tpu.memory_space<vmem>>) target_semaphore(%arg20 : memref<!tpu.dma_semaphore, #tpu.memory_space<semaphore_mem>>)
    %dma_wait3A_632 = tpu.memref_slice %arg2[%add3A_609] : memref<320000xi32, #tpu.memory_space<hbm>> -> memref<10000xi32, #tpu.memory_space<hbm>>
    %dma_wait3A_633 = tpu.memref_slice %arg2[%add3A_609] : memref<320000xi32, #tpu.memory_space<hbm>> -> memref<10000xi32, #tpu.memory_space<hbm>>
    tpu.wait_dma2 semaphore(%arg21 : memref<!tpu.dma_semaphore, #tpu.memory_space<semaphore_mem>>) src(%dma_wait3A_633 : memref<10000xi32, #tpu.memory_space<hbm>>) dst(%arg15 : memref<10000xi32, #tpu.memory_space<vmem>>)
    %dma_wait3A_634 = tpu.memref_slice %arg18[%add3A_606] : memref<160000xf32, #tpu.memory_space<vmem_shared>> -> memref<10000xf32, #tpu.memory_space<vmem_shared>>
    %dma_wait3A_635 = tpu.memref_slice %arg18[%add3A_606] : memref<160000xf32, #tpu.memory_space<vmem_shared>> -> memref<10000xf32, #tpu.memory_space<vmem_shared>>
    tpu.wait_dma2 semaphore(%arg22 : memref<!tpu.dma_semaphore, #tpu.memory_space<semaphore_mem>>) src(%dma_wait3A_635 : memref<10000xf32, #tpu.memory_space<vmem_shared>>) dst(%arg16 : memref<10000xf32, #tpu.memory_space<vmem>>)
    %parallel_loop3A_636 = arith.constant 0 : i32
    %parallel_loop3A_637 = arith.constant 625 : i32
    %parallel_loop3A_638 = arith.constant 1 : i32
    scf.for %parallel_loop3A_664 = %parallel_loop3A_636 to %parallel_loop3A_637 step %parallel_loop3A_638  : i32 {
      %parallel_loop3A_665 = arith.constant 16 : i32
      %parallel_loop3A_666 = arith.muli %parallel_loop3A_664, %parallel_loop3A_665 : i32
      %parallel_loop3A_667 = arith.index_cast %parallel_loop3A_666 : i32 to index
      %parallel_loop3A_668 = tpu.vector_load %arg15[%parallel_loop3A_667] {strides = array<i32>} : memref<10000xi32, #tpu.memory_space<vmem>>, vector<16xi32>,
      %parallel_loop3A_669 = arith.index_cast %parallel_loop3A_666 : i32 to index
      %parallel_loop3A_670 = tpu.vector_load %arg16[%parallel_loop3A_669] {strides = array<i32>} : memref<10000xf32, #tpu.memory_space<vmem>>, vector<16xf32>,
      %parallel_loop3A_671 = arith.constant 14 : i32
      %parallel_loop3A_672 = vector.broadcast %parallel_loop3A_671 : i32 to vector<16xi32>
      %parallel_loop3A_673 = arith.shrsi %parallel_loop3A_668, %parallel_loop3A_672 : vector<16xi32>
      %parallel_loop3A_674 = tpu.vector_load_idx %arg9[%parallel_loop3A_673] : memref<10000xf32, #tpu.memory_space<vmem>>[vector<16xi32>], vector<16xf32>,
      %parallel_loop3A_675 = arith.constant 16383 : i32
      %parallel_loop3A_676 = vector.broadcast %parallel_loop3A_675 : i32 to vector<16xi32>
      %parallel_loop3A_677 = arith.andi %parallel_loop3A_668, %parallel_loop3A_676 : vector<16xi32>
      %parallel_loop3A_678 = arith.mulf %parallel_loop3A_670, %parallel_loop3A_674 : vector<16xf32>
      tpu.vector_store_idx %arg12[%parallel_loop3A_677], %parallel_loop3A_678 {add = true} : memref<10000xf32, #tpu.memory_space<vmem>>[vector<16xi32>], vector<16xf32>,
    } {sc.loop_unroll_factor = 4 : i64, sc.parallel_access}
    %mul3A_639 = arith.constant 80000 : i32
    %mul3A_640 = arith.muli %select_n3A_519, %mul3A_639 : i32
    %add3A_641 = arith.constant 70000 : i32
    %add3A_642 = arith.addi %mul3A_640, %add3A_641 : i32
    %mul3A_643 = arith.constant 160000 : i32
    %mul3A_644 = arith.muli %arg0, %mul3A_643 : i32
    %add3A_645 = arith.addi %mul3A_644, %add3A_642 : i32
    %dma_start3A_646 = tpu.memref_slice %arg2[%add3A_645] : memref<320000xi32, #tpu.memory_space<hbm>> -> memref<10000xi32, #tpu.memory_space<hbm>>
    %dma_start3A_647 = tpu.memref_slice %arg2[%add3A_645] : memref<320000xi32, #tpu.memory_space<hbm>> -> memref<10000xi32, #tpu.memory_space<hbm>>
    tpu.enqueue_dma source(%dma_start3A_647 : memref<10000xi32, #tpu.memory_space<hbm>>) target(%arg15 : memref<10000xi32, #tpu.memory_space<vmem>>) target_semaphore(%arg21 : memref<!tpu.dma_semaphore, #tpu.memory_space<semaphore_mem>>)
    %dma_start3A_648 = tpu.memref_slice %arg18[%add3A_642] : memref<160000xf32, #tpu.memory_space<vmem_shared>> -> memref<10000xf32, #tpu.memory_space<vmem_shared>>
    %dma_start3A_649 = tpu.memref_slice %arg18[%add3A_642] : memref<160000xf32, #tpu.memory_space<vmem_shared>> -> memref<10000xf32, #tpu.memory_space<vmem_shared>>
    tpu.enqueue_dma source(%dma_start3A_649 : memref<10000xf32, #tpu.memory_space<vmem_shared>>) target(%arg16 : memref<10000xf32, #tpu.memory_space<vmem>>) target_semaphore(%arg22 : memref<!tpu.dma_semaphore, #tpu.memory_space<semaphore_mem>>)
    %dma_wait3A_650 = tpu.memref_slice %arg2[%add3A_627] : memref<320000xi32, #tpu.memory_space<hbm>> -> memref<10000xi32, #tpu.memory_space<hbm>>
    %dma_wait3A_651 = tpu.memref_slice %arg2[%add3A_627] : memref<320000xi32, #tpu.memory_space<hbm>> -> memref<10000xi32, #tpu.memory_space<hbm>>
    tpu.wait_dma2 semaphore(%arg19 : memref<!tpu.dma_semaphore, #tpu.memory_space<semaphore_mem>>) src(%dma_wait3A_651 : memref<10000xi32, #tpu.memory_space<hbm>>) dst(%arg13 : memref<10000xi32, #tpu.memory_space<vmem>>)
    %dma_wait3A_652 = tpu.memref_slice %arg18[%add3A_624] : memref<160000xf32, #tpu.memory_space<vmem_shared>> -> memref<10000xf32, #tpu.memory_space<vmem_shared>>
    %dma_wait3A_653 = tpu.memref_slice %arg18[%add3A_624] : memref<160000xf32, #tpu.memory_space<vmem_shared>> -> memref<10000xf32, #tpu.memory_space<vmem_shared>>
    tpu.wait_dma2 semaphore(%arg20 : memref<!tpu.dma_semaphore, #tpu.memory_space<semaphore_mem>>) src(%dma_wait3A_653 : memref<10000xf32, #tpu.memory_space<vmem_shared>>) dst(%arg14 : memref<10000xf32, #tpu.memory_space<vmem>>)
    %parallel_loop3A_654 = arith.constant 0 : i32
    %parallel_loop3A_655 = arith.constant 625 : i32
    %parallel_loop3A_656 = arith.constant 1 : i32
    scf.for %parallel_loop3A_664 = %parallel_loop3A_654 to %parallel_loop3A_655 step %parallel_loop3A_656  : i32 {
      %parallel_loop3A_665 = arith.constant 16 : i32
      %parallel_loop3A_666 = arith.muli %parallel_loop3A_664, %parallel_loop3A_665 : i32
      %parallel_loop3A_667 = arith.index_cast %parallel_loop3A_666 : i32 to index
      %parallel_loop3A_668 = tpu.vector_load %arg13[%parallel_loop3A_667] {strides = array<i32>} : memref<10000xi32, #tpu.memory_space<vmem>>, vector<16xi32>,
      %parallel_loop3A_669 = arith.index_cast %parallel_loop3A_666 : i32 to index
      %parallel_loop3A_670 = tpu.vector_load %arg14[%parallel_loop3A_669] {strides = array<i32>} : memref<10000xf32, #tpu.memory_space<vmem>>, vector<16xf32>,
      %parallel_loop3A_671 = arith.constant 14 : i32
      %parallel_loop3A_672 = vector.broadcast %parallel_loop3A_671 : i32 to vector<16xi32>
      %parallel_loop3A_673 = arith.shrsi %parallel_loop3A_668, %parallel_loop3A_672 : vector<16xi32>
      %parallel_loop3A_674 = tpu.vector_load_idx %arg9[%parallel_loop3A_673] : memref<10000xf32, #tpu.memory_space<vmem>>[vector<16xi32>], vector<16xf32>,
      %parallel_loop3A_675 = arith.constant 16383 : i32
      %parallel_loop3A_676 = vector.broadcast %parallel_loop3A_675 : i32 to vector<16xi32>
      %parallel_loop3A_677 = arith.andi %parallel_loop3A_668, %parallel_loop3A_676 : vector<16xi32>
      %parallel_loop3A_678 = arith.mulf %parallel_loop3A_670, %parallel_loop3A_674 : vector<16xf32>
      tpu.vector_store_idx %arg12[%parallel_loop3A_677], %parallel_loop3A_678 {add = true} : memref<10000xf32, #tpu.memory_space<vmem>>[vector<16xi32>], vector<16xf32>,
    } {sc.loop_unroll_factor = 4 : i64, sc.parallel_access}
    %dma_wait3A_657 = tpu.memref_slice %arg2[%add3A_645] : memref<320000xi32, #tpu.memory_space<hbm>> -> memref<10000xi32, #tpu.memory_space<hbm>>
    %dma_wait3A_658 = tpu.memref_slice %arg2[%add3A_645] : memref<320000xi32, #tpu.memory_space<hbm>> -> memref<10000xi32, #tpu.memory_space<hbm>>
    tpu.wait_dma2 semaphore(%arg21 : memref<!tpu.dma_semaphore, #tpu.memory_space<semaphore_mem>>) src(%dma_wait3A_658 : memref<10000xi32, #tpu.memory_space<hbm>>) dst(%arg15 : memref<10000xi32, #tpu.memory_space<vmem>>)
    %dma_wait3A_659 = tpu.memref_slice %arg18[%add3A_642] : memref<160000xf32, #tpu.memory_space<vmem_shared>> -> memref<10000xf32, #tpu.memory_space<vmem_shared>>
    %dma_wait3A_660 = tpu.memref_slice %arg18[%add3A_642] : memref<160000xf32, #tpu.memory_space<vmem_shared>> -> memref<10000xf32, #tpu.memory_space<vmem_shared>>
    tpu.wait_dma2 semaphore(%arg22 : memref<!tpu.dma_semaphore, #tpu.memory_space<semaphore_mem>>) src(%dma_wait3A_660 : memref<10000xf32, #tpu.memory_space<vmem_shared>>) dst(%arg16 : memref<10000xf32, #tpu.memory_space<vmem>>)
    %parallel_loop3A_661 = arith.constant 0 : i32
    %parallel_loop3A_662 = arith.constant 625 : i32
    %parallel_loop3A_663 = arith.constant 1 : i32
    scf.for %parallel_loop3A_664 = %parallel_loop3A_661 to %parallel_loop3A_662 step %parallel_loop3A_663  : i32 {
      %parallel_loop3A_665 = arith.constant 16 : i32
      %parallel_loop3A_666 = arith.muli %parallel_loop3A_664, %parallel_loop3A_665 : i32
      %parallel_loop3A_667 = arith.index_cast %parallel_loop3A_666 : i32 to index
      %parallel_loop3A_668 = tpu.vector_load %arg15[%parallel_loop3A_667] {strides = array<i32>} : memref<10000xi32, #tpu.memory_space<vmem>>, vector<16xi32>,
      %parallel_loop3A_669 = arith.index_cast %parallel_loop3A_666 : i32 to index
      %parallel_loop3A_670 = tpu.vector_load %arg16[%parallel_loop3A_669] {strides = array<i32>} : memref<10000xf32, #tpu.memory_space<vmem>>, vector<16xf32>,
      %parallel_loop3A_671 = arith.constant 14 : i32
      %parallel_loop3A_672 = vector.broadcast %parallel_loop3A_671 : i32 to vector<16xi32>
      %parallel_loop3A_673 = arith.shrsi %parallel_loop3A_668, %parallel_loop3A_672 : vector<16xi32>
      %parallel_loop3A_674 = tpu.vector_load_idx %arg9[%parallel_loop3A_673] : memref<10000xf32, #tpu.memory_space<vmem>>[vector<16xi32>], vector<16xf32>,
      %parallel_loop3A_675 = arith.constant 16383 : i32
      %parallel_loop3A_676 = vector.broadcast %parallel_loop3A_675 : i32 to vector<16xi32>
      %parallel_loop3A_677 = arith.andi %parallel_loop3A_668, %parallel_loop3A_676 : vector<16xi32>
      %parallel_loop3A_678 = arith.mulf %parallel_loop3A_670, %parallel_loop3A_674 : vector<16xf32>
      tpu.vector_store_idx %arg12[%parallel_loop3A_677], %parallel_loop3A_678 {add = true} : memref<10000xf32, #tpu.memory_space<vmem>>[vector<16xi32>], vector<16xf32>,
    } {sc.loop_unroll_factor = 4 : i64, sc.parallel_access}
    "tpu.region"() ({
      %run_scoped3A_664 = tpu.sem_alloc : memref<!tpu.dma_semaphore, #tpu.memory_space<semaphore_mem>>
      %dma_start3A_665 = arith.constant 0 : i32
      %dma_start3A_666 = arith.constant 0 : i32
      %dma_start3A_667 = tpu.memref_slice %arg7[%arg0, %dma_start3A_665, %dma_start3A_666] : memref<2x16x10000xf32, #tpu.memory_space<hbm>> -> memref<1x16x10000xf32, #tpu.memory_space<hbm>>
      %dma_start3A_668 = tpu.memref_squeeze %dma_start3A_667 : memref<1x16x10000xf32, #tpu.memory_space<hbm>> -> memref<16x10000xf32, #tpu.memory_space<hbm>>
      %dma_start3A_669 = arith.constant 0 : i32
      %dma_start3A_670 = tpu.memref_slice %dma_start3A_668[%arg1, %dma_start3A_669] : memref<16x10000xf32, #tpu.memory_space<hbm>> -> memref<1x10000xf32, #tpu.memory_space<hbm>>
      %dma_start3A_671 = tpu.memref_squeeze %dma_start3A_670 : memref<1x10000xf32, #tpu.memory_space<hbm>> -> memref<10000xf32, #tpu.memory_space<hbm>>
      %dma_start3A_672 = arith.constant 0 : i32
      %dma_start3A_673 = arith.constant 0 : i32
      %dma_start3A_674 = tpu.memref_slice %arg7[%arg0, %dma_start3A_672, %dma_start3A_673] : memref<2x16x10000xf32, #tpu.memory_space<hbm>> -> memref<1x16x10000xf32, #tpu.memory_space<hbm>>
      %dma_start3A_675 = tpu.memref_squeeze %dma_start3A_674 : memref<1x16x10000xf32, #tpu.memory_space<hbm>> -> memref<16x10000xf32, #tpu.memory_space<hbm>>
      %dma_start3A_676 = arith.constant 0 : i32
      %dma_start3A_677 = tpu.memref_slice %dma_start3A_675[%arg1, %dma_start3A_676] : memref<16x10000xf32, #tpu.memory_space<hbm>> -> memref<1x10000xf32, #tpu.memory_space<hbm>>
      %dma_start3A_678 = tpu.memref_squeeze %dma_start3A_677 : memref<1x10000xf32, #tpu.memory_space<hbm>> -> memref<10000xf32, #tpu.memory_space<hbm>>
      tpu.enqueue_dma source(%arg12 : memref<10000xf32, #tpu.memory_space<vmem>>) target(%dma_start3A_678 : memref<10000xf32, #tpu.memory_space<hbm>>) target_semaphore(%run_scoped3A_664 : memref<!tpu.dma_semaphore, #tpu.memory_space<semaphore_mem>>)
      %dma_wait3A_679 = arith.constant 0 : i32
      %dma_wait3A_680 = arith.constant 0 : i32
      %dma_wait3A_681 = tpu.memref_slice %arg7[%arg0, %dma_wait3A_679, %dma_wait3A_680] : memref<2x16x10000xf32, #tpu.memory_space<hbm>> -> memref<1x16x10000xf32, #tpu.memory_space<hbm>>
      %dma_wait3A_682 = tpu.memref_squeeze %dma_wait3A_681 : memref<1x16x10000xf32, #tpu.memory_space<hbm>> -> memref<16x10000xf32, #tpu.memory_space<hbm>>
      %dma_wait3A_683 = arith.constant 0 : i32
      %dma_wait3A_684 = tpu.memref_slice %dma_wait3A_682[%arg1, %dma_wait3A_683] : memref<16x10000xf32, #tpu.memory_space<hbm>> -> memref<1x10000xf32, #tpu.memory_space<hbm>>
      %dma_wait3A_685 = tpu.memref_squeeze %dma_wait3A_684 : memref<1x10000xf32, #tpu.memory_space<hbm>> -> memref<10000xf32, #tpu.memory_space<hbm>>
      %dma_wait3A_686 = arith.constant 0 : i32
      %dma_wait3A_687 = arith.constant 0 : i32
      %dma_wait3A_688 = tpu.memref_slice %arg7[%arg0, %dma_wait3A_686, %dma_wait3A_687] : memref<2x16x10000xf32, #tpu.memory_space<hbm>> -> memref<1x16x10000xf32, #tpu.memory_space<hbm>>
      %dma_wait3A_689 = tpu.memref_squeeze %dma_wait3A_688 : memref<1x16x10000xf32, #tpu.memory_space<hbm>> -> memref<16x10000xf32, #tpu.memory_space<hbm>>
      %dma_wait3A_690 = arith.constant 0 : i32
      %dma_wait3A_691 = tpu.memref_slice %dma_wait3A_689[%arg1, %dma_wait3A_690] : memref<16x10000xf32, #tpu.memory_space<hbm>> -> memref<1x10000xf32, #tpu.memory_space<hbm>>
      %dma_wait3A_692 = tpu.memref_squeeze %dma_wait3A_691 : memref<1x10000xf32, #tpu.memory_space<hbm>> -> memref<10000xf32, #tpu.memory_space<hbm>>
      tpu.wait_dma2 semaphore(%run_scoped3A_664 : memref<!tpu.dma_semaphore, #tpu.memory_space<semaphore_mem>>) src(%arg12 : memref<10000xf32, #tpu.memory_space<vmem>>) dst(%dma_wait3A_692 : memref<10000xf32, #tpu.memory_space<hbm>>)
      tpu.yield
    }) : () -> ()
    return
  }
}

module attributes {stable_mosaic.version = 14 : i64} {
  func.func @_dense_body(%arg0: memref<10000x128xf32, #tpu.memory_space<vmem>>, %arg1: memref<128x16xf32, #tpu.memory_space<vmem>>, %arg2: memref<16x1xf32, #tpu.memory_space<vmem>>, %arg3: memref<2500x128xi32, #tpu.memory_space<vmem>>, %arg4: memref<2500x128xi32, #tpu.memory_space<vmem>>, %arg5: memref<2500x128xf32, #tpu.memory_space<vmem>>, %arg6: memref<16x10000xf32, #tpu.memory_space<vmem>>, %arg7: memref<2500x128xi32, #tpu.memory_space<vmem>>, %arg8: memref<2500x128xf32, #tpu.memory_space<vmem>>) attributes {dimension_semantics = [], scalar_prefetch = 0 : i64, scratch_operands = 0 : i64, tpu.core_type = #tpu.core_type<tc>} {
    %get3A = arith.constant 0 : index
    %get3A_0 = arith.constant 0 : index
    %get3A_1 = vector.load %arg1[%get3A, %get3A_0] : memref<128x16xf32, #tpu.memory_space<vmem>>, vector<128x16xf32>
    %get3A_2 = arith.constant 0 : index
    %get3A_3 = arith.constant 0 : index
    %get3A_4 = vector.load %arg0[%get3A_2, %get3A_3] : memref<10000x128xf32, #tpu.memory_space<vmem>>, vector<10000x128xf32>
    %dot_general3A = arith.constant dense<0.000000e+00> : vector<16x10000xf32>
    %dot_general3A_5 = tpu.matmul %get3A_1, %get3A_4, %dot_general3A {dimension_numbers = #tpu.dot_dimension_numbers<[0], [1], [1], [0], [0, 1, 1, 0], [], []>, transpose_lhs_hint = false} : vector<128x16xf32>, vector<10000x128xf32>, vector<16x10000xf32> -> vector<16x10000xf32>
    %get3A_6 = arith.constant 0 : index
    %get3A_7 = arith.constant 0 : index
    %get3A_8 = vector.load %arg2[%get3A_6, %get3A_7] : memref<16x1xf32, #tpu.memory_space<vmem>>, vector<16x1xf32>
    %add3A = vector.broadcast %get3A_8 : vector<16x1xf32> to vector<16x10000xf32>
    %add3A_9 = arith.addf %dot_general3A_5, %add3A : vector<16x10000xf32>
    %swap3A = arith.constant 0 : index
    %swap3A_10 = arith.constant 0 : index
    %swap3A_11 = vector.load %arg6[%swap3A, %swap3A_10] : memref<16x10000xf32, #tpu.memory_space<vmem>>, vector<16x10000xf32>
    tpu.vector_store %arg6[%swap3A, %swap3A_10], %add3A_9 {strides = array<i32>} : memref<16x10000xf32, #tpu.memory_space<vmem>>, vector<16x10000xf32>,
    %get3A_12 = arith.constant 0 : index
    %get3A_13 = arith.constant 0 : index
    %get3A_14 = vector.load %arg3[%get3A_12, %get3A_13] : memref<2500x128xi32, #tpu.memory_space<vmem>>, vector<2500x128xi32>
    %get3A_15 = arith.constant 0 : index
    %get3A_16 = arith.constant 0 : index
    %get3A_17 = vector.load %arg4[%get3A_15, %get3A_16] : memref<2500x128xi32, #tpu.memory_space<vmem>>, vector<2500x128xi32>
    %shift_left3A = arith.constant 14 : i32
    %shift_left3A_18 = vector.broadcast %shift_left3A : i32 to vector<2500x128xi32>
    %shift_left3A_19 = arith.shli %get3A_14, %shift_left3A_18 : vector<2500x128xi32>
    %or3A = arith.ori %shift_left3A_19, %get3A_17 : vector<2500x128xi32>
    %swap3A_20 = arith.constant 0 : index
    %swap3A_21 = arith.constant 0 : index
    %swap3A_22 = vector.load %arg7[%swap3A_20, %swap3A_21] : memref<2500x128xi32, #tpu.memory_space<vmem>>, vector<2500x128xi32>
    tpu.vector_store %arg7[%swap3A_20, %swap3A_21], %or3A {strides = array<i32>} : memref<2500x128xi32, #tpu.memory_space<vmem>>, vector<2500x128xi32>,
    %eq3A = arith.cmpi eq, %get3A_14, %get3A_17 : vector<2500x128xi32>
    %get3A_23 = arith.constant 0 : index
    %get3A_24 = arith.constant 0 : index
    %get3A_25 = vector.load %arg5[%get3A_23, %get3A_24] : memref<2500x128xf32, #tpu.memory_space<vmem>>, vector<2500x128xf32>
    %jit3A = arith.constant 0.000000e+00 : f32
    %broadcast_in_dim3A = vector.broadcast %jit3A : f32 to vector<2500x128xf32>
    %select_n3A = arith.select %eq3A, %broadcast_in_dim3A, %get3A_25 : vector<2500x128xi1>, vector<2500x128xf32>
    %swap3A_26 = arith.constant 0 : index
    %swap3A_27 = arith.constant 0 : index
    %swap3A_28 = vector.load %arg8[%swap3A_26, %swap3A_27] : memref<2500x128xf32, #tpu.memory_space<vmem>>, vector<2500x128xf32>
    tpu.vector_store %arg8[%swap3A_26, %swap3A_27], %select_n3A {strides = array<i32>} : memref<2500x128xf32, #tpu.memory_space<vmem>>, vector<2500x128xf32>,
    return
  }
}

module attributes {stable_mosaic.version = 14 : i64} {
  func.func @_combine_body(%arg0: memref<2x16x10000xf32, #tpu.memory_space<vmem>>, %arg1: memref<16x10000xf32, #tpu.memory_space<vmem>>, %arg2: memref<1x10000xf32, #tpu.memory_space<vmem>>, %arg3: memref<4x10000xf32, #tpu.memory_space<vmem>>) attributes {dimension_semantics = [], scalar_prefetch = 0 : i64, scratch_operands = 0 : i64, tpu.core_type = #tpu.core_type<tc>} {
    %get3A = arith.constant 0 : index
    %get3A_0 = arith.constant 0 : index
    %get3A_1 = arith.constant 0 : index
    %get3A_2 = vector.load %arg0[%get3A, %get3A_0, %get3A_1] : memref<2x16x10000xf32, #tpu.memory_space<vmem>>, vector<2x16x10000xf32>
    %slice3A = vector.extract_strided_slice %get3A_2 {offsets = [0, 0, 0], sizes = [1, 8, 10000], strides = [1, 1, 1]} : vector<2x16x10000xf32> to vector<1x8x10000xf32>
    %squeeze3A = vector.shape_cast %slice3A : vector<1x8x10000xf32> to vector<8x10000xf32>
    %slice3A_3 = vector.extract_strided_slice %get3A_2 {offsets = [0, 8, 0], sizes = [1, 8, 10000], strides = [1, 1, 1]} : vector<2x16x10000xf32> to vector<1x8x10000xf32>
    %squeeze3A_4 = vector.shape_cast %slice3A_3 : vector<1x8x10000xf32> to vector<8x10000xf32>
    %add3A = arith.addf %squeeze3A, %squeeze3A_4 : vector<8x10000xf32>
    %slice3A_5 = vector.extract_strided_slice %get3A_2 {offsets = [1, 0, 0], sizes = [1, 8, 10000], strides = [1, 1, 1]} : vector<2x16x10000xf32> to vector<1x8x10000xf32>
    %squeeze3A_6 = vector.shape_cast %slice3A_5 : vector<1x8x10000xf32> to vector<8x10000xf32>
    %add3A_7 = arith.addf %add3A, %squeeze3A_6 : vector<8x10000xf32>
    %slice3A_8 = vector.extract_strided_slice %get3A_2 {offsets = [1, 8, 0], sizes = [1, 8, 10000], strides = [1, 1, 1]} : vector<2x16x10000xf32> to vector<1x8x10000xf32>
    %squeeze3A_9 = vector.shape_cast %slice3A_8 : vector<1x8x10000xf32> to vector<8x10000xf32>
    %add3A_10 = arith.addf %add3A_7, %squeeze3A_9 : vector<8x10000xf32>
    %get3A_11 = arith.constant 0 : index
    %get3A_12 = arith.constant 0 : index
    %get3A_13 = vector.load %arg1[%get3A_11, %get3A_12] : memref<16x10000xf32, #tpu.memory_space<vmem>>, vector<8x10000xf32>
    %add3A_14 = arith.addf %get3A_13, %add3A_10 : vector<8x10000xf32>
    %slice3A_15 = vector.extract_strided_slice %add3A_14 {offsets = [0, 0], sizes = [4, 10000], strides = [1, 1]} : vector<8x10000xf32> to vector<4x10000xf32>
    %logistic3A = arith.negf %slice3A_15 : vector<4x10000xf32>
    %logistic3A_16 = math.exp %logistic3A : vector<4x10000xf32>
    %logistic3A_17 = arith.constant 1.000000e+00 : f32
    %logistic3A_18 = vector.broadcast %logistic3A_17 : f32 to vector<4x10000xf32>
    %logistic3A_19 = arith.addf %logistic3A_18, %logistic3A_16 : vector<4x10000xf32>
    %logistic3A_20 = arith.divf %logistic3A_18, %logistic3A_19 : vector<4x10000xf32>
    %slice3A_21 = vector.extract_strided_slice %add3A_14 {offsets = [4, 0], sizes = [4, 10000], strides = [1, 1]} : vector<8x10000xf32> to vector<4x10000xf32>
    %tanh3A = math.tanh %slice3A_21 : vector<4x10000xf32>
    %sub3A = arith.constant 1.000000e+00 : f32
    %sub3A_22 = vector.broadcast %sub3A : f32 to vector<4x10000xf32>
    %sub3A_23 = arith.subf %sub3A_22, %logistic3A_20 : vector<4x10000xf32>
    %mul3A = arith.mulf %sub3A_23, %tanh3A : vector<4x10000xf32>
    %exp3A = math.exp %mul3A : vector<4x10000xf32>
    %get3A_24 = arith.constant 0 : index
    %get3A_25 = arith.constant 0 : index
    %get3A_26 = vector.load %arg2[%get3A_24, %get3A_25] : memref<1x10000xf32, #tpu.memory_space<vmem>>, vector<1x10000xf32>
    %mul3A_27 = vector.broadcast %get3A_26 : vector<1x10000xf32> to vector<4x10000xf32>
    %mul3A_28 = arith.mulf %exp3A, %mul3A_27 : vector<4x10000xf32>
    %reduce_sum3A = arith.constant dense<0.000000e+00> : vector<4xf32>
    %reduce_sum3A_29 = vector.multi_reduction <add>, %mul3A_28, %reduce_sum3A [1] : vector<4x10000xf32> to vector<4xf32>
    %broadcast_in_dim3A = vector.shape_cast %reduce_sum3A_29 : vector<4xf32> to vector<4x1xf32>
    %div3A = vector.broadcast %broadcast_in_dim3A : vector<4x1xf32> to vector<4x10000xf32>
    %div3A_30 = arith.divf %exp3A, %div3A : vector<4x10000xf32>
    %swap3A = arith.constant 0 : index
    %swap3A_31 = arith.constant 0 : index
    %swap3A_32 = vector.load %arg3[%swap3A, %swap3A_31] : memref<4x10000xf32, #tpu.memory_space<vmem>>, vector<4x10000xf32>
    tpu.vector_store %arg3[%swap3A, %swap3A_31], %div3A_30 {strides = array<i32>} : memref<4x10000xf32, #tpu.memory_space<vmem>>, vector<4x10000xf32>,
    return
  }
}

</mosaic_0001>

<sc_bundles>
// kernel: kernel.6.cloned.1.call-start
scs
__scs_entry_jumppad:
0x0: {  	(pc) =	sbr.rel $0x88, $3  }
0x1: {  	(tag) =	ssettag $0x0;
	lr =	simm.s32 $0x1  }
0x2: {  	[smem:$0x3F96] =	sst lr;
	_ =	strace $0xD0000000  }
0x3: {  	_ = 	snop  }
0x4: {  	_ = 	snop  }
0x5: {  	_ = 	snop  }
0x6: {  	_ = 	snop  }
0x7: {  	_ = 	snop  }
__scs_overlays_trampoline_lowered:
0x8: {  	[smem:$0x3FA5] =	sst s0  }
0x9: {  	[smem:$0x3FA6] =	sst s1  }
0xa: {  	[smem:$0x3FA7] =	sst s2  }
0xb: {  	[smem:$0x3FA8] =	sst s3  }
0xc: {  	[smem:$0x3FA9] =	sst s4  }
0xd: {  	[smem:$0x3FAA] =	sst s5  }
0xe: {  	[smem:$0x3FAB] =	sst s6  }
0xf: {  	[smem:$0x3FAC] =	sst s7  }
0x10: {  	[smem:$0x3FAD] =	sst s8  }
0x11: {  	[smem:$0x3FAE] =	sst s9;
	s0 =	simm.s32 @!p0 $0x0  }
0x12: {  	s1 =	sld [smem:$0x3F94];
	s0 =	simm.s32 @p0 $0x1  }
0x13: {  	[smem:$0x3FAF] =	sst s0;
	s0 =	simm.s32 @!p1 $0x0  }
0x14: {  	s2 =	sld [smem:$0x3F93];
	s0 =	simm.s32 @p1 $0x1  }
0x15: {  	[smem:$0x3FB0] =	sst s0;
	s0 =	simm.s32 @!p2 $0x0  }
0x16: {  	s3 =	sld [smem:$0x3FDB];
	s0 =	simm.s32 @p2 $0x1  }
0x17: {  	s4 =	simm.s32 $0x1BF5;
	[smem:$0x3FB2] =	sst s0  }
0x18: {  	s0 =	sld [smem:$0x3F95];
	_ =	swait.ge [sflag:s4], $0x0  }
0x19: {  	s7 =	sld [smem:$0x3F96]  }
0x1a: {  	s8 =	sadd.s32 $0xFFFFE003, lr  }
0x1b: {  	s9 =	sadd.s32 $0xFFFFFEF7, lr;
	s5 =	simm.s32 $0xFFFFFFFF;
	p2 =	slt.u32 s8, $0xFFFFF086  }
0x1c: {  	p1 =	slt.u32 s9, $0xF7A;
	s5 =	simm.s32 @!p2 $0x0  }
0x1d: {  	s5 =	simm.s32 @p1 $0x1;
	p0 =	seq.s32 s7, s2  }
0x1e: {  	s7 =	smul.u32 @!p0 $0xF7A, s2;
	p2 =	seq.s32 @!p0 s5, $0x0  }
0x1f: {  	s9 =	smul.u32 $0xF7A, s1;
	s8 =	simm.s32 @!p0 $0x1BF5;
	p2 =	por !p2, p0  }
0x20: {  	[sflag:s8] =	ssyncset.s32 @!p0 $0xFFFFF086;
	s6 =	sadd.s32 @!p0 s3, s7;
	s7 =	simm.s32 @!p0 $0x108  }
0x21: {  	s3 =	sadd.s32 s3, s9;
	s6 =	sadd.s32 @!p0 $0x88, s6;
	s7 =	simm.s32 @p2 $0x1082  }
0x22: {  	[simem:s7], [sflag:s8] =	dma.local @!p0 [hbm:s6], $0xF7A  }
0x23: {  	s9 =	sor.u32 $0xD0000000, s2;
	s6 =	simm.s32 $0x108;
	_ =	swait.ge @!p0 [sflag:s8], $0x0  }
0x24: {  	s3 =	sadd.s32 $0x88, s3;
	s6 =	simm.s32 @!p1 $0x1082;
	[sflag:s4] =	ssyncset.s32 $0xFFFFF086  }
0x25: {  	[simem:s6], [sflag:s4] =	dma.local [hbm:s3], $0xF7A  }
0x26: {  	[smem:$0x3F96] =	sst s1;
	(tag) =	ssettag s2;
	_ =	strace s9  }
0x27: {  	s1 =	sld [smem:$0x3FA6]  }
0x28: {  	s2 =	sld [smem:$0x3FA7]  }
0x29: {  	s4 =	sld [smem:$0x3FA9]  }
0x2a: {  	p0 =	seq.s32 s5, $0x0;
	s5 =	sld [smem:$0x3FAA]  }
0x2b: {  	s6 =	sld [smem:$0x3FAB]  }
0x2c: {  	s7 =	sld [smem:$0x3FAC]  }
0x2d: {  	s3 =	simm.s32 $0x108;
	s8 =	sld [smem:$0x3FAD]  }
0x2e: {  	s3 =	simm.s32 @!p0 $0x1082;
	s9 =	sld [smem:$0x3FAE]  }
0x2f: {  	lr =	sadd.s32 s0, s3;
	s0 =	sld [smem:$0x3FA5]  }
0x30: {  	s3 =	sld [smem:$0x3FA8]  }
0x31: {  	[smem:$0x3FB1] =	sst s10  }
0x32: {  	s10 =	sld [smem:$0x3FAF];
	_ =	sdelay $0x3  }
0x33: {  	p0 =	seq.s32 s10, $0x1;
	s10 =	sld [smem:$0x3FB1];
	_ =	sdelay $0x3  }
0x34: {  	[smem:$0x3FB1] =	sst s10  }
0x35: {  	s10 =	sld [smem:$0x3FB0];
	_ =	sdelay $0x3  }
0x36: {  	p1 =	seq.s32 s10, $0x1;
	s10 =	sld [smem:$0x3FB1];
	_ =	sdelay $0x3  }
0x37: {  	[smem:$0x3FB1] =	sst s10  }
0x38: {  	s10 =	sld [smem:$0x3FB2]  }
0x39: {  	_ = 	snop;
	(pc) =	sbr.ind lr, $3  }
0x3a: {  	_ = 	snop  }
0x3b: {  	_ = 	snop  }
0x3c: {  	p2 =	seq.s32 s10, $0x1;
	s10 =	sld [smem:$0x3FB1]  }
0x3d: {  	_ =	shalt  }
0x3e: {  	_ =	shalt  }
0x3f: {  	_ =	shalt  }
0x40: {  	_ =	shalt  }
0x41: {  	_ =	shalt  }
0x42: {  	_ =	shalt  }
0x43: {  	_ =	shalt  }
0x44: {  	_ =	shalt  }
0x45: {  	_ =	shalt  }
0x46: {  	_ =	shalt  }
0x47: {  	_ =	shalt  }
0x48: {  	_ =	shalt  }
0x49: {  	_ =	shalt  }
0x4a: {  	_ =	shalt  }
0x4b: {  	_ =	shalt  }
0x4c: {  	_ =	shalt  }
0x4d: {  	_ =	shalt  }
0x4e: {  	_ =	shalt  }
0x4f: {  	_ =	shalt  }
0x50: {  	_ =	shalt  }
0x51: {  	_ =	shalt  }
0x52: {  	_ =	shalt  }
0x53: {  	_ =	shalt  }
0x54: {  	_ =	shalt  }
0x55: {  	_ =	shalt  }
0x56: {  	_ =	shalt  }
0x57: {  	_ =	shalt  }
0x58: {  	_ =	shalt  }
0x59: {  	_ =	shalt  }
0x5a: {  	_ =	shalt  }
0x5b: {  	_ =	shalt  }
0x5c: {  	_ =	shalt  }
0x5d: {  	_ =	shalt  }
0x5e: {  	_ =	shalt  }
0x5f: {  	_ =	shalt  }
0x60: {  	_ =	shalt  }
0x61: {  	_ =	shalt  }
0x62: {  	_ =	shalt  }
0x63: {  	_ =	shalt  }
0x64: {  	_ =	shalt  }
0x65: {  	_ =	shalt  }
0x66: {  	_ =	shalt  }
0x67: {  	_ =	shalt  }
0x68: {  	_ =	shalt  }
0x69: {  	_ =	shalt  }
0x6a: {  	_ =	shalt  }
0x6b: {  	_ =	shalt  }
0x6c: {  	_ =	shalt  }
0x6d: {  	_ =	shalt  }
0x6e: {  	_ =	shalt  }
0x6f: {  	_ =	shalt  }
0x70: {  	_ =	shalt  }
0x71: {  	_ =	shalt  }
0x72: {  	_ =	shalt  }
0x73: {  	_ =	shalt  }
0x74: {  	_ =	shalt  }
0x75: {  	_ =	shalt  }
0x76: {  	_ =	shalt  }
0x77: {  	_ =	shalt  }
0x78: {  	_ =	shalt  }
0x79: {  	_ =	shalt  }
0x7a: {  	_ =	shalt  }
0x7b: {  	_ =	shalt  }
0x7c: {  	_ =	shalt  }
0x7d: {  	_ =	shalt  }
0x7e: {  	_ =	shalt  }
0x7f: {  	_ =	shalt  }
0x80: {  	_ =	shalt  }
0x81: {  	_ =	shalt  }
0x82: {  	_ =	shalt  }
0x83: {  	_ =	shalt  }
0x84: {  	_ =	shalt  }
0x85: {  	_ =	shalt  }
0x86: {  	_ =	shalt  }
0x87: {  	_ =	shalt  }
.Lfunc_end0:
.L_simem_size_0:
called_computation_lowered:
.L_overlay_start_0:
0x88: {  	s2 =	sld [smem:$0x3FD9]  }
0x89: {  	s3 =	sld [smem:$0x3FFE];
	_ =	sdelay $0x1  }
0x8a: {  	s1 =	srdreg.scid  }
0x8b: {  	s0 =	sand.u32 $0x1, s1  }
0x8c: {  	s17 =	sshll.u32 s0, $0xA;
	s2 =	sadd.s32 s3, s2  }
0x8d: {  	s2 =	sadd.s32 s2, s17  }
0x8e: {  	[smem:$0x3FBD] =	sst s2  }
0x8f: {  	_ = 	snop  }
0x90: {  	s2 =	sld [smem:$0x3FC8]  }
0x91: {  	s18 =	sld [smem:$0x3FC7]  }
0x92: {  	s4 =	sld [smem:$0x3FD0];
	(tm) =	ssettm $0x1  }
0x93: {  	s5 =	sld [smem:$0x3FFB];
	_ =	sdelay $0x3  }
0x94: {  	_ =	strace s5  }
0x95: {  	s5 =	sld [smem:$0x3FFC];
	_ =	sdelay $0x3  }
0x96: {  	_ =	strace s5  }
0x97: {  	s5 =	sld [smem:$0x3FFD];
	_ =	sdelay $0x3  }
0x98: {  	_ =	strace s5  }
0x99: {  	_ =	strace $0x8FFFFFFF  }
0x9a: {  	s19 =	sld [smem:$0x3FDB];
	_ =	sdelay $0x1  }
0x9b: {  	s6 =	simm.s32 $_scs_section_size  }
0x9c: {  	s7 =	simm.s32 $_size__tile_overlayer_lowered;
	s8 =	simm.s32 $_tile_overlayer_lowered  }
0x9d: {  	s22 =	simm.s32 $0x1BFF;
	s21 =	sshll.u32 s8, $0x1;
	s5 =	sadd.s32 s6, s19  }
0x9e: {  	s9 =	simm.s32 $0x0;
	s20 =	sshll.u32 s7, $0x1;
	s7 =	sadd.s32 s21, s5  }
0x9f: {  	[timem:s9], [sflag:s22] =	dma.local [hbm:s7], s20  }
0xa0: {  	_ =	swait.ge [sflag:s22], s20  }
0xa1: {  	s6 =	ssub.s32 $0x0, s20;
	[sflag:s22] =	ssyncset.done $0x0  }
0xa2: {  	[sflag:s22] =	ssyncadd.s32 s6;
	_ =	sdelay $0x1  }
0xa3: {  	s23 =	simm.s32 $0x1B8B  }
0xa4: {  	_ =	swait.ge [sflag:s23], $0x1  }
0xa5: {  	[sflag:s23] =	ssyncset.done $0x0  }
0xa6: {  	s25 =	simm.s32 $0x1B8E;
	s24 =	sld [smem:$0x3FFE];
	[sflag:s23] =	ssyncadd.s32 $0xFFFFFFFF  }
0xa7: {  	s26 =	simm.s32 $execute0_lowered;
	[smem:$0x3FD2] =	sst s25  }
0xa8: {  	s7 =	sshll.u32 s26, $0x1;
	_ =	strace $0x80000046;
	[dreg:$0x1] =	wrdreg $0xFFFFFFFF  }
0xa9: {  	s28 =	simm.s32 $_size_execute0_lowered;
	s5 =	sadd.s32 s5, s7;
	[dreg:$0x0] =	wrdreg $0x0  }
0xaa: {  	s7 =	sshll.u32 s28, $0x1;
	[dreg:$0x2] =	wrdreg s5  }
0xab: {  	[dreg:$0x3] =	wrdreg s7  }
0xac: {  	[dreg:$0x4] =	wrdreg $0xC0  }
0xad: {  	_ =	task [dreg:s9], $0x5FFFF  }
0xae: {  	[dreg:$0x1] =	wrdreg $0xFFFFFFFF  }
0xaf: {  	[dreg:$0x0] =	wrdreg $0x60  }
0xb0: {  	[dreg:$0x2] =	wrdreg s24  }
0xb1: {  	[dreg:$0x3] =	wrdreg s2  }
0xb2: {  	[dreg:$0x4] =	wrdreg s18  }
0xb3: {  	[dreg:$0x5] =	wrdreg s4  }
0xb4: {  	[dreg:$0x6] =	wrdreg $0x13D000  }
0xb5: {  	[dreg:$0x7] =	wrdreg $0x165000  }
0xb6: {  	[dreg:$0x8] =	wrdreg $0x9  }
0xb7: {  	_ =	task.clear_ibuf [dreg:s9], $0x9FFFF;
	_ =	strace $0x90000046  }
0xb8: {  	s29 =	simm.s32 $0x9;
	_ =	strace $0x80000048  }
0xb9: {  	_ =	swait.ge [sflag:s29], $0x1  }
0xba: {  	[sflag:s29] =	ssyncadd.s32 $0xFFFFFFFF  }
0xbb: {  	_ =	strace $0x90000048  }
0xbc: {  	_ =	sfence  }
0xbd: {  	s30 =	sld [smem:$0x0];
	_ =	sdelay $0x2  }
0xbe: {  	s31 =	sshll.u32 s1, $0xD;
	s1 =	sshrl.u32 s1, $0x2  }
0xbf: {  	s3 =	sand.u32 $0x4000, s31;
	s1 =	sadd.s32 s1, s30  }
0xc0: {  	s0 =	sor.u32 s3, s0;
	s1 =	sshll.u32 s1, $0x11  }
0xc1: {  	s0 =	sor.u32 s1, s0  }
0xc2: {  	s0 =	sadd.s32 $0x8F2B, s0  }
0xc3: {  	[sflag:s0] =	ssyncadd.remote.s32 $0x1  }
0xc4: {  	_ =	sfence.sel $0xFFFF  }
0xc5: {  	[dreg:$0x0] =	wrdreg $0xFFFFFFFF;
	(pc) =	sbr.abs _section_cstart, $3  }
0xc6: {  	[dreg:$0x1] =	wrdreg $0xFFFFFFFF  }
0xc7: {  	_ =	task.clear_ibuf [dreg:s9], $0x2FFFF;
	_ =	strace $0x9FFFFFFF  }
0xc8: {  	(tm) =	ssettm $0x7FFFFFFF  }
0xc9: {  	_ =	shalt  }
tec
execute0_lowered:
.L_overlay_start_1:
0x0: {  	(tag) =	ssettag $0x1  }
0x1: {  	s18 =	stileid.u32  }
0x2: {  	s0 =	srdreg.scid;
	s2 =	rddreg [dreg:$0x0]  }
0x3: {  	s3 =	sshll.u32 s18, $0x4;
	s1 =	sand.u32 $0x1, s0;
	s6 =	smul.u32 $0x4E20, s18  }
0x4: {  	s4 =	sadd.s32 $0x1800, s2;
	s5 =	sadd.s32 $0xB600, s2;
	s7 =	smul.u32 $0x2710, s18  }
0x5: {  	s9 =	sor.u32 $0x2780, s3;
	s10 =	smul.u32 $0x4F00, s1;
	s11 =	ssub.s32 $0x2, s1  }
0x6: {  	s0 =	sadd.s32 s9, s2;
	s8 =	sshrl.u32 s11, $0x1;
	s6 =	sshrl.u32 s6, $0x3  }
0x7: {  	s9 =	smul.u32 $0x27100, s1;
	s3 =	sadd.s32 s10, s2;
	s2 =	ssub.s32 s11, s8  }
0x8: {  	s12 =	sadd.s32 s4, s6;
	s8 =	sshrl.u32 s18, $0x3;
	s10 =	sadd.s32 $0x4E2, s6  }
0x9: {  	s6 =	sadd.s32 s5, s6;
	[dreg:$0x7] =	wrdreg s12;
	s11 =	sadd.s32 s7, s9  }
0xa: {  	s12 =	smul.u32 $0x13880, s8;
	[dreg:$0x8] =	wrdreg s6;
	s13 =	sadd.s32 s4, s10  }
0xb: {  	s10 =	sadd.s32 s5, s10;
	[dreg:$0x9] =	wrdreg s13;
	s14 =	sshrl.u32 s11, $0x3  }
0xc: {  	[dreg:$0xa] =	wrdreg s10;
	s15 =	sadd.s32 s4, s14  }
0xd: {  	s10 =	sadd.s32 $0x2710, s12;
	s5 =	sadd.s32 s5, s14;
	s16 =	sadd.s32 s9, s12  }
0xe: {  	s11 =	sadd.s32 $0x4E20, s12;
	s21 =	sadd.s32 $0x7530, s12;
	[dreg:$0xb] =	wrdreg s15  }
0xf: {  	s13 =	sadd.s32 $0x9C40, s12;
	s25 =	sadd.s32 $0xEA60, s12;
	[dreg:$0xc] =	wrdreg s5  }
0x10: {  	s17 =	sadd.s32 s9, s10;
	s5 =	sshrl.u32 s16, $0x3;
	s14 =	sadd.s32 s9, s13  }
0x11: {  	s6 =	sshrl.u32 s17, $0x3;
	s5 =	sadd.s32 s4, s5;
	s17 =	rddreg [dreg:$0x5]  }
0x12: {  	s14 =	sshrl.u32 s14, $0x3;
	[dreg:$0xd] =	wrdreg s5;
	s19 =	sadd.s32 s4, s6  }
0x13: {  	s20 =	sadd.s32 s9, s11;
	s23 =	sadd.s32 s4, s14;
	[dreg:$0xe] =	wrdreg s19  }
0x14: {  	s22 =	sadd.s32 s9, s21;
	s7 =	sadd.s32 s7, s17;
	[dreg:$0x11] =	wrdreg s23  }
0x15: {  	s15 =	sadd.s32 $0xC350, s12;
	s10 =	sadd.s32 s10, s17;
	[dreg:$0x15] =	wrdreg s7  }
0x16: {  	s16 =	sadd.s32 $0x11170, s12;
	s11 =	sadd.s32 s11, s17;
	[dreg:$0x17] =	wrdreg s10  }
0x17: {  	s26 =	sadd.s32 s9, s25;
	s13 =	sadd.s32 s13, s17;
	[dreg:$0x18] =	wrdreg s11  }
0x18: {  	s5 =	sshrl.u32 s20, $0x3;
	s20 =	sadd.s32 s15, s17;
	[dreg:$0x1a] =	wrdreg s13  }
0x19: {  	s24 =	sadd.s32 s9, s15;
	s5 =	sadd.s32 s4, s5;
	[dreg:$0x1b] =	wrdreg s20  }
0x1a: {  	s23 =	simm.s32 $0x0;
	[dreg:$0xf] =	wrdreg s5;
	s5 =	sshrl.u32 s22, $0x3  }
0x1b: {  	s9 =	sadd.s32 s9, s16;
	[smem:$0x7FF] =	sst s23;
	s5 =	sadd.s32 s4, s5  }
0x1c: {  	s22 =	sadd.s32 s16, s17;
	[dreg:$0x10] =	wrdreg s5;
	s5 =	sshrl.u32 s24, $0x3  }
0x1d: {  	s9 =	sshrl.u32 s9, $0x3;
	[dreg:$0x1d] =	wrdreg s22;
	s5 =	sadd.s32 s4, s5  }
0x1e: {  	s19 =	smul.u32 $0x50000, s8;
	[dreg:$0x12] =	wrdreg s5;
	s5 =	sshrl.u32 s26, $0x3  }
0x1f: {  	s5 =	sadd.s32 s4, s5;
	s4 =	sadd.s32 s4, s9;
	s9 =	sadd.s32 s12, s17  }
0x20: {  	s12 =	sadd.s32 s21, s17;
	s21 =	sadd.s32 s25, s17;
	s25 =	rddreg [dreg:$0x4]  }
0x21: {  	s24 =	smul.u32 $0x13C00, s8;
	[dreg:$0x13] =	wrdreg s5  }
0x22: {  	s26 =	sshll.u32 s18, $0x7;
	[dreg:$0x14] =	wrdreg s4;
	s4 =	sshrl.u32 s19, $0x2  }
0x23: {  	s6 =	sand.u32 $0x380, s26;
	[dreg:$0x16] =	wrdreg s9;
	s4 =	sadd.s32 s4, s25  }
0x24: {  	[dreg:$0x19] =	wrdreg s12;
	s8 =	sor.u32 s6, s24;
	s4 =	sadd.s32 s6, s4  }
0x25: {  	s3 =	sadd.s32 $0x1A400, s3;
	[dreg:$0x1e] =	wrdreg s4;
	s4 =	sshrl.u32 s8, $0x3  }
0x26: {  	[dreg:$0x1c] =	wrdreg s21;
	s9 =	smul.u32 $0x1400, s18;
	s10 =	sadd.s32 s4, s3  }
0x27: {  	s0 =	sadd.s32 $0x15400, s0;
	s11 =	smax.u32 s2, $0x1;
	[dreg:$0x1f] =	wrdreg s10  }
0x28: {  	s26 =	sadd.s32 s9, s25;
	_ =	strace $0x80000047;
	[smem:$0x7EF] =	sst s0  }
0x29: {  	s12 =	sadd.s32 $0x80, s26;
	[smem:$0x7F0] =	sst s11  }
0x2a: {  	s13 =	sadd.s32 $0x100, s26;
	[smem:$0x7F1] =	sst s12  }
0x2b: {  	s14 =	sadd.s32 $0x180, s26;
	[smem:$0x7F2] =	sst s13  }
0x2c: {  	s15 =	sadd.s32 $0x200, s26;
	[smem:$0x7F3] =	sst s14  }
0x2d: {  	s28 =	simm.s32 $0x2780;
	s16 =	sadd.s32 $0x280, s26;
	[smem:$0x7F4] =	sst s15  }
0x2e: {  	s31 =	smul.u32 $0x280, s18;
	s17 =	sadd.s32 $0x300, s26;
	[smem:$0x7F5] =	sst s16  }
0x2f: {  	s1 =	sor.u32 s18, s1;
	s18 =	sadd.s32 $0x380, s26;
	[smem:$0x7F6] =	sst s17  }
0x30: {  	s29 =	simm.s32 $0x3;
	s19 =	sadd.s32 $0x14000, s26;
	[smem:$0x7F7] =	sst s18  }
0x31: {  	s30 =	simm.s32 $0x8;
	s20 =	sadd.s32 $0x14080, s26;
	[smem:$0x7F8] =	sst s19  }
0x32: {  	p0 =	sne.s32 s1, $0x0;
	s21 =	sadd.s32 $0x14100, s26;
	[smem:$0x7F9] =	sst s20  }
0x33: {  	s1 =	simm.s32 $0x6;
	s22 =	sadd.s32 $0x14180, s26;
	[smem:$0x7FA] =	sst s21  }
0x34: {  	s2 =	simm.s32 $0x7780;
	s24 =	sadd.s32 $0x14200, s26;
	[smem:$0x7FB] =	sst s22  }
0x35: {  	s25 =	sadd.s32 $0x14280, s26;
	s3 =	simm.s32 $0x7;
	[smem:$0x7FC] =	sst s24  }
0x36: {  	s4 =	simm.s32 $0x0;
	[smem:$0x7FD] =	sst s25;
	s13 =	sadd.s32 $0x14300, s26  }
0x37: {  	s14 =	sadd.s32 $0x14380, s26;
	s15 =	sadd.s32 $0x2780, s31;
	s16 =	simm.s32 $0x80  }
0x38: {  	s17 =	simm.s32 $0x400;
	s18 =	simm.s32 $0x9F00;
	s19 =	simm.s32 $0xC680  }
0x39: {  	s20 =	simm.s32 $0xEE00;
	s21 =	simm.s32 $0x11580;
	s22 =	simm.s32 $0x1  }
0x3a: {  	v0 =	vimm.f32 $0.0e+00;
	v1 =	vimm.f32 $1.000000000e+00;
	s24 =	simm.s32 $0x2;
	s0 =	simm.s32 $0x4;
	s25 =	simm.s32 $0x5  }
.LBB2_1:
0x3b: {  	s5 =	sld [smem:$0x7EF];
	_ =	sdelay $0x2  }
0x3c: {  	[tilespmem:s23], [sflag:$0x7] =	stream.strided.gather [hbm4b:s5+s16], $0x2780, s17, s16, $0x38;
	[tilespmem:$0x18C10] =	vst v63  }
0x3d: {  	s9 =	rddreg [dreg:$0x7]  }
0x3e: {  	[tilespmem:s18], [sflag:$0x1] =	stream.linear.gather [hbm4b:s9+s23], $0x2710, $0x38;
	[tilespmem:$0x18C10] =	vst v63  }
0x3f: {  	s10 =	rddreg [dreg:$0x8]  }
0x40: {  	[tilespmem:s19], [sflag:$0x2] =	stream.linear.gather [hbm4b:s10+s23], $0x2710, $0x38;
	[tilespmem:$0x18C10] =	vst v63  }
0x41: {  	s11 =	rddreg [dreg:$0x9]  }
0x42: {  	[tilespmem:s20], [sflag:$0x3] =	stream.linear.gather [hbm4b:s11+s23], $0x2710, $0x38;
	[tilespmem:$0x18C10] =	vst v63  }
0x43: {  	s12 =	rddreg [dreg:$0xa];
	s5 =	simm.s32 $0x27A0  }
0x44: {  	[tilespmem:s21], [sflag:$0x4] =	stream.linear.gather [hbm4b:s12+s23], $0x2710, $0x38;
	[tilespmem:$0x18C10] =	vst v63  }
0x45: {  	[tilespmem:s5+$0xFFFFFFE0] =	vst v0  }
0x46: {  	[tilespmem:s5+$0x10] =	vst v0  }
0x47: {  	s6 =	simm.s32 $0x0;
	[tilespmem:s5+$0x0] =	vst v0  }
.LBB2_2:
0x48: {  	s6 =	sadd.s32 $0x4, s6  }
0x49: {  	[tilespmem:s5+$0xFFFFFFF0] =	vst v0;
	s5 =	sadd.s32 $0x40, s5;
	p1 =	slt.u32 s6, $0x27C  }
.Ltmp0:
0x4a: {  	[tilespmem:s5+$0xFFFFFFE0] =	vst v0;
	(pc) =	sbr.rel @p1 .LBB2_2-.Ltmp0, $3  }
0x4b: {  	_ =	sdelay $0x1  }
0x4c: {  	[tilespmem:s5+$0x10] =	vst v0  }
0x4d: {  	[tilespmem:s5+$0x0] =	vst v0  }
0x4e: {  	[tilespmem:s5+$0xFFFFFFF0] =	vst v0  }
0x4f: {  	_ =	swait.ge [sflag:s22], $0x2710  }
0x50: {  	[sflag:s22] =	ssyncset.done $0x0  }
0x51: {  	[sflag:s22] =	ssyncadd.s32 $0xFFFFD8F0  }
0x52: {  	_ =	swait.ge [sflag:s24], $0x2710  }
0x53: {  	[sflag:s24] =	ssyncset.done $0x0  }
0x54: {  	s6 =	simm.s32 $0x9F20;
	[sflag:s24] =	ssyncadd.s32 $0xFFFFD8F0  }
0x55: {  	v2 =	vld [tilespmem:s6+$0x10];
	_ =	sdelay $0x1  }
0x56: {  	v3 =	vld [tilespmem:s6+$0xFFFFFFF0]  }
0x57: {  	v5 =	vld [tilespmem:s6+$0x0]  }
0x58: {  	s5 =	simm.s32 $0xC6A0;
	v8 =	vld [tilespmem:s6+$0xFFFFFFE0]  }
0x59: {  	v10 =	vld [tilespmem:s5+$0x10];
	v9 =	vshra.s32 v2, $0xE  }
0x5a: {  	v6 =	vld [tilespmem:s5+$0xFFFFFFF0]  }
0x5b: {  	v7 =	vld [tilespmem:s5+$0x0];
	_ =	sdelay $0x1  }
0x5c: {  	v4 =	vld [tilespmem:s5+$0xFFFFFFE0]  }
0x5d: {  	s7 =	simm.s32 $0x9F60;
	s6 =	simm.s32 $0x0;
	v2 =	vshra.s32 v3, $0xE;
	v3 =	vshra.s32 v5, $0xE;
	v5 =	vshra.s32 v8, $0xE;
	[tilespmem:v9+s28+$0x0] =	vst.idx.add.f32.msk $0xffff, v10  }
.LBB2_4:
0x5e: {  	v8 =	vld [tilespmem:s7+$0x10];
	s6 =	sadd.s32 $0x4, s6;
	v9 =	vmov v6  }
0x5f: {  	v6 =	vld [tilespmem:s7+$0xFFFFFFF0];
	p1 =	slt.u32 s6, $0x26C;
	v10 =	vmov v7  }
0x60: {  	v7 =	vld [tilespmem:s7+$0x0]  }
0x61: {  	v11 =	vld [tilespmem:s7+$0xFFFFFFE0]  }
0x62: {  	s5 =	sadd.s32 $0x40, s5;
	[tilespmem:v5+s28+$0x0] =	vst.idx.add.f32.msk $0xffff, v4  }
0x63: {  	v8 =	vshra.s32 v8, $0xE;
	v12 =	vld [tilespmem:s5+$0x10]  }
0x64: {  	v4 =	vld [tilespmem:s5+$0xFFFFFFE0];
	v13 =	vshra.s32 v6, $0xE  }
.Ltmp1:
0x65: {  	v6 =	vld [tilespmem:s5+$0xFFFFFFF0];
	v14 =	vshra.s32 v7, $0xE;
	(pc) =	sbr.rel @p1 .LBB2_4-.Ltmp1, $4  }
0x66: {  	v5 =	vshra.s32 v11, $0xE;
	v7 =	vld [tilespmem:s5+$0x0]  }
0x67: {  	[tilespmem:v2+s28+$0x0] =	vst.idx.add.f32.msk $0xffff, v9;
	v2 =	vmov v13  }
0x68: {  	[tilespmem:v8+s28+$0x0] =	vst.idx.add.f32.msk $0xffff, v12  }
0x69: {  	s7 =	sadd.s32 $0x40, s7;
	[tilespmem:v3+s28+$0x0] =	vst.idx.add.f32.msk $0xffff, v10;
	v3 =	vmov v14  }
0x6a: {  	_ =	sdelay $0x3  }
0x6b: {  	[tilespmem:v5+s28+$0x0] =	vst.idx.add.f32.msk $0xffff, v4  }
0x6c: {  	[tilespmem:v2+s28+$0x0] =	vst.idx.add.f32.msk $0xffff, v6  }
0x6d: {  	[tilespmem:v3+s28+$0x0] =	vst.idx.add.f32.msk $0xffff, v7  }
0x6e: {  	v2 =	vld [tilespmem:$0xC600];
	_ =	sdelay $0x4  }
0x6f: {  	v3 =	vld [tilespmem:$0xED80];
	v2 =	vshra.s32 v2, $0xE;
	_ =	sdelay $0x4  }
0x70: {  	s5 =	rddreg [dreg:$0xb];
	[tilespmem:v2+s28+$0x0] =	vst.idx.add.f32.msk $0xffff, v3  }
0x71: {  	[tilespmem:s18], [sflag:$0x1] =	stream.linear.gather [hbm4b:s5+s23], $0x2710, $0x38;
	[tilespmem:$0x18C10] =	vst v63  }
0x72: {  	s12 =	rddreg [dreg:$0xc]  }
0x73: {  	[tilespmem:s19], [sflag:$0x2] =	stream.linear.gather [hbm4b:s12+s23], $0x2710, $0x38;
	[tilespmem:$0x18C10] =	vst v63  }
0x74: {  	_ =	swait.ge [sflag:s29], $0x2710  }
0x75: {  	[sflag:s29] =	ssyncset.done $0x0  }
0x76: {  	[sflag:s29] =	ssyncadd.s32 $0xFFFFD8F0  }
0x77: {  	_ =	swait.ge [sflag:s0], $0x2710  }
0x78: {  	[sflag:s0] =	ssyncset.done $0x0  }
0x79: {  	s6 =	simm.s32 $0xEE20;
	[sflag:s0] =	ssyncadd.s32 $0xFFFFD8F0  }
0x7a: {  	v2 =	vld [tilespmem:s6+$0x10];
	_ =	sdelay $0x1  }
0x7b: {  	v3 =	vld [tilespmem:s6+$0xFFFFFFF0]  }
0x7c: {  	v5 =	vld [tilespmem:s6+$0x0]  }
0x7d: {  	s5 =	simm.s32 $0x115A0;
	v8 =	vld [tilespmem:s6+$0xFFFFFFE0]  }
0x7e: {  	v10 =	vld [tilespmem:s5+$0x10];
	v9 =	vshra.s32 v2, $0xE  }
0x7f: {  	v6 =	vld [tilespmem:s5+$0xFFFFFFF0]  }
0x80: {  	v7 =	vld [tilespmem:s5+$0x0];
	_ =	sdelay $0x1  }
0x81: {  	v4 =	vld [tilespmem:s5+$0xFFFFFFE0]  }
0x82: {  	s7 =	simm.s32 $0xEE60;
	s6 =	simm.s32 $0x0;
	v2 =	vshra.s32 v3, $0xE;
	v3 =	vshra.s32 v5, $0xE;
	v5 =	vshra.s32 v8, $0xE;
	[tilespmem:v9+s28+$0x0] =	vst.idx.add.f32.msk $0xffff, v10  }
.LBB2_6:
0x83: {  	v8 =	vld [tilespmem:s7+$0x10];
	s6 =	sadd.s32 $0x4, s6;
	v9 =	vmov v6  }
0x84: {  	v6 =	vld [tilespmem:s7+$0xFFFFFFF0];
	p1 =	slt.u32 s6, $0x26C;
	v10 =	vmov v7  }
0x85: {  	v7 =	vld [tilespmem:s7+$0x0]  }
0x86: {  	v11 =	vld [tilespmem:s7+$0xFFFFFFE0]  }
0x87: {  	s5 =	sadd.s32 $0x40, s5;
	[tilespmem:v5+s28+$0x0] =	vst.idx.add.f32.msk $0xffff, v4  }
0x88: {  	v8 =	vshra.s32 v8, $0xE;
	v12 =	vld [tilespmem:s5+$0x10]  }
0x89: {  	v4 =	vld [tilespmem:s5+$0xFFFFFFE0];
	v13 =	vshra.s32 v6, $0xE  }
.Ltmp2:
0x8a: {  	v6 =	vld [tilespmem:s5+$0xFFFFFFF0];
	v14 =	vshra.s32 v7, $0xE;
	(pc) =	sbr.rel @p1 .LBB2_6-.Ltmp2, $4  }
0x8b: {  	v5 =	vshra.s32 v11, $0xE;
	v7 =	vld [tilespmem:s5+$0x0]  }
0x8c: {  	[tilespmem:v2+s28+$0x0] =	vst.idx.add.f32.msk $0xffff, v9;
	v2 =	vmov v13  }
0x8d: {  	[tilespmem:v8+s28+$0x0] =	vst.idx.add.f32.msk $0xffff, v12  }
0x8e: {  	s7 =	sadd.s32 $0x40, s7;
	[tilespmem:v3+s28+$0x0] =	vst.idx.add.f32.msk $0xffff, v10;
	v3 =	vmov v14  }
0x8f: {  	_ =	sdelay $0x3  }
0x90: {  	[tilespmem:v5+s28+$0x0] =	vst.idx.add.f32.msk $0xffff, v4  }
0x91: {  	[tilespmem:v2+s28+$0x0] =	vst.idx.add.f32.msk $0xffff, v6  }
0x92: {  	[tilespmem:v3+s28+$0x0] =	vst.idx.add.f32.msk $0xffff, v7  }
0x93: {  	v2 =	vld [tilespmem:$0x11500];
	_ =	sdelay $0x4  }
0x94: {  	v3 =	vld [tilespmem:$0x13C80];
	v2 =	vshra.s32 v2, $0xE;
	_ =	sdelay $0x4  }
0x95: {  	s5 =	rddreg [dreg:$0x1e];
	[tilespmem:v2+s28+$0x0] =	vst.idx.add.f32.msk $0xffff, v3  }
0x96: {  	[spmem:s5] =	stream.strided.scatter [tilespmem:s28], [sflag:$0x8], $0x2800, s17, s16, $0x38;
	[tilespmem:$0x18C10] =	vst v63  }
0x97: {  	_ =	swait.ge [sflag:s30], $0x2800  }
0x98: {  	[sflag:s30] =	ssyncset.done $0x0  }
0x99: {  	[sflag:s30] =	ssyncadd.s32 $0xFFFFD800  }
0x9a: {  	[bflag:$0x0] =	sbarrier.arrive $0xFFFF  }
0x9b: {  	s9 =	simm.s32 $0x4F80;
	s10 =	sld [smem:$0x7F1]  }
0x9c: {  	[tilespmem:s9], [sflag:$0x3] =	stream.strided.gather [spmem:s26], $0x280, s17, s16, $0x38;
	[tilespmem:$0x18C10] =	vst v63  }
0x9d: {  	s6 =	simm.s32 $0x5200;
	s11 =	sld [smem:$0x7F2]  }
0x9e: {  	[tilespmem:s6], [sflag:$0x4] =	stream.strided.gather [spmem:s10], $0x280, s17, s16, $0x38;
	[tilespmem:$0x18C10] =	vst v63  }
0x9f: {  	s12 =	simm.s32 $0x5480;
	s7 =	sld [smem:$0x7F3]  }
0xa0: {  	[tilespmem:s12], [sflag:$0x5] =	stream.strided.gather [spmem:s11], $0x280, s17, s16, $0x38;
	[tilespmem:$0x18C10] =	vst v63  }
0xa1: {  	s8 =	simm.s32 $0x5700  }
0xa2: {  	[tilespmem:s8], [sflag:$0x6] =	stream.strided.gather [spmem:s7], $0x280, s17, s16, $0x38;
	[tilespmem:$0x18C10] =	vst v63  }
0xa3: {  	_ =	swait.ge [sflag:s29], $0x280  }
0xa4: {  	[sflag:s29] =	ssyncset.done $0x0  }
0xa5: {  	[sflag:s29] =	ssyncadd.s32 $0xFFFFFD80  }
0xa6: {  	_ =	swait.ge [sflag:s0], $0x280  }
0xa7: {  	[sflag:s0] =	ssyncset.done $0x0  }
0xa8: {  	[sflag:s0] =	ssyncadd.s32 $0xFFFFFD80  }
0xa9: {  	_ =	swait.ge [sflag:s25], $0x280  }
0xaa: {  	[sflag:s25] =	ssyncset.done $0x0  }
0xab: {  	[sflag:s25] =	ssyncadd.s32 $0xFFFFFD80  }
0xac: {  	_ =	swait.ge [sflag:s1], $0x280  }
0xad: {  	s9 =	sld [smem:$0x7F4]  }
0xae: {  	[sflag:s1] =	ssyncset.done $0x0  }
0xaf: {  	s10 =	simm.s32 $0x5980;
	s11 =	sld [smem:$0x7F5];
	[sflag:s1] =	ssyncadd.s32 $0xFFFFFD80  }
0xb0: {  	[tilespmem:s10], [sflag:$0x3] =	stream.strided.gather [spmem:s9], $0x280, s17, s16, $0x38;
	[tilespmem:$0x18C10] =	vst v63  }
0xb1: {  	s12 =	simm.s32 $0x5C00;
	s7 =	sld [smem:$0x7F6]  }
0xb2: {  	[tilespmem:s12], [sflag:$0x4] =	stream.strided.gather [spmem:s11], $0x280, s17, s16, $0x38;
	[tilespmem:$0x18C10] =	vst v63  }
0xb3: {  	s8 =	simm.s32 $0x5E80;
	s9 =	sld [smem:$0x7F7]  }
0xb4: {  	[tilespmem:s8], [sflag:$0x5] =	stream.strided.gather [spmem:s7], $0x280, s17, s16, $0x38;
	[tilespmem:$0x18C10] =	vst v63  }
0xb5: {  	s10 =	simm.s32 $0x6100  }
0xb6: {  	[tilespmem:s10], [sflag:$0x6] =	stream.strided.gather [spmem:s9], $0x280, s17, s16, $0x38;
	[tilespmem:$0x18C10] =	vst v63  }
0xb7: {  	_ =	swait.ge [sflag:s29], $0x280  }
0xb8: {  	[sflag:s29] =	ssyncset.done $0x0  }
0xb9: {  	[sflag:s29] =	ssyncadd.s32 $0xFFFFFD80  }
0xba: {  	_ =	swait.ge [sflag:s0], $0x280  }
0xbb: {  	[sflag:s0] =	ssyncset.done $0x0  }
0xbc: {  	[sflag:s0] =	ssyncadd.s32 $0xFFFFFD80  }
0xbd: {  	_ =	swait.ge [sflag:s25], $0x280  }
0xbe: {  	[sflag:s25] =	ssyncset.done $0x0  }
0xbf: {  	[sflag:s25] =	ssyncadd.s32 $0xFFFFFD80  }
0xc0: {  	_ =	swait.ge [sflag:s1], $0x280  }
0xc1: {  	s11 =	sld [smem:$0x7F8]  }
0xc2: {  	[sflag:s1] =	ssyncset.done $0x0  }
0xc3: {  	s12 =	simm.s32 $0x6380;
	s7 =	sld [smem:$0x7F9];
	[sflag:s1] =	ssyncadd.s32 $0xFFFFFD80  }
0xc4: {  	[tilespmem:s12], [sflag:$0x3] =	stream.strided.gather [spmem:s11], $0x280, s17, s16, $0x38;
	[tilespmem:$0x18C10] =	vst v63  }
0xc5: {  	s8 =	simm.s32 $0x6600;
	s9 =	sld [smem:$0x7FA]  }
0xc6: {  	[tilespmem:s8], [sflag:$0x4] =	stream.strided.gather [spmem:s7], $0x280, s17, s16, $0x38;
	[tilespmem:$0x18C10] =	vst v63  }
0xc7: {  	s10 =	simm.s32 $0x6880;
	s11 =	sld [smem:$0x7FB]  }
0xc8: {  	[tilespmem:s10], [sflag:$0x5] =	stream.strided.gather [spmem:s9], $0x280, s17, s16, $0x38;
	[tilespmem:$0x18C10] =	vst v63  }
0xc9: {  	s12 =	simm.s32 $0x6B00  }
0xca: {  	[tilespmem:s12], [sflag:$0x6] =	stream.strided.gather [spmem:s11], $0x280, s17, s16, $0x38;
	[tilespmem:$0x18C10] =	vst v63  }
0xcb: {  	_ =	swait.ge [sflag:s29], $0x280  }
0xcc: {  	[sflag:s29] =	ssyncset.done $0x0  }
0xcd: {  	[sflag:s29] =	ssyncadd.s32 $0xFFFFFD80  }
0xce: {  	_ =	swait.ge [sflag:s0], $0x280  }
0xcf: {  	[sflag:s0] =	ssyncset.done $0x0  }
0xd0: {  	[sflag:s0] =	ssyncadd.s32 $0xFFFFFD80  }
0xd1: {  	_ =	swait.ge [sflag:s25], $0x280  }
0xd2: {  	[sflag:s25] =	ssyncset.done $0x0  }
0xd3: {  	[sflag:s25] =	ssyncadd.s32 $0xFFFFFD80  }
0xd4: {  	_ =	swait.ge [sflag:s1], $0x280  }
0xd5: {  	s6 =	sld [smem:$0x7FC]  }
0xd6: {  	[sflag:s1] =	ssyncset.done $0x0  }
0xd7: {  	s7 =	simm.s32 $0x6D80;
	s8 =	sld [smem:$0x7FD];
	[sflag:s1] =	ssyncadd.s32 $0xFFFFFD80  }
0xd8: {  	[tilespmem:s7], [sflag:$0x3] =	stream.strided.gather [spmem:s6], $0x280, s17, s16, $0x38;
	[tilespmem:$0x18C10] =	vst v63  }
0xd9: {  	s9 =	simm.s32 $0x7000  }
0xda: {  	[tilespmem:s9], [sflag:$0x4] =	stream.strided.gather [spmem:s8], $0x280, s17, s16, $0x38;
	[tilespmem:$0x18C10] =	vst v63  }
0xdb: {  	s10 =	simm.s32 $0x7280  }
0xdc: {  	[tilespmem:s10], [sflag:$0x5] =	stream.strided.gather [spmem:s13], $0x280, s17, s16, $0x38;
	[tilespmem:$0x18C10] =	vst v63  }
0xdd: {  	s11 =	simm.s32 $0x7500  }
0xde: {  	[tilespmem:s11], [sflag:$0x6] =	stream.strided.gather [spmem:s14], $0x280, s17, s16, $0x38;
	[tilespmem:$0x18C10] =	vst v63  }
0xdf: {  	_ =	swait.ge [sflag:s29], $0x280  }
0xe0: {  	[sflag:s29] =	ssyncset.done $0x0  }
0xe1: {  	[sflag:s29] =	ssyncadd.s32 $0xFFFFFD80  }
0xe2: {  	_ =	swait.ge [sflag:s0], $0x280  }
0xe3: {  	[sflag:s0] =	ssyncset.done $0x0  }
0xe4: {  	[sflag:s0] =	ssyncadd.s32 $0xFFFFFD80  }
0xe5: {  	_ =	swait.ge [sflag:s25], $0x280  }
0xe6: {  	[sflag:s25] =	ssyncset.done $0x0  }
0xe7: {  	[sflag:s25] =	ssyncadd.s32 $0xFFFFFD80  }
0xe8: {  	_ =	swait.ge [sflag:s1], $0x280  }
0xe9: {  	[sflag:s1] =	ssyncset.done $0x0  }
0xea: {  	s12 =	simm.s32 $0x0;
	s10 =	simm.s32 $0x6390;
	[sflag:s1] =	ssyncadd.s32 $0xFFFFFD80  }
0xeb: {  	s7 =	sand.u32 $0x3E0, s12;
	v2 =	vld [tilespmem:s10+$0xFFFFEBF0]  }
0xec: {  	v3 =	vld [tilespmem:s7+$0x5200]  }
0xed: {  	v4 =	vld [tilespmem:s10+$0xFFFFEC00]  }
0xee: {  	v5 =	vld [tilespmem:s7+$0x5480]  }
0xef: {  	v6 =	vld [tilespmem:s10+$0xFFFFEE80]  }
0xf0: {  	v7 =	vld [tilespmem:s7+$0x5700]  }
0xf1: {  	v2 =	vadd.f32 v3, v2;
	v3 =	vld [tilespmem:s10+$0xFFFFF100]  }
0xf2: {  	v8 =	vld [tilespmem:s7+$0x5980]  }
0xf3: {  	v2 =	vadd.f32 v5, v2;
	v5 =	vld [tilespmem:s10+$0xFFFFF380]  }
0xf4: {  	v9 =	vld [tilespmem:s7+$0x5C00];
	v4 =	vadd.f32 v6, v4  }
0xf5: {  	v6 =	vld [tilespmem:s10+$0xFFFFF600];
	v2 =	vadd.f32 v7, v2  }
0xf6: {  	v7 =	vld [tilespmem:s7+$0x5E80];
	v3 =	vadd.f32 v3, v4  }
0xf7: {  	v4 =	vld [tilespmem:s10+$0xFFFFF880];
	v2 =	vadd.f32 v8, v2  }
0xf8: {  	v8 =	vld [tilespmem:s7+$0x6100];
	v3 =	vadd.f32 v5, v3  }
0xf9: {  	v5 =	vld [tilespmem:s10+$0xFFFFFB00];
	v2 =	vadd.f32 v9, v2  }
0xfa: {  	v9 =	vld [tilespmem:s7+$0x6380];
	v3 =	vadd.f32 v6, v3  }
0xfb: {  	v6 =	vld [tilespmem:s10+$0xFFFFFD80];
	v2 =	vadd.f32 v7, v2  }
0xfc: {  	v7 =	vld [tilespmem:s7+$0x6600];
	v3 =	vadd.f32 v4, v3  }
0xfd: {  	v4 =	vld [tilespmem:s10+$0x0];
	v2 =	vadd.f32 v8, v2  }
0xfe: {  	v8 =	vld [tilespmem:s7+$0x6880];
	v3 =	vadd.f32 v5, v3  }
0xff: {  	v5 =	vld [tilespmem:s10+$0x280];
	v2 =	vadd.f32 v9, v2  }
0x100: {  	v9 =	vld [tilespmem:s7+$0x6B00];
	v3 =	vadd.f32 v6, v3  }
0x101: {  	v6 =	vld [tilespmem:s10+$0x500];
	v2 =	vadd.f32 v7, v2  }
0x102: {  	v7 =	vld [tilespmem:s7+$0x6D80];
	v3 =	vadd.f32 v4, v3  }
0x103: {  	v4 =	vld [tilespmem:s10+$0x780];
	v2 =	vadd.f32 v8, v2  }
0x104: {  	v8 =	vld [tilespmem:s7+$0x7000];
	v3 =	vadd.f32 v5, v3  }
0x105: {  	v5 =	vld [tilespmem:s10+$0xA00];
	v2 =	vadd.f32 v9, v2  }
0x106: {  	v9 =	vld [tilespmem:s7+$0x7280];
	v3 =	vadd.f32 v6, v3  }
0x107: {  	v6 =	vld [tilespmem:s10+$0xC80];
	v2 =	vadd.f32 v7, v2  }
0x108: {  	v7 =	vld [tilespmem:s7+$0x7500];
	v3 =	vadd.f32 v4, v3  }
0x109: {  	s8 =	simm.s32 $0x63B0;
	v4 =	vld [tilespmem:s10+$0xF00];
	v2 =	vadd.f32 v8, v2  }
0x10a: {  	s5 =	simm.s32 $0x20;
	v8 =	vld [tilespmem:s8+$0xFFFFEBF0];
	v3 =	vadd.f32 v5, v3  }
0x10b: {  	s11 =	sand.u32 $0x3E0, s5;
	v5 =	vld [tilespmem:s10+$0x1180];
	v2 =	vadd.f32 v9, v2  }
0x10c: {  	v9 =	vld [tilespmem:s11+$0x5200];
	v3 =	vadd.f32 v6, v3  }
0x10d: {  	v6 =	vld [tilespmem:s8+$0xFFFFEC00];
	v7 =	vadd.f32 v7, v2  }
0x10e: {  	v2 =	vld [tilespmem:s11+$0x5480];
	v3 =	vadd.f32 v4, v3  }
0x10f: {  	v4 =	vld [tilespmem:s8+$0xFFFFEE80];
	v10 =	vshra.s32 v7, $0x1;
	v11 =	vmul.f32 $5.000000000e-01, v7  }
0x110: {  	v12 =	vld [tilespmem:s11+$0x5700];
	v10 =	vsub.s32 $0x5F3759DF, v10;
	v5 =	vadd.f32 v5, v3  }
0x111: {  	v3 =	vadd.f32 v9, v8;
	v8 =	vld [tilespmem:s8+$0xFFFFF100];
	v9 =	vmul.f32 v10, v11  }
0x112: {  	v13 =	vld [tilespmem:s11+$0x5980];
	v14 =	vshra.s32 v5, $0x1;
	v15 =	vmul.f32 $5.000000000e-01, v5  }
0x113: {  	v2 =	vadd.f32 v2, v3;
	v3 =	vld [tilespmem:s8+$0xFFFFF380];
	v9 =	vmul.f32 v10, v9;
	v14 =	vsub.s32 $0x5F3759DF, v14  }
0x114: {  	v16 =	vld [tilespmem:s11+$0x5C00];
	v4 =	vadd.f32 v4, v6;
	v6 =	vmul.f32 v14, v15  }
0x115: {  	v51 =	vld [tilespmem:s8+$0xFFFFF600];
	v2 =	vadd.f32 v12, v2;
	v9 =	vsub.f32 $1.500000000e+00, v9  }
0x116: {  	v4 =	vadd.f32 v8, v4;
	v8 =	vld [tilespmem:s11+$0x5E80];
	v6 =	vmul.f32 v14, v6  }
0x117: {  	v52 =	vld [tilespmem:s8+$0xFFFFF880];
	v2 =	vadd.f32 v13, v2;
	v9 =	vmul.f32 v10, v9  }
0x118: {  	v10 =	vld [tilespmem:s11+$0x6100];
	v3 =	vadd.f32 v3, v4;
	v4 =	vsub.f32 $1.500000000e+00, v6  }
0x119: {  	v2 =	vadd.f32 v16, v2;
	v6 =	vld [tilespmem:s8+$0xFFFFFB00];
	v53 =	vmul.f32 v9, v11  }
0x11a: {  	v54 =	vld [tilespmem:s11+$0x6380];
	v3 =	vadd.f32 v51, v3;
	v4 =	vmul.f32 v14, v4  }
0x11b: {  	v2 =	vadd.f32 v8, v2;
	v8 =	vld [tilespmem:s8+$0xFFFFFD80];
	v55 =	vmul.f32 v53, v9  }
0x11c: {  	v56 =	vld [tilespmem:s11+$0x6600];
	v3 =	vadd.f32 v52, v3;
	v57 =	vmul.f32 v4, v15  }
0x11d: {  	v2 =	vadd.f32 v10, v2;
	v10 =	vld [tilespmem:s8+$0x0];
	v14 =	vsub.f32 $1.500000000e+00, v55  }
0x11e: {  	v3 =	vadd.f32 v6, v3;
	v6 =	vld [tilespmem:s11+$0x6880];
	v13 =	vmul.f32 v57, v4  }
0x11f: {  	v58 =	vld [tilespmem:s8+$0x280];
	v2 =	vadd.f32 v54, v2;
	v9 =	vmul.f32 v14, v9  }
0x120: {  	v59 =	vld [tilespmem:s11+$0x6B00];
	v3 =	vadd.f32 v8, v3;
	v8 =	vsub.f32 $1.500000000e+00, v13  }
0x121: {  	v60 =	vld [tilespmem:s8+$0x500];
	v2 =	vadd.f32 v56, v2;
	v11 =	vmul.f32 v9, v11  }
0x122: {  	v61 =	vld [tilespmem:s11+$0x6D80];
	v3 =	vadd.f32 v10, v3;
	v10 =	vmul.f32 v8, v4  }
0x123: {  	v2 =	vadd.f32 v6, v2;
	v6 =	vld [tilespmem:s8+$0x780];
	v4 =	vmul.f32 v11, v9  }
0x124: {  	v8 =	vld [tilespmem:s11+$0x7000];
	v3 =	vadd.f32 v58, v3;
	v11 =	vmul.f32 v10, v15  }
0x125: {  	v63 =	vld [tilespmem:s8+$0xA00];
	v62 =	vadd.f32 v59, v2;
	v4 =	vsub.f32 $1.500000000e+00, v4  }
0x126: {  	s10 =	sadd.s32 $0x0, s31;
	v2 =	vld [tilespmem:s11+$0x7280];
	v13 =	vadd.f32 v60, v3;
	v11 =	vmul.f32 v11, v10  }
0x127: {  	s6 =	sand.u32 $0x60, s12;
	s9 =	simm.s32 $0x10;
	s10 =	sand.u32 $0x7F80, s10;
	v12 =	vadd.f32 v61, v62;
	v9 =	vmul.f32 v4, v9;
	v4 =	vld [tilespmem:s8+$0xC80]  }
0x128: {  	s9 =	sand.u32 $0x70, s9;
	s7 =	simm.s32 $0x2;
	s12 =	sadd.s32 $0x2780, s10;
	vm1 =	vgt.f32 v7, $0.0e+00;
	v3 =	vld [tilespmem:s11+$0x7500];
	v13 =	vadd.f32 v6, v13;
	v11 =	vsub.f32 $1.500000000e+00, v11  }
0x129: {  	s10 =	sor.u32 s6, s12;
	s12 =	sor.u32 s9, s12;
	vm0 =	vgt.f32 v5, $0.0e+00;
	s11 =	simm.s32 $0x30;
	v6 =	vld [tilespmem:s8+$0xF00];
	v8 =	vadd.f32 v8, v12;
	v5 =	vnsel vm1, $0x0, v9  }
0x12a: {  	s9 =	simm.s32 $0x63D0;
	v7 =	vld [tilespmem:s8+$0x1180];
	s6 =	sand.u32 $0x70, s11;
	s8 =	simm.s32 $0x40;
	v9 =	vadd.f32 v63, v13;
	[tilespmem:s10+$0x0] =	vst v5;
	v5 =	vmul.f32 v11, v10  }
.LBB2_8:
0x12b: {  	v10 =	vld [tilespmem:s9+$0xFFFFEBF0];
	s11 =	sand.u32 $0x3E0, s8;
	s10 =	sadd.s32 $0x10, s8;
	s7 =	sadd.s32 $0x2, s7;
	v2 =	vadd.f32 v2, v8  }
0x12c: {  	v8 =	vld [tilespmem:s11+$0x5200];
	s10 =	sand.u32 $0x70, s10;
	p1 =	slt.u32 s7, $0x26;
	v4 =	vadd.f32 v4, v9;
	v5 =	vnsel vm0, $0x0, v5  }
0x12d: {  	v9 =	vld [tilespmem:s9+$0xFFFFEC00];
	v11 =	vadd.f32 v3, v2;
	[tilespmem:s12+$0x0] =	vst v5  }
0x12e: {  	v2 =	vld [tilespmem:s11+$0x5480];
	v3 =	vadd.f32 v6, v4  }
0x12f: {  	v4 =	vld [tilespmem:s9+$0xFFFFEE80];
	v5 =	vshra.s32 v11, $0x1;
	v6 =	vmul.f32 $5.000000000e-01, v11  }
0x130: {  	v12 =	vld [tilespmem:s11+$0x5700];
	v5 =	vsub.s32 $0x5F3759DF, v5;
	v3 =	vadd.f32 v7, v3  }
0x131: {  	v7 =	vadd.f32 v8, v10;
	v8 =	vld [tilespmem:s9+$0xFFFFF100];
	v10 =	vmul.f32 v5, v6  }
0x132: {  	v13 =	vld [tilespmem:s11+$0x5980];
	v14 =	vshra.s32 v3, $0x1;
	v15 =	vmul.f32 $5.000000000e-01, v3;
	vm0 =	vgt.f32 v3, $0.0e+00  }
0x133: {  	v2 =	vadd.f32 v2, v7;
	v3 =	vld [tilespmem:s9+$0xFFFFF380];
	v7 =	vmul.f32 v5, v10;
	v10 =	vsub.s32 $0x5F3759DF, v14  }
0x134: {  	v14 =	vld [tilespmem:s11+$0x5C00];
	v4 =	vadd.f32 v4, v9;
	v9 =	vmul.f32 v10, v15  }
0x135: {  	v2 =	vadd.f32 v12, v2;
	v12 =	vld [tilespmem:s9+$0xFFFFF600];
	v7 =	vsub.f32 $1.500000000e+00, v7  }
0x136: {  	v16 =	vld [tilespmem:s11+$0x5E80];
	v4 =	vadd.f32 v8, v4;
	v8 =	vmul.f32 v10, v9  }
0x137: {  	v2 =	vadd.f32 v13, v2;
	v9 =	vld [tilespmem:s9+$0xFFFFF880];
	v5 =	vmul.f32 v5, v7  }
0x138: {  	v7 =	vld [tilespmem:s11+$0x6100];
	v3 =	vadd.f32 v3, v4;
	v4 =	vsub.f32 $1.500000000e+00, v8  }
0x139: {  	v2 =	vadd.f32 v14, v2;
	v8 =	vld [tilespmem:s9+$0xFFFFFB00];
	v13 =	vmul.f32 v5, v6  }
0x13a: {  	v14 =	vld [tilespmem:s11+$0x6380];
	v3 =	vadd.f32 v12, v3;
	v4 =	vmul.f32 v10, v4  }
0x13b: {  	v2 =	vadd.f32 v16, v2;
	v10 =	vld [tilespmem:s9+$0xFFFFFD80];
	v12 =	vmul.f32 v13, v5  }
0x13c: {  	v13 =	vld [tilespmem:s11+$0x6600];
	v3 =	vadd.f32 v9, v3;
	v9 =	vmul.f32 v4, v15  }
0x13d: {  	v2 =	vadd.f32 v7, v2;
	v7 =	vld [tilespmem:s9+$0x0];
	v12 =	vsub.f32 $1.500000000e+00, v12  }
0x13e: {  	v16 =	vld [tilespmem:s11+$0x6880];
	v3 =	vadd.f32 v8, v3;
	v8 =	vmul.f32 v9, v4  }
0x13f: {  	v2 =	vadd.f32 v14, v2;
	v9 =	vld [tilespmem:s9+$0x280];
	v5 =	vmul.f32 v12, v5  }
0x140: {  	v12 =	vld [tilespmem:s11+$0x6B00];
	v3 =	vadd.f32 v10, v3;
	v8 =	vsub.f32 $1.500000000e+00, v8  }
0x141: {  	v2 =	vadd.f32 v13, v2;
	v10 =	vld [tilespmem:s9+$0x500];
	v6 =	vmul.f32 v5, v6  }
0x142: {  	v13 =	vld [tilespmem:s11+$0x6D80];
	v3 =	vadd.f32 v7, v3;
	v14 =	vmul.f32 v8, v4  }
0x143: {  	v2 =	vadd.f32 v16, v2;
	v7 =	vld [tilespmem:s9+$0x780];
	v4 =	vmul.f32 v6, v5  }
0x144: {  	v6 =	vld [tilespmem:s11+$0x7000];
	v3 =	vadd.f32 v9, v3;
	v8 =	vmul.f32 v14, v15  }
0x145: {  	v9 =	vadd.f32 v12, v2;
	v12 =	vld [tilespmem:s9+$0xA00];
	v15 =	vsub.f32 $1.500000000e+00, v4  }
.Ltmp3:
0x146: {  	s12 =	sadd.s32 s5, s31;
	v2 =	vld [tilespmem:s11+$0x7280];
	v10 =	vadd.f32 v10, v3;
	v8 =	vmul.f32 v8, v14;
	(pc) =	sbr.rel @p1 .LBB2_8-.Ltmp3, $4  }
0x147: {  	s12 =	sand.u32 $0x7F80, s12;
	v9 =	vadd.f32 v13, v9;
	v4 =	vld [tilespmem:s9+$0xC80];
	v5 =	vmul.f32 v15, v5  }
0x148: {  	vm1 =	vgt.f32 v11, $0.0e+00;
	s12 =	sadd.s32 $0x2780, s12;
	v3 =	vld [tilespmem:s11+$0x7500];
	v7 =	vadd.f32 v7, v10;
	s11 =	sand.u32 $0x60, s5;
	v10 =	vsub.f32 $1.500000000e+00, v8;
	s5 =	smov.u32 s8  }
0x149: {  	v8 =	vadd.f32 v6, v9;
	v6 =	vld [tilespmem:s9+$0xF00];
	v5 =	vnsel vm1, $0x0, v5;
	s11 =	sor.u32 s11, s12;
	s12 =	sor.u32 s6, s12;
	s6 =	smov.u32 s10  }
0x14a: {  	s8 =	sadd.s32 $0x20, s8;
	v9 =	vadd.f32 v12, v7;
	v7 =	vld [tilespmem:s9+$0x1180];
	s9 =	sadd.s32 $0x20, s9;
	[tilespmem:s11+$0x0] =	vst v5;
	v5 =	vmul.f32 v10, v14  }
0x14b: {  	_ = 	snop  }
0x14c: {  	v4 =	vadd.f32 v4, v9  }
0x14d: {  	v2 =	vadd.f32 v2, v8  }
0x14e: {  	v4 =	vadd.f32 v6, v4  }
0x14f: {  	v2 =	vadd.f32 v3, v2  }
0x150: {  	v3 =	vadd.f32 v7, v4  }
0x151: {  	v6 =	vmul.f32 $5.000000000e-01, v2;
	v4 =	vshra.s32 v2, $0x1  }
0x152: {  	v4 =	vsub.s32 $0x5F3759DF, v4;
	v7 =	vshra.s32 v3, $0x1;
	v8 =	vmul.f32 $5.000000000e-01, v3  }
0x153: {  	v9 =	vmul.f32 v4, v6;
	v7 =	vsub.s32 $0x5F3759DF, v7  }
0x154: {  	v10 =	vmul.f32 v7, v8  }
0x155: {  	v9 =	vmul.f32 v4, v9  }
0x156: {  	v10 =	vmul.f32 v7, v10  }
0x157: {  	v9 =	vsub.f32 $1.500000000e+00, v9  }
0x158: {  	v10 =	vsub.f32 $1.500000000e+00, v10  }
0x159: {  	v4 =	vmul.f32 v4, v9  }
0x15a: {  	v7 =	vmul.f32 v7, v10  }
0x15b: {  	v9 =	vmul.f32 v4, v6  }
0x15c: {  	v10 =	vmul.f32 v7, v8  }
0x15d: {  	v9 =	vmul.f32 v9, v4  }
0x15e: {  	v10 =	vmul.f32 v10, v7  }
0x15f: {  	v9 =	vsub.f32 $1.500000000e+00, v9  }
0x160: {  	v10 =	vsub.f32 $1.500000000e+00, v10  }
0x161: {  	v4 =	vmul.f32 v9, v4  }
0x162: {  	v7 =	vmul.f32 v10, v7  }
0x163: {  	v6 =	vmul.f32 v4, v6  }
0x164: {  	v8 =	vmul.f32 v7, v8  }
0x165: {  	v6 =	vmul.f32 v6, v4  }
0x166: {  	v8 =	vmul.f32 v8, v7  }
0x167: {  	v6 =	vsub.f32 $1.500000000e+00, v6  }
0x168: {  	s7 =	sadd.s32 s5, s31;
	v8 =	vsub.f32 $1.500000000e+00, v8  }
0x169: {  	s7 =	sand.u32 $0x7F80, s7;
	v4 =	vmul.f32 v6, v4  }
0x16a: {  	s9 =	sand.u32 $0x60, s5;
	v5 =	vnsel vm0, $0x0, v5;
	s7 =	sadd.s32 $0x2780, s7;
	vm15 =	vgt.f32 v2, $0.0e+00;
	v2 =	vmul.f32 v8, v7  }
0x16b: {  	[tilespmem:s12+$0x0] =	vst v5;
	s5 =	sor.u32 s9, s7;
	vm1 =	vgt.f32 v3, $0.0e+00;
	v3 =	vnsel vm15, $0x0, v4  }
0x16c: {  	s6 =	sor.u32 s6, s7;
	[tilespmem:s5+$0x0] =	vst v3;
	v2 =	vnsel vm1, $0x0, v2  }
0x16d: {  	[tilespmem:s6+$0x0] =	vst v2  }
0x16e: {  	[spmem:s26] =	stream.strided.scatter [tilespmem:s15], [sflag:$0x8], $0x280, s17, s16, $0x38;
	[tilespmem:$0x18C10] =	vst v63  }
0x16f: {  	_ =	swait.ge [sflag:s30], $0x280  }
0x170: {  	[sflag:s30] =	ssyncset.done $0x0  }
0x171: {  	[sflag:s30] =	ssyncadd.s32 $0xFFFFFD80  }
0x172: {  	[bflag:$0x0] =	sbarrier.arrive $0xFFFF  }
0x173: {  	s10 =	rddreg [dreg:$0x4]  }
0x174: {  	[tilespmem:s28], [sflag:$0x8] =	stream.strided.gather [spmem:s10], $0x2800, s17, s16, $0x38;
	[tilespmem:$0x18C10] =	vst v63  }
0x175: {  	_ =	swait.ge [sflag:s30], $0x2800  }
0x176: {  	[sflag:s30] =	ssyncset.done $0x0  }
0x177: {  	[sflag:s30] =	ssyncadd.s32 $0xFFFFD800  }
0x178: {  	_ =	swait.ge [sflag:s22], $0x2710  }
0x179: {  	[sflag:s22] =	ssyncset.done $0x0  }
0x17a: {  	[sflag:s22] =	ssyncadd.s32 $0xFFFFD8F0  }
0x17b: {  	_ =	swait.ge [sflag:s24], $0x2710  }
0x17c: {  	[sflag:s24] =	ssyncset.done $0x0  }
0x17d: {  	s11 =	simm.s32 $0x9F20;
	[sflag:s24] =	ssyncadd.s32 $0xFFFFD8F0  }
0x17e: {  	v4 =	vld [tilespmem:s11+$0xFFFFFFF0]  }
0x17f: {  	v2 =	vld [tilespmem:s11+$0x10]  }
0x180: {  	v3 =	vld [tilespmem:s11+$0xFFFFFFE0]  }
0x181: {  	s5 =	simm.s32 $0xC6A0;
	v5 =	vld [tilespmem:s11+$0x0]  }
0x182: {  	s12 =	simm.s32 $0x9F60;
	v10 =	vld [tilespmem:s5+$0x10]  }
0x183: {  	v13 =	vld [tilespmem:s12+$0xFFFFFFF0];
	v8 =	vshra.s32 v4, $0xE  }
0x184: {  	v14 =	vld [tilespmem:s12+$0x0]  }
0x185: {  	v15 =	vld [tilespmem:s12+$0xFFFFFFE0];
	v6 =	vshra.s32 v2, $0xE  }
0x186: {  	v17 =	vld [tilespmem:s5+$0xFFFFFFF0];
	v2 =	vand.u32 $0x3FFF, v2  }
0x187: {  	v18 =	vld [tilespmem:s5+$0x0];
	v7 =	vshra.s32 v3, $0xE  }
0x188: {  	v9 =	vshra.s32 v5, $0xE;
	v11 =	vld.idx.msk [tilespmem:v8+s28+$0x0], $0xffff  }
0x189: {  	v8 =	vld [tilespmem:s12+$0x10]  }
0x18a: {  	v3 =	vand.u32 $0x3FFF, v3;
	v6 =	vld.idx.msk [tilespmem:v6+s28+$0x0], $0xffff  }
0x18b: {  	v4 =	vand.u32 $0x3FFF, v4;
	v2 =	vld.idx.msk [tilespmem:v2+s28+$0x0], $0xffff  }
0x18c: {  	v5 =	vand.u32 $0x3FFF, v5;
	v7 =	vld.idx.msk [tilespmem:v7+s28+$0x0], $0xffff  }
0x18d: {  	v12 =	vld.idx.msk [tilespmem:v9+s28+$0x0], $0xffff  }
0x18e: {  	v9 =	vld [tilespmem:s5+$0xFFFFFFE0];
	v16 =	vshra.s32 v8, $0xE  }
0x18f: {  	v20 =	vshra.s32 v15, $0xE;
	v3 =	vld.idx.msk [tilespmem:v3+s28+$0x0], $0xffff  }
0x190: {  	v21 =	vld.idx.msk [tilespmem:v4+s28+$0x0], $0xffff;
	v19 =	vand.u32 $0x3FFF, v8;
	v4 =	vmul.f32 v10, v6  }
0x191: {  	s6 =	simm.s32 $0xC6E0;
	v22 =	vld.idx.msk [tilespmem:v5+s28+$0x0], $0xffff;
	v6 =	vshra.s32 v13, $0xE  }
0x192: {  	v23 =	vshra.s32 v14, $0xE;
	v10 =	vld [tilespmem:s6+$0x10];
	v2 =	vmul.f32 v4, v2  }
0x193: {  	v4 =	vmul.f32 v9, v7;
	v8 =	vld.idx.msk [tilespmem:v16+s28+$0x0], $0xffff  }
0x194: {  	v5 =	vld.idx.msk [tilespmem:v20+s28+$0x0], $0xffff;
	v7 =	vmul.f32 v17, v11;
	v11 =	vsub.f32 $0.0e+00, v2  }
0x195: {  	v63 =	vmul.f32 v18, v12;
	v12 =	vmul.f32 v4, v3;
	v9 =	vld.idx.msk [tilespmem:v19+s28+$0x0], $0xffff  }
0x196: {  	v3 =	vand.u32 $0x3FFF, v13;
	v2 =	vand.u32 $0x3FFF, v14;
	v6 =	vld.idx.msk [tilespmem:v6+s28+$0x0], $0xffff;
	[tilespmem:s5+$0x10] =	vst v11;
	v11 =	vmul.f32 v7, v21  }
0x197: {  	s8 =	simm.s32 $0x9FA0;
	s7 =	simm.s32 $0x4;
	v4 =	vand.u32 $0x3FFF, v15;
	v13 =	vmul.f32 v63, v22;
	v7 =	vld.idx.msk [tilespmem:v23+s28+$0x0], $0xffff;
	v12 =	vsub.f32 $0.0e+00, v12  }
.LBB2_10:
0x198: {  	v14 =	vld [tilespmem:s8+$0x10];
	s7 =	sadd.s32 $0x4, s7;
	v8 =	vmul.f32 v10, v8;
	v10 =	vsub.f32 $0.0e+00, v11  }
0x199: {  	v11 =	vld [tilespmem:s8+$0xFFFFFFF0];
	p1 =	slt.u32 s7, $0x26C;
	[tilespmem:s5+$0xFFFFFFE0] =	vst v12;
	v12 =	vsub.f32 $0.0e+00, v13  }
0x19a: {  	v13 =	vld [tilespmem:s8+$0x0];
	v8 =	vmul.f32 v8, v9;
	[tilespmem:s5+$0xFFFFFFF0] =	vst v10  }
0x19b: {  	v9 =	vld [tilespmem:s8+$0xFFFFFFE0];
	[tilespmem:s5+$0x0] =	vst v12;
	s5 =	smov.u32 s6  }
0x19c: {  	v10 =	vld [tilespmem:s6+$0xFFFFFFE0];
	v8 =	vsub.f32 $0.0e+00, v8  }
0x19d: {  	v12 =	vshra.s32 v14, $0xE;
	v15 =	vld [tilespmem:s6+$0xFFFFFFF0]  }
0x19e: {  	v16 =	vshra.s32 v11, $0xE;
	v11 =	vand.u32 $0x3FFF, v11;
	v17 =	vld [tilespmem:s6+$0x0];
	[tilespmem:s6+$0x10] =	vst v8  }
0x19f: {  	v18 =	vshra.s32 v13, $0xE;
	v8 =	vand.u32 $0x3FFF, v13;
	v13 =	vand.u32 $0x3FFF, v14;
	v14 =	vld.idx.msk [tilespmem:v4+s28+$0x0], $0xffff  }
0x1a0: {  	v19 =	vshra.s32 v9, $0xE;
	v4 =	vand.u32 $0x3FFF, v9;
	v20 =	vld.idx.msk [tilespmem:v3+s28+$0x0], $0xffff;
	v3 =	vmov v11  }
0x1a1: {  	v11 =	vmul.f32 v10, v5;
	v21 =	vld.idx.msk [tilespmem:v2+s28+$0x0], $0xffff;
	v2 =	vmov v8  }
0x1a2: {  	s6 =	sadd.s32 $0x40, s6;
	v8 =	vld.idx.msk [tilespmem:v12+s28+$0x0], $0xffff;
	v12 =	vmul.f32 v15, v6  }
.Ltmp4:
0x1a3: {  	v10 =	vld [tilespmem:s6+$0x10];
	v15 =	vmul.f32 v17, v7;
	(pc) =	sbr.rel @p1 .LBB2_10-.Ltmp4, $4  }
0x1a4: {  	v9 =	vld.idx.msk [tilespmem:v13+s28+$0x0], $0xffff  }
0x1a5: {  	v13 =	vmul.f32 v11, v14;
	v5 =	vld.idx.msk [tilespmem:v19+s28+$0x0], $0xffff  }
0x1a6: {  	v11 =	vmul.f32 v12, v20;
	v6 =	vld.idx.msk [tilespmem:v16+s28+$0x0], $0xffff  }
0x1a7: {  	s8 =	sadd.s32 $0x40, s8;
	v12 =	vsub.f32 $0.0e+00, v13;
	v13 =	vmul.f32 v15, v21;
	v7 =	vld.idx.msk [tilespmem:v18+s28+$0x0], $0xffff  }
0x1a8: {  	_ = 	snop  }
0x1a9: {  	v14 =	vld [tilespmem:s6+$0xFFFFFFE0]  }
0x1aa: {  	v15 =	vld [tilespmem:s6+$0xFFFFFFF0]  }
0x1ab: {  	v16 =	vld [tilespmem:s6+$0x0]  }
0x1ac: {  	v4 =	vld.idx.msk [tilespmem:v4+s28+$0x0], $0xffff  }
0x1ad: {  	v3 =	vld.idx.msk [tilespmem:v3+s28+$0x0], $0xffff  }
0x1ae: {  	v8 =	vmul.f32 v10, v8;
	v2 =	vld.idx.msk [tilespmem:v2+s28+$0x0], $0xffff  }
0x1af: {  	v5 =	vmul.f32 v14, v5  }
0x1b0: {  	v61 =	vsub.f32 $0.0e+00, v11;
	v8 =	vmul.f32 v8, v9;
	v6 =	vmul.f32 v15, v6  }
0x1b1: {  	[tilespmem:s5+$0xFFFFFFE0] =	vst v12;
	v62 =	vsub.f32 $0.0e+00, v13;
	v7 =	vmul.f32 v16, v7;
	v4 =	vmul.f32 v5, v4  }
0x1b2: {  	[tilespmem:s5+$0xFFFFFFF0] =	vst v61;
	v63 =	vsub.f32 $0.0e+00, v8;
	v3 =	vmul.f32 v6, v3  }
0x1b3: {  	[tilespmem:s5+$0x0] =	vst v62;
	v2 =	vmul.f32 v7, v2;
	v4 =	vsub.f32 $0.0e+00, v4  }
0x1b4: {  	[tilespmem:s6+$0x10] =	vst v63;
	v3 =	vsub.f32 $0.0e+00, v3  }
0x1b5: {  	v2 =	vsub.f32 $0.0e+00, v2;
	[tilespmem:s6+$0xFFFFFFE0] =	vst v4  }
0x1b6: {  	[tilespmem:s6+$0xFFFFFFF0] =	vst v3  }
0x1b7: {  	[tilespmem:s6+$0x0] =	vst v2  }
0x1b8: {  	v2 =	vld [tilespmem:$0xC600];
	_ =	sdelay $0x4  }
0x1b9: {  	v3 =	vshra.s32 v2, $0xE;
	_ =	sdelay $0x1  }
0x1ba: {  	v2 =	vand.u32 $0x3FFF, v2;
	_ =	sdelay $0x1  }
0x1bb: {  	v4 =	vld [tilespmem:$0xED80]  }
0x1bc: {  	v3 =	vld.idx.msk [tilespmem:v3+s28+$0x0], $0xffff;
	_ =	sdelay $0x1  }
0x1bd: {  	v2 =	vld.idx.msk [tilespmem:v2+s28+$0x0], $0xffff;
	_ =	sdelay $0x2  }
0x1be: {  	v3 =	vmul.f32 v4, v3;
	_ =	sdelay $0x1  }
0x1bf: {  	v2 =	vmul.f32 v3, v2;
	_ =	sdelay $0x1  }
0x1c0: {  	v2 =	vsub.f32 $0.0e+00, v2;
	_ =	sdelay $0x1  }
.Ltmp5:
0x1c1: {  	s5 =	rddreg [dreg:$0x15];
	[tilespmem:$0xED80] =	vst v2;
	(pc) =	sbr.rel @p0 .LBB2_17-.Ltmp5, $4  }
0x1c2: {  	[spmem:s5] =	stream.linear.scatter [tilespmem:s19], [sflag:$0x8], $0x2710, $0x38;
	[tilespmem:$0x18C10] =	vst v63  }
0x1c3: {  	_ =	swait.ge [sflag:s30], $0x2710  }
0x1c4: {  	[sflag:s30] =	ssyncset.done $0x0  }
0x1c5: {  	[sflag:s30] =	ssyncadd.s32 $0xFFFFD8F0  }
0x1c6: {  	s5 =	simm.s32 $0x77A0  }
0x1c7: {  	[tilespmem:s5+$0xFFFFFFE0] =	vst v0  }
0x1c8: {  	[tilespmem:s5+$0x10] =	vst v0  }
0x1c9: {  	s6 =	simm.s32 $0x0;
	[tilespmem:s5+$0x0] =	vst v0  }
.LBB2_13:
0x1ca: {  	s6 =	sadd.s32 $0x4, s6  }
0x1cb: {  	[tilespmem:s5+$0xFFFFFFF0] =	vst v0;
	s5 =	sadd.s32 $0x40, s5;
	p1 =	slt.u32 s6, $0x26C  }
.Ltmp6:
0x1cc: {  	[tilespmem:s5+$0xFFFFFFE0] =	vst v0;
	(pc) =	sbr.rel @p1 .LBB2_13-.Ltmp6, $3  }
0x1cd: {  	_ =	sdelay $0x1  }
0x1ce: {  	[tilespmem:s5+$0x10] =	vst v0  }
0x1cf: {  	[tilespmem:s5+$0x0] =	vst v0  }
0x1d0: {  	[tilespmem:s5+$0xFFFFFFF0] =	vst v0  }
0x1d1: {  	s10 =	rddreg [dreg:$0x1];
	[tilespmem:$0x9E80] =	vst v0  }
0x1d2: {  	[tilespmem:s18], [sflag:$0x8] =	stream.linear.gather [hbm4b:s10+s23], $0x1000, $0x38;
	[tilespmem:$0x18C10] =	vst v63  }
0x1d3: {  	_ =	swait.ge [sflag:s30], $0x1000  }
0x1d4: {  	[sflag:s30] =	ssyncset.done $0x0  }
0x1d5: {  	[sflag:s30] =	ssyncadd.s32 $0xFFFFF000  }
0x1d6: {  	s6 =	simm.s32 $0xAF00;
	s11 =	rddreg [dreg:$0x2]  }
0x1d7: {  	[tilespmem:s6], [sflag:$0x8] =	stream.linear.gather [hbm4b:s11+s23], $0x1000, $0x38;
	[tilespmem:$0x18C10] =	vst v63  }
0x1d8: {  	_ =	swait.ge [sflag:s30], $0x1000  }
0x1d9: {  	[sflag:s30] =	ssyncset.done $0x0  }
0x1da: {  	s12 =	simm.s32 $0x9F20;
	[sflag:s30] =	ssyncadd.s32 $0xFFFFF000  }
0x1db: {  	v5 =	vld [tilespmem:s12+$0x10];
	_ =	sdelay $0x4  }
0x1dc: {  	v4 =	vld [tilespmem:s12+$0xFFFFFFE0]  }
0x1dd: {  	v2 =	vld [tilespmem:s12+$0xFFFFFFF0]  }
0x1de: {  	v3 =	vld [tilespmem:s12+$0x0]  }
0x1df: {  	s5 =	simm.s32 $0x0;
	s6 =	simm.s32 $0x9F60;
	[tilespmem:v5+s2+$0x0] =	vst.idx.add.f32.msk $0xffff, v1  }
.LBB2_15:
0x1e0: {  	v5 =	vld [tilespmem:s6+$0x10];
	s5 =	sadd.s32 $0x4, s5  }
0x1e1: {  	v6 =	vld [tilespmem:s6+$0xFFFFFFF0];
	p1 =	slt.u32 s5, $0x1FC  }
0x1e2: {  	v7 =	vld [tilespmem:s6+$0x0]  }
0x1e3: {  	v8 =	vld [tilespmem:s6+$0xFFFFFFE0]  }
.Ltmp7:
0x1e4: {  	[tilespmem:v4+s2+$0x0] =	vst.idx.add.f32.msk $0xffff, v1;
	(pc) =	sbr.rel @p1 .LBB2_15-.Ltmp7, $4  }
0x1e5: {  	[tilespmem:v2+s2+$0x0] =	vst.idx.add.f32.msk $0xffff, v1  }
0x1e6: {  	[tilespmem:v3+s2+$0x0] =	vst.idx.add.f32.msk $0xffff, v1;
	v2 =	vmov v6  }
0x1e7: {  	v3 =	vmov v7  }
0x1e8: {  	s6 =	sadd.s32 $0x40, s6;
	[tilespmem:v5+s2+$0x0] =	vst.idx.add.f32.msk $0xffff, v1;
	v4 =	vmov v8  }
0x1e9: {  	_ =	sdelay $0x3  }
0x1ea: {  	[tilespmem:v4+s2+$0x0] =	vst.idx.add.f32.msk $0xffff, v1  }
0x1eb: {  	[tilespmem:v2+s2+$0x0] =	vst.idx.add.f32.msk $0xffff, v1  }
0x1ec: {  	[tilespmem:v3+s2+$0x0] =	vst.idx.add.f32.msk $0xffff, v1;
	s5 =	rddreg [dreg:$0x3]  }
0x1ed: {  	[hbm4b:s5+s23] =	stream.linear.scatter [tilespmem:s2], [sflag:$0x8], $0x2780, $0x38;
	[tilespmem:$0x18C10] =	vst v63  }
0x1ee: {  	_ =	swait.ge [sflag:s30], $0x2780  }
0x1ef: {  	[sflag:s30] =	ssyncset.done $0x0  }
0x1f0: {  	[sflag:s30] =	ssyncadd.s32 $0xFFFFD880  }
.LBB2_17:
0x1f1: {  	s5 =	simm.s32 $0x77A0  }
0x1f2: {  	[tilespmem:s5+$0xFFFFFFE0] =	vst v0  }
0x1f3: {  	[tilespmem:s5+$0x10] =	vst v0  }
0x1f4: {  	s6 =	simm.s32 $0x0;
	[tilespmem:s5+$0x0] =	vst v0  }
.LBB2_18:
0x1f5: {  	s6 =	sadd.s32 $0x4, s6  }
0x1f6: {  	[tilespmem:s5+$0xFFFFFFF0] =	vst v0;
	s5 =	sadd.s32 $0x40, s5;
	p1 =	slt.u32 s6, $0x26C  }
.Ltmp8:
0x1f7: {  	[tilespmem:s5+$0xFFFFFFE0] =	vst v0;
	(pc) =	sbr.rel @p1 .LBB2_18-.Ltmp8, $3  }
0x1f8: {  	_ =	sdelay $0x1  }
0x1f9: {  	[tilespmem:s5+$0x10] =	vst v0  }
0x1fa: {  	[tilespmem:s5+$0x0] =	vst v0  }
0x1fb: {  	[tilespmem:s5+$0xFFFFFFF0] =	vst v0  }
0x1fc: {  	[tilespmem:$0x9E80] =	vst v0  }
0x1fd: {  	_ =	swait.ge [sflag:s3], $0x2780  }
0x1fe: {  	[sflag:s3] =	ssyncset.done $0x0  }
0x1ff: {  	[sflag:s3] =	ssyncadd.s32 $0xFFFFD880  }
0x200: {  	[bflag:$0x0] =	sbarrier.arrive $0xFFFF  }
0x201: {  	s7 =	rddreg [dreg:$0xd]  }
0x202: {  	[tilespmem:s18], [sflag:$0x1] =	stream.linear.gather [hbm4b:s7+s23], $0x2710, $0x38;
	[tilespmem:$0x18C10] =	vst v63  }
0x203: {  	s8 =	rddreg [dreg:$0x16]  }
0x204: {  	[tilespmem:s19], [sflag:$0x2] =	stream.linear.gather [spmem:s8], $0x2710, $0x38;
	[tilespmem:$0x18C10] =	vst v63  }
0x205: {  	s9 =	rddreg [dreg:$0xe]  }
0x206: {  	[tilespmem:s20], [sflag:$0x3] =	stream.linear.gather [hbm4b:s9+s23], $0x2710, $0x38;
	[tilespmem:$0x18C10] =	vst v63  }
0x207: {  	s10 =	rddreg [dreg:$0x17]  }
0x208: {  	[tilespmem:s21], [sflag:$0x4] =	stream.linear.gather [spmem:s10], $0x2710, $0x38;
	[tilespmem:$0x18C10] =	vst v63  }
0x209: {  	_ =	swait.ge [sflag:s22], $0x2710  }
0x20a: {  	[sflag:s22] =	ssyncset.done $0x0  }
0x20b: {  	[sflag:s22] =	ssyncadd.s32 $0xFFFFD8F0  }
0x20c: {  	_ =	swait.ge [sflag:s24], $0x2710  }
0x20d: {  	[sflag:s24] =	ssyncset.done $0x0  }
0x20e: {  	s11 =	simm.s32 $0x9F20;
	[sflag:s24] =	ssyncadd.s32 $0xFFFFD8F0  }
0x20f: {  	v2 =	vld [tilespmem:s11+$0x10];
	_ =	sdelay $0x1  }
0x210: {  	v4 =	vld [tilespmem:s11+$0xFFFFFFE0]  }
0x211: {  	v3 =	vld [tilespmem:s11+$0xFFFFFFF0]  }
0x212: {  	s12 =	simm.s32 $0xC6A0;
	v9 =	vld [tilespmem:s11+$0x0]  }
0x213: {  	s6 =	simm.s32 $0x9F60;
	v8 =	vld [tilespmem:s12+$0x10];
	v5 =	vshra.s32 v2, $0xE  }
0x214: {  	v14 =	vld [tilespmem:s6+$0x10]  }
0x215: {  	v11 =	vld [tilespmem:s12+$0xFFFFFFE0];
	v7 =	vshra.s32 v4, $0xE  }
0x216: {  	v13 =	vld [tilespmem:s6+$0xFFFFFFF0]  }
0x217: {  	v15 =	vld [tilespmem:s6+$0x0]  }
0x218: {  	v6 =	vshra.s32 v3, $0xE;
	v5 =	vld.idx.msk [tilespmem:v5+s23+$0x0], $0xffff  }
0x219: {  	v16 =	vld [tilespmem:s6+$0xFFFFFFE0];
	v10 =	vshra.s32 v9, $0xE  }
0x21a: {  	v2 =	vand.u32 $0x3FFF, v2;
	v7 =	vld.idx.msk [tilespmem:v7+s23+$0x0], $0xffff  }
0x21b: {  	s5 =	simm.s32 $0xC6E0;
	v18 =	vld [tilespmem:s12+$0x0]  }
0x21c: {  	v12 =	vld [tilespmem:s5+$0x10];
	v4 =	vand.u32 $0x3FFF, v4  }
0x21d: {  	v6 =	vld.idx.msk [tilespmem:v6+s23+$0x0], $0xffff;
	v5 =	vmul.f32 v5, v8;
	v8 =	vshra.s32 v14, $0xE  }
0x21e: {  	v19 =	vshra.s32 v16, $0xE;
	v17 =	vld.idx.msk [tilespmem:v10+s23+$0x0], $0xffff  }
0x21f: {  	[tilespmem:v2+s2+$0x0] =	vst.idx.add.f32.msk $0xffff, v5;
	v2 =	vmul.f32 v7, v11  }
0x220: {  	v5 =	vld [tilespmem:s12+$0xFFFFFFF0];
	v7 =	vshra.s32 v13, $0xE  }
0x221: {  	v10 =	vshra.s32 v15, $0xE;
	[tilespmem:v4+s2+$0x0] =	vst.idx.add.f32.msk $0xffff, v2  }
0x222: {  	v11 =	vld.idx.msk [tilespmem:v8+s23+$0x0], $0xffff  }
0x223: {  	v2 =	vand.u32 $0x3FFF, v13;
	v13 =	vld.idx.msk [tilespmem:v19+s23+$0x0], $0xffff  }
0x224: {  	v14 =	vand.u32 $0x3FFF, v14;
	v4 =	vand.u32 $0x3FFF, v3;
	v3 =	vand.u32 $0x3FFF, v15;
	v15 =	vld [tilespmem:s5+$0xFFFFFFE0]  }
0x225: {  	v7 =	vld.idx.msk [tilespmem:v7+s23+$0x0], $0xffff;
	v8 =	vmul.f32 v6, v5  }
0x226: {  	s7 =	simm.s32 $0x9FA0;
	s6 =	simm.s32 $0x4;
	v6 =	vld.idx.msk [tilespmem:v10+s23+$0x0], $0xffff;
	v5 =	vand.u32 $0x3FFF, v9;
	v10 =	vand.u32 $0x3FFF, v16;
	v9 =	vmul.f32 v17, v18  }
.LBB2_20:
0x227: {  	v16 =	vld [tilespmem:s7+$0x10];
	s6 =	sadd.s32 $0x4, s6;
	v11 =	vmul.f32 v11, v12  }
0x228: {  	v12 =	vld [tilespmem:s7+$0xFFFFFFF0];
	p1 =	slt.u32 s6, $0x26C  }
0x229: {  	[tilespmem:v14+s2+$0x0] =	vst.idx.add.f32.msk $0xffff, v11  }
0x22a: {  	v11 =	vld [tilespmem:s7+$0x0]  }
0x22b: {  	v14 =	vld [tilespmem:s7+$0xFFFFFFE0];
	v13 =	vmul.f32 v13, v15  }
0x22c: {  	v15 =	vshra.s32 v16, $0xE;
	v17 =	vld [tilespmem:s5+$0xFFFFFFF0]  }
0x22d: {  	v18 =	vshra.s32 v12, $0xE;
	v12 =	vand.u32 $0x3FFF, v12;
	v19 =	vld [tilespmem:s5+$0x0]  }
0x22e: {  	[tilespmem:v10+s2+$0x0] =	vst.idx.add.f32.msk $0xffff, v13  }
0x22f: {  	v13 =	vshra.s32 v11, $0xE;
	v11 =	vand.u32 $0x3FFF, v11;
	[tilespmem:v4+s2+$0x0] =	vst.idx.add.f32.msk $0xffff, v8;
	v4 =	vmovc v2;
	v2 =	vmov v12  }
0x230: {  	v20 =	vshra.s32 v14, $0xE;
	v10 =	vand.u32 $0x3FFF, v14;
	[tilespmem:v5+s2+$0x0] =	vst.idx.add.f32.msk $0xffff, v9;
	v5 =	vmovc v3;
	v3 =	vmov v11  }
0x231: {  	s5 =	sadd.s32 $0x40, s5;
	v11 =	vld.idx.msk [tilespmem:v15+s23+$0x0], $0xffff;
	v8 =	vmul.f32 v7, v17  }
.Ltmp9:
0x232: {  	v12 =	vld [tilespmem:s5+$0x10];
	v9 =	vmul.f32 v6, v19;
	(pc) =	sbr.rel @p1 .LBB2_20-.Ltmp9, $4  }
0x233: {  	v7 =	vld.idx.msk [tilespmem:v18+s23+$0x0], $0xffff  }
0x234: {  	v14 =	vand.u32 $0x3FFF, v16;
	v6 =	vld.idx.msk [tilespmem:v13+s23+$0x0], $0xffff  }
0x235: {  	v13 =	vld.idx.msk [tilespmem:v20+s23+$0x0], $0xffff  }
0x236: {  	s7 =	sadd.s32 $0x40, s7;
	v15 =	vld [tilespmem:s5+$0xFFFFFFE0]  }
0x237: {  	_ = 	snop  }
0x238: {  	v16 =	vld [tilespmem:s5+$0xFFFFFFF0]  }
0x239: {  	v11 =	vmul.f32 v11, v12;
	v12 =	vld [tilespmem:s5+$0x0];
	_ =	sdelay $0x1  }
0x23a: {  	[tilespmem:v4+s2+$0x0] =	vst.idx.add.f32.msk $0xffff, v8  }
0x23b: {  	[tilespmem:v5+s2+$0x0] =	vst.idx.add.f32.msk $0xffff, v9;
	v13 =	vmul.f32 v13, v15  }
0x23c: {  	[tilespmem:v14+s2+$0x0] =	vst.idx.add.f32.msk $0xffff, v11;
	v4 =	vmul.f32 v7, v16  }
0x23d: {  	v5 =	vmul.f32 v6, v12;
	[tilespmem:v10+s2+$0x0] =	vst.idx.add.f32.msk $0xffff, v13  }
0x23e: {  	[tilespmem:v2+s2+$0x0] =	vst.idx.add.f32.msk $0xffff, v4  }
0x23f: {  	[tilespmem:v3+s2+$0x0] =	vst.idx.add.f32.msk $0xffff, v5  }
0x240: {  	v2 =	vld [tilespmem:$0xC600];
	_ =	sdelay $0x4  }
0x241: {  	v3 =	vshra.s32 v2, $0xE;
	_ =	sdelay $0x3  }
0x242: {  	v4 =	vld [tilespmem:$0xED80]  }
0x243: {  	v3 =	vld.idx.msk [tilespmem:v3+s23+$0x0], $0xffff;
	_ =	sdelay $0x1  }
0x244: {  	v2 =	vand.u32 $0x3FFF, v2;
	_ =	sdelay $0x2  }
0x245: {  	v3 =	vmul.f32 v3, v4;
	_ =	sdelay $0x1  }
0x246: {  	s9 =	rddreg [dreg:$0xf];
	[tilespmem:v2+s2+$0x0] =	vst.idx.add.f32.msk $0xffff, v3  }
0x247: {  	[tilespmem:s18], [sflag:$0x1] =	stream.linear.gather [hbm4b:s9+s23], $0x2710, $0x38;
	[tilespmem:$0x18C10] =	vst v63  }
0x248: {  	s10 =	rddreg [dreg:$0x18]  }
0x249: {  	[tilespmem:s19], [sflag:$0x2] =	stream.linear.gather [spmem:s10], $0x2710, $0x38;
	[tilespmem:$0x18C10] =	vst v63  }
0x24a: {  	_ =	swait.ge [sflag:s29], $0x2710  }
0x24b: {  	[sflag:s29] =	ssyncset.done $0x0  }
0x24c: {  	[sflag:s29] =	ssyncadd.s32 $0xFFFFD8F0  }
0x24d: {  	_ =	swait.ge [sflag:s0], $0x2710  }
0x24e: {  	[sflag:s0] =	ssyncset.done $0x0  }
0x24f: {  	s11 =	simm.s32 $0xEE20;
	[sflag:s0] =	ssyncadd.s32 $0xFFFFD8F0  }
0x250: {  	v2 =	vld [tilespmem:s11+$0x10];
	_ =	sdelay $0x1  }
0x251: {  	v4 =	vld [tilespmem:s11+$0xFFFFFFE0]  }
0x252: {  	v3 =	vld [tilespmem:s11+$0xFFFFFFF0]  }
0x253: {  	s12 =	simm.s32 $0x115A0;
	v9 =	vld [tilespmem:s11+$0x0]  }
0x254: {  	s6 =	simm.s32 $0xEE60;
	v8 =	vld [tilespmem:s12+$0x10];
	v5 =	vshra.s32 v2, $0xE  }
0x255: {  	v14 =	vld [tilespmem:s6+$0x10]  }
0x256: {  	v11 =	vld [tilespmem:s12+$0xFFFFFFE0];
	v7 =	vshra.s32 v4, $0xE  }
0x257: {  	v13 =	vld [tilespmem:s6+$0xFFFFFFF0]  }
0x258: {  	v15 =	vld [tilespmem:s6+$0x0]  }
0x259: {  	v6 =	vshra.s32 v3, $0xE;
	v5 =	vld.idx.msk [tilespmem:v5+s23+$0x0], $0xffff  }
0x25a: {  	v16 =	vld [tilespmem:s6+$0xFFFFFFE0];
	v10 =	vshra.s32 v9, $0xE  }
0x25b: {  	v2 =	vand.u32 $0x3FFF, v2;
	v7 =	vld.idx.msk [tilespmem:v7+s23+$0x0], $0xffff  }
0x25c: {  	s5 =	simm.s32 $0x115E0;
	v18 =	vld [tilespmem:s12+$0x0]  }
0x25d: {  	v12 =	vld [tilespmem:s5+$0x10];
	v4 =	vand.u32 $0x3FFF, v4  }
0x25e: {  	v6 =	vld.idx.msk [tilespmem:v6+s23+$0x0], $0xffff;
	v5 =	vmul.f32 v5, v8;
	v8 =	vshra.s32 v14, $0xE  }
0x25f: {  	v19 =	vshra.s32 v16, $0xE;
	v17 =	vld.idx.msk [tilespmem:v10+s23+$0x0], $0xffff  }
0x260: {  	[tilespmem:v2+s2+$0x0] =	vst.idx.add.f32.msk $0xffff, v5;
	v2 =	vmul.f32 v7, v11  }
0x261: {  	v5 =	vld [tilespmem:s12+$0xFFFFFFF0];
	v7 =	vshra.s32 v13, $0xE  }
0x262: {  	v10 =	vshra.s32 v15, $0xE;
	[tilespmem:v4+s2+$0x0] =	vst.idx.add.f32.msk $0xffff, v2  }
0x263: {  	v11 =	vld.idx.msk [tilespmem:v8+s23+$0x0], $0xffff  }
0x264: {  	v2 =	vand.u32 $0x3FFF, v13;
	v13 =	vld.idx.msk [tilespmem:v19+s23+$0x0], $0xffff  }
0x265: {  	v14 =	vand.u32 $0x3FFF, v14;
	v4 =	vand.u32 $0x3FFF, v3;
	v3 =	vand.u32 $0x3FFF, v15;
	v15 =	vld [tilespmem:s5+$0xFFFFFFE0]  }
0x266: {  	v7 =	vld.idx.msk [tilespmem:v7+s23+$0x0], $0xffff;
	v8 =	vmul.f32 v6, v5  }
0x267: {  	s7 =	simm.s32 $0xEEA0;
	s6 =	simm.s32 $0x4;
	v6 =	vld.idx.msk [tilespmem:v10+s23+$0x0], $0xffff;
	v5 =	vand.u32 $0x3FFF, v9;
	v10 =	vand.u32 $0x3FFF, v16;
	v9 =	vmul.f32 v17, v18  }
.LBB2_22:
0x268: {  	v16 =	vld [tilespmem:s7+$0x10];
	s6 =	sadd.s32 $0x4, s6;
	v11 =	vmul.f32 v11, v12  }
0x269: {  	v12 =	vld [tilespmem:s7+$0xFFFFFFF0];
	p1 =	slt.u32 s6, $0x26C  }
0x26a: {  	[tilespmem:v14+s2+$0x0] =	vst.idx.add.f32.msk $0xffff, v11  }
0x26b: {  	v11 =	vld [tilespmem:s7+$0x0]  }
0x26c: {  	v14 =	vld [tilespmem:s7+$0xFFFFFFE0];
	v13 =	vmul.f32 v13, v15  }
0x26d: {  	v15 =	vshra.s32 v16, $0xE;
	v17 =	vld [tilespmem:s5+$0xFFFFFFF0]  }
0x26e: {  	v18 =	vshra.s32 v12, $0xE;
	v12 =	vand.u32 $0x3FFF, v12;
	v19 =	vld [tilespmem:s5+$0x0]  }
0x26f: {  	[tilespmem:v10+s2+$0x0] =	vst.idx.add.f32.msk $0xffff, v13  }
0x270: {  	v13 =	vshra.s32 v11, $0xE;
	v11 =	vand.u32 $0x3FFF, v11;
	[tilespmem:v4+s2+$0x0] =	vst.idx.add.f32.msk $0xffff, v8;
	v4 =	vmovc v2;
	v2 =	vmov v12  }
0x271: {  	v20 =	vshra.s32 v14, $0xE;
	v10 =	vand.u32 $0x3FFF, v14;
	[tilespmem:v5+s2+$0x0] =	vst.idx.add.f32.msk $0xffff, v9;
	v5 =	vmovc v3;
	v3 =	vmov v11  }
0x272: {  	s5 =	sadd.s32 $0x40, s5;
	v11 =	vld.idx.msk [tilespmem:v15+s23+$0x0], $0xffff;
	v8 =	vmul.f32 v7, v17  }
.Ltmp10:
0x273: {  	v12 =	vld [tilespmem:s5+$0x10];
	v9 =	vmul.f32 v6, v19;
	(pc) =	sbr.rel @p1 .LBB2_22-.Ltmp10, $4  }
0x274: {  	v7 =	vld.idx.msk [tilespmem:v18+s23+$0x0], $0xffff  }
0x275: {  	v14 =	vand.u32 $0x3FFF, v16;
	v6 =	vld.idx.msk [tilespmem:v13+s23+$0x0], $0xffff  }
0x276: {  	v13 =	vld.idx.msk [tilespmem:v20+s23+$0x0], $0xffff  }
0x277: {  	s7 =	sadd.s32 $0x40, s7;
	v15 =	vld [tilespmem:s5+$0xFFFFFFE0]  }
0x278: {  	_ = 	snop  }
0x279: {  	v16 =	vld [tilespmem:s5+$0xFFFFFFF0]  }
0x27a: {  	v11 =	vmul.f32 v11, v12;
	v12 =	vld [tilespmem:s5+$0x0];
	_ =	sdelay $0x1  }
0x27b: {  	[tilespmem:v4+s2+$0x0] =	vst.idx.add.f32.msk $0xffff, v8  }
0x27c: {  	[tilespmem:v5+s2+$0x0] =	vst.idx.add.f32.msk $0xffff, v9;
	v13 =	vmul.f32 v13, v15  }
0x27d: {  	[tilespmem:v14+s2+$0x0] =	vst.idx.add.f32.msk $0xffff, v11;
	v4 =	vmul.f32 v7, v16  }
0x27e: {  	v5 =	vmul.f32 v6, v12;
	[tilespmem:v10+s2+$0x0] =	vst.idx.add.f32.msk $0xffff, v13  }
0x27f: {  	[tilespmem:v2+s2+$0x0] =	vst.idx.add.f32.msk $0xffff, v4  }
0x280: {  	[tilespmem:v3+s2+$0x0] =	vst.idx.add.f32.msk $0xffff, v5  }
0x281: {  	v2 =	vld [tilespmem:$0x11500];
	_ =	sdelay $0x4  }
0x282: {  	v3 =	vshra.s32 v2, $0xE;
	_ =	sdelay $0x3  }
0x283: {  	v4 =	vld [tilespmem:$0x13C80]  }
0x284: {  	v3 =	vld.idx.msk [tilespmem:v3+s23+$0x0], $0xffff;
	_ =	sdelay $0x1  }
0x285: {  	v2 =	vand.u32 $0x3FFF, v2;
	_ =	sdelay $0x2  }
0x286: {  	v3 =	vmul.f32 v3, v4;
	_ =	sdelay $0x1  }
0x287: {  	s9 =	rddreg [dreg:$0x10];
	[tilespmem:v2+s2+$0x0] =	vst.idx.add.f32.msk $0xffff, v3  }
0x288: {  	[tilespmem:s20], [sflag:$0x3] =	stream.linear.gather [hbm4b:s9+s23], $0x2710, $0x38;
	[tilespmem:$0x18C10] =	vst v63  }
0x289: {  	s10 =	rddreg [dreg:$0x19]  }
0x28a: {  	[tilespmem:s21], [sflag:$0x4] =	stream.linear.gather [spmem:s10], $0x2710, $0x38;
	[tilespmem:$0x18C10] =	vst v63  }
0x28b: {  	_ =	swait.ge [sflag:s22], $0x2710  }
0x28c: {  	[sflag:s22] =	ssyncset.done $0x0  }
0x28d: {  	[sflag:s22] =	ssyncadd.s32 $0xFFFFD8F0  }
0x28e: {  	_ =	swait.ge [sflag:s24], $0x2710  }
0x28f: {  	[sflag:s24] =	ssyncset.done $0x0  }
0x290: {  	s11 =	simm.s32 $0x9F20;
	[sflag:s24] =	ssyncadd.s32 $0xFFFFD8F0  }
0x291: {  	v2 =	vld [tilespmem:s11+$0x10];
	_ =	sdelay $0x1  }
0x292: {  	v4 =	vld [tilespmem:s11+$0xFFFFFFE0]  }
0x293: {  	v3 =	vld [tilespmem:s11+$0xFFFFFFF0]  }
0x294: {  	s12 =	simm.s32 $0xC6A0;
	v9 =	vld [tilespmem:s11+$0x0]  }
0x295: {  	s6 =	simm.s32 $0x9F60;
	v8 =	vld [tilespmem:s12+$0x10];
	v5 =	vshra.s32 v2, $0xE  }
0x296: {  	v14 =	vld [tilespmem:s6+$0x10]  }
0x297: {  	v11 =	vld [tilespmem:s12+$0xFFFFFFE0];
	v7 =	vshra.s32 v4, $0xE  }
0x298: {  	v13 =	vld [tilespmem:s6+$0xFFFFFFF0]  }
0x299: {  	v15 =	vld [tilespmem:s6+$0x0]  }
0x29a: {  	v6 =	vshra.s32 v3, $0xE;
	v5 =	vld.idx.msk [tilespmem:v5+s23+$0x0], $0xffff  }
0x29b: {  	v16 =	vld [tilespmem:s6+$0xFFFFFFE0];
	v10 =	vshra.s32 v9, $0xE  }
0x29c: {  	v2 =	vand.u32 $0x3FFF, v2;
	v7 =	vld.idx.msk [tilespmem:v7+s23+$0x0], $0xffff  }
0x29d: {  	s5 =	simm.s32 $0xC6E0;
	v18 =	vld [tilespmem:s12+$0x0]  }
0x29e: {  	v12 =	vld [tilespmem:s5+$0x10];
	v4 =	vand.u32 $0x3FFF, v4  }
0x29f: {  	v6 =	vld.idx.msk [tilespmem:v6+s23+$0x0], $0xffff;
	v5 =	vmul.f32 v5, v8;
	v8 =	vshra.s32 v14, $0xE  }
0x2a0: {  	v19 =	vshra.s32 v16, $0xE;
	v17 =	vld.idx.msk [tilespmem:v10+s23+$0x0], $0xffff  }
0x2a1: {  	[tilespmem:v2+s2+$0x0] =	vst.idx.add.f32.msk $0xffff, v5;
	v2 =	vmul.f32 v7, v11  }
0x2a2: {  	v5 =	vld [tilespmem:s12+$0xFFFFFFF0];
	v7 =	vshra.s32 v13, $0xE  }
0x2a3: {  	v10 =	vshra.s32 v15, $0xE;
	[tilespmem:v4+s2+$0x0] =	vst.idx.add.f32.msk $0xffff, v2  }
0x2a4: {  	v11 =	vld.idx.msk [tilespmem:v8+s23+$0x0], $0xffff  }
0x2a5: {  	v2 =	vand.u32 $0x3FFF, v13;
	v13 =	vld.idx.msk [tilespmem:v19+s23+$0x0], $0xffff  }
0x2a6: {  	v14 =	vand.u32 $0x3FFF, v14;
	v4 =	vand.u32 $0x3FFF, v3;
	v3 =	vand.u32 $0x3FFF, v15;
	v15 =	vld [tilespmem:s5+$0xFFFFFFE0]  }
0x2a7: {  	v7 =	vld.idx.msk [tilespmem:v7+s23+$0x0], $0xffff;
	v8 =	vmul.f32 v6, v5  }
0x2a8: {  	s7 =	simm.s32 $0x9FA0;
	s6 =	simm.s32 $0x4;
	v6 =	vld.idx.msk [tilespmem:v10+s23+$0x0], $0xffff;
	v5 =	vand.u32 $0x3FFF, v9;
	v10 =	vand.u32 $0x3FFF, v16;
	v9 =	vmul.f32 v17, v18  }
.LBB2_24:
0x2a9: {  	v16 =	vld [tilespmem:s7+$0x10];
	s6 =	sadd.s32 $0x4, s6;
	v11 =	vmul.f32 v11, v12  }
0x2aa: {  	v12 =	vld [tilespmem:s7+$0xFFFFFFF0];
	p1 =	slt.u32 s6, $0x26C  }
0x2ab: {  	[tilespmem:v14+s2+$0x0] =	vst.idx.add.f32.msk $0xffff, v11  }
0x2ac: {  	v11 =	vld [tilespmem:s7+$0x0]  }
0x2ad: {  	v14 =	vld [tilespmem:s7+$0xFFFFFFE0];
	v13 =	vmul.f32 v13, v15  }
0x2ae: {  	v15 =	vshra.s32 v16, $0xE;
	v17 =	vld [tilespmem:s5+$0xFFFFFFF0]  }
0x2af: {  	v18 =	vshra.s32 v12, $0xE;
	v12 =	vand.u32 $0x3FFF, v12;
	v19 =	vld [tilespmem:s5+$0x0]  }
0x2b0: {  	[tilespmem:v10+s2+$0x0] =	vst.idx.add.f32.msk $0xffff, v13  }
0x2b1: {  	v13 =	vshra.s32 v11, $0xE;
	v11 =	vand.u32 $0x3FFF, v11;
	[tilespmem:v4+s2+$0x0] =	vst.idx.add.f32.msk $0xffff, v8;
	v4 =	vmovc v2;
	v2 =	vmov v12  }
0x2b2: {  	v20 =	vshra.s32 v14, $0xE;
	v10 =	vand.u32 $0x3FFF, v14;
	[tilespmem:v5+s2+$0x0] =	vst.idx.add.f32.msk $0xffff, v9;
	v5 =	vmovc v3;
	v3 =	vmov v11  }
0x2b3: {  	s5 =	sadd.s32 $0x40, s5;
	v11 =	vld.idx.msk [tilespmem:v15+s23+$0x0], $0xffff;
	v8 =	vmul.f32 v7, v17  }
.Ltmp11:
0x2b4: {  	v12 =	vld [tilespmem:s5+$0x10];
	v9 =	vmul.f32 v6, v19;
	(pc) =	sbr.rel @p1 .LBB2_24-.Ltmp11, $4  }
0x2b5: {  	v7 =	vld.idx.msk [tilespmem:v18+s23+$0x0], $0xffff  }
0x2b6: {  	v14 =	vand.u32 $0x3FFF, v16;
	v6 =	vld.idx.msk [tilespmem:v13+s23+$0x0], $0xffff  }
0x2b7: {  	v13 =	vld.idx.msk [tilespmem:v20+s23+$0x0], $0xffff  }
0x2b8: {  	s7 =	sadd.s32 $0x40, s7;
	v15 =	vld [tilespmem:s5+$0xFFFFFFE0]  }
0x2b9: {  	_ = 	snop  }
0x2ba: {  	v16 =	vld [tilespmem:s5+$0xFFFFFFF0]  }
0x2bb: {  	v11 =	vmul.f32 v11, v12;
	v12 =	vld [tilespmem:s5+$0x0];
	_ =	sdelay $0x1  }
0x2bc: {  	[tilespmem:v4+s2+$0x0] =	vst.idx.add.f32.msk $0xffff, v8  }
0x2bd: {  	[tilespmem:v5+s2+$0x0] =	vst.idx.add.f32.msk $0xffff, v9;
	v13 =	vmul.f32 v13, v15  }
0x2be: {  	[tilespmem:v14+s2+$0x0] =	vst.idx.add.f32.msk $0xffff, v11;
	v4 =	vmul.f32 v7, v16  }
0x2bf: {  	v5 =	vmul.f32 v6, v12;
	[tilespmem:v10+s2+$0x0] =	vst.idx.add.f32.msk $0xffff, v13  }
0x2c0: {  	[tilespmem:v2+s2+$0x0] =	vst.idx.add.f32.msk $0xffff, v4  }
0x2c1: {  	[tilespmem:v3+s2+$0x0] =	vst.idx.add.f32.msk $0xffff, v5  }
0x2c2: {  	v2 =	vld [tilespmem:$0xC600];
	_ =	sdelay $0x4  }
0x2c3: {  	v3 =	vshra.s32 v2, $0xE;
	_ =	sdelay $0x3  }
0x2c4: {  	v4 =	vld [tilespmem:$0xED80]  }
0x2c5: {  	v3 =	vld.idx.msk [tilespmem:v3+s23+$0x0], $0xffff;
	_ =	sdelay $0x1  }
0x2c6: {  	v2 =	vand.u32 $0x3FFF, v2;
	_ =	sdelay $0x2  }
0x2c7: {  	v3 =	vmul.f32 v3, v4;
	_ =	sdelay $0x1  }
0x2c8: {  	s9 =	rddreg [dreg:$0x11];
	[tilespmem:v2+s2+$0x0] =	vst.idx.add.f32.msk $0xffff, v3  }
0x2c9: {  	[tilespmem:s18], [sflag:$0x1] =	stream.linear.gather [hbm4b:s9+s23], $0x2710, $0x38;
	[tilespmem:$0x18C10] =	vst v63  }
0x2ca: {  	s10 =	rddreg [dreg:$0x1a]  }
0x2cb: {  	[tilespmem:s19], [sflag:$0x2] =	stream.linear.gather [spmem:s10], $0x2710, $0x38;
	[tilespmem:$0x18C10] =	vst v63  }
0x2cc: {  	_ =	swait.ge [sflag:s29], $0x2710  }
0x2cd: {  	[sflag:s29] =	ssyncset.done $0x0  }
0x2ce: {  	[sflag:s29] =	ssyncadd.s32 $0xFFFFD8F0  }
0x2cf: {  	_ =	swait.ge [sflag:s0], $0x2710  }
0x2d0: {  	[sflag:s0] =	ssyncset.done $0x0  }
0x2d1: {  	s11 =	simm.s32 $0xEE20;
	[sflag:s0] =	ssyncadd.s32 $0xFFFFD8F0  }
0x2d2: {  	v2 =	vld [tilespmem:s11+$0x10];
	_ =	sdelay $0x1  }
0x2d3: {  	v4 =	vld [tilespmem:s11+$0xFFFFFFE0]  }
0x2d4: {  	v3 =	vld [tilespmem:s11+$0xFFFFFFF0]  }
0x2d5: {  	s12 =	simm.s32 $0x115A0;
	v9 =	vld [tilespmem:s11+$0x0]  }
0x2d6: {  	s6 =	simm.s32 $0xEE60;
	v8 =	vld [tilespmem:s12+$0x10];
	v5 =	vshra.s32 v2, $0xE  }
0x2d7: {  	v14 =	vld [tilespmem:s6+$0x10]  }
0x2d8: {  	v11 =	vld [tilespmem:s12+$0xFFFFFFE0];
	v7 =	vshra.s32 v4, $0xE  }
0x2d9: {  	v13 =	vld [tilespmem:s6+$0xFFFFFFF0]  }
0x2da: {  	v15 =	vld [tilespmem:s6+$0x0]  }
0x2db: {  	v6 =	vshra.s32 v3, $0xE;
	v5 =	vld.idx.msk [tilespmem:v5+s23+$0x0], $0xffff  }
0x2dc: {  	v16 =	vld [tilespmem:s6+$0xFFFFFFE0];
	v10 =	vshra.s32 v9, $0xE  }
0x2dd: {  	v2 =	vand.u32 $0x3FFF, v2;
	v7 =	vld.idx.msk [tilespmem:v7+s23+$0x0], $0xffff  }
0x2de: {  	s5 =	simm.s32 $0x115E0;
	v18 =	vld [tilespmem:s12+$0x0]  }
0x2df: {  	v12 =	vld [tilespmem:s5+$0x10];
	v4 =	vand.u32 $0x3FFF, v4  }
0x2e0: {  	v6 =	vld.idx.msk [tilespmem:v6+s23+$0x0], $0xffff;
	v5 =	vmul.f32 v5, v8;
	v8 =	vshra.s32 v14, $0xE  }
0x2e1: {  	v19 =	vshra.s32 v16, $0xE;
	v17 =	vld.idx.msk [tilespmem:v10+s23+$0x0], $0xffff  }
0x2e2: {  	[tilespmem:v2+s2+$0x0] =	vst.idx.add.f32.msk $0xffff, v5;
	v2 =	vmul.f32 v7, v11  }
0x2e3: {  	v5 =	vld [tilespmem:s12+$0xFFFFFFF0];
	v7 =	vshra.s32 v13, $0xE  }
0x2e4: {  	v10 =	vshra.s32 v15, $0xE;
	[tilespmem:v4+s2+$0x0] =	vst.idx.add.f32.msk $0xffff, v2  }
0x2e5: {  	v11 =	vld.idx.msk [tilespmem:v8+s23+$0x0], $0xffff  }
0x2e6: {  	v2 =	vand.u32 $0x3FFF, v13;
	v13 =	vld.idx.msk [tilespmem:v19+s23+$0x0], $0xffff  }
0x2e7: {  	v14 =	vand.u32 $0x3FFF, v14;
	v4 =	vand.u32 $0x3FFF, v3;
	v3 =	vand.u32 $0x3FFF, v15;
	v15 =	vld [tilespmem:s5+$0xFFFFFFE0]  }
0x2e8: {  	v7 =	vld.idx.msk [tilespmem:v7+s23+$0x0], $0xffff;
	v8 =	vmul.f32 v6, v5  }
0x2e9: {  	s7 =	simm.s32 $0xEEA0;
	s6 =	simm.s32 $0x4;
	v6 =	vld.idx.msk [tilespmem:v10+s23+$0x0], $0xffff;
	v5 =	vand.u32 $0x3FFF, v9;
	v10 =	vand.u32 $0x3FFF, v16;
	v9 =	vmul.f32 v17, v18  }
.LBB2_26:
0x2ea: {  	v16 =	vld [tilespmem:s7+$0x10];
	s6 =	sadd.s32 $0x4, s6;
	v11 =	vmul.f32 v11, v12  }
0x2eb: {  	v12 =	vld [tilespmem:s7+$0xFFFFFFF0];
	p1 =	slt.u32 s6, $0x26C  }
0x2ec: {  	[tilespmem:v14+s2+$0x0] =	vst.idx.add.f32.msk $0xffff, v11  }
0x2ed: {  	v11 =	vld [tilespmem:s7+$0x0]  }
0x2ee: {  	v14 =	vld [tilespmem:s7+$0xFFFFFFE0];
	v13 =	vmul.f32 v13, v15  }
0x2ef: {  	v15 =	vshra.s32 v16, $0xE;
	v17 =	vld [tilespmem:s5+$0xFFFFFFF0]  }
0x2f0: {  	v18 =	vshra.s32 v12, $0xE;
	v12 =	vand.u32 $0x3FFF, v12;
	v19 =	vld [tilespmem:s5+$0x0]  }
0x2f1: {  	[tilespmem:v10+s2+$0x0] =	vst.idx.add.f32.msk $0xffff, v13  }
0x2f2: {  	v13 =	vshra.s32 v11, $0xE;
	v11 =	vand.u32 $0x3FFF, v11;
	[tilespmem:v4+s2+$0x0] =	vst.idx.add.f32.msk $0xffff, v8;
	v4 =	vmovc v2;
	v2 =	vmov v12  }
0x2f3: {  	v20 =	vshra.s32 v14, $0xE;
	v10 =	vand.u32 $0x3FFF, v14;
	[tilespmem:v5+s2+$0x0] =	vst.idx.add.f32.msk $0xffff, v9;
	v5 =	vmovc v3;
	v3 =	vmov v11  }
0x2f4: {  	s5 =	sadd.s32 $0x40, s5;
	v11 =	vld.idx.msk [tilespmem:v15+s23+$0x0], $0xffff;
	v8 =	vmul.f32 v7, v17  }
.Ltmp12:
0x2f5: {  	v12 =	vld [tilespmem:s5+$0x10];
	v9 =	vmul.f32 v6, v19;
	(pc) =	sbr.rel @p1 .LBB2_26-.Ltmp12, $4  }
0x2f6: {  	v7 =	vld.idx.msk [tilespmem:v18+s23+$0x0], $0xffff  }
0x2f7: {  	v14 =	vand.u32 $0x3FFF, v16;
	v6 =	vld.idx.msk [tilespmem:v13+s23+$0x0], $0xffff  }
0x2f8: {  	v13 =	vld.idx.msk [tilespmem:v20+s23+$0x0], $0xffff  }
0x2f9: {  	s7 =	sadd.s32 $0x40, s7;
	v15 =	vld [tilespmem:s5+$0xFFFFFFE0]  }
0x2fa: {  	_ = 	snop  }
0x2fb: {  	v16 =	vld [tilespmem:s5+$0xFFFFFFF0]  }
0x2fc: {  	v11 =	vmul.f32 v11, v12;
	v12 =	vld [tilespmem:s5+$0x0];
	_ =	sdelay $0x1  }
0x2fd: {  	[tilespmem:v4+s2+$0x0] =	vst.idx.add.f32.msk $0xffff, v8  }
0x2fe: {  	[tilespmem:v5+s2+$0x0] =	vst.idx.add.f32.msk $0xffff, v9;
	v13 =	vmul.f32 v13, v15  }
0x2ff: {  	[tilespmem:v14+s2+$0x0] =	vst.idx.add.f32.msk $0xffff, v11;
	v4 =	vmul.f32 v7, v16  }
0x300: {  	v5 =	vmul.f32 v6, v12;
	[tilespmem:v10+s2+$0x0] =	vst.idx.add.f32.msk $0xffff, v13  }
0x301: {  	[tilespmem:v2+s2+$0x0] =	vst.idx.add.f32.msk $0xffff, v4  }
0x302: {  	[tilespmem:v3+s2+$0x0] =	vst.idx.add.f32.msk $0xffff, v5  }
0x303: {  	v2 =	vld [tilespmem:$0x11500];
	_ =	sdelay $0x4  }
0x304: {  	v3 =	vshra.s32 v2, $0xE;
	_ =	sdelay $0x3  }
0x305: {  	v4 =	vld [tilespmem:$0x13C80]  }
0x306: {  	v3 =	vld.idx.msk [tilespmem:v3+s23+$0x0], $0xffff;
	_ =	sdelay $0x1  }
0x307: {  	v2 =	vand.u32 $0x3FFF, v2;
	_ =	sdelay $0x2  }
0x308: {  	v3 =	vmul.f32 v3, v4;
	_ =	sdelay $0x1  }
0x309: {  	s9 =	rddreg [dreg:$0x12];
	[tilespmem:v2+s2+$0x0] =	vst.idx.add.f32.msk $0xffff, v3  }
0x30a: {  	[tilespmem:s20], [sflag:$0x3] =	stream.linear.gather [hbm4b:s9+s23], $0x2710, $0x38;
	[tilespmem:$0x18C10] =	vst v63  }
0x30b: {  	s10 =	rddreg [dreg:$0x1b]  }
0x30c: {  	[tilespmem:s21], [sflag:$0x4] =	stream.linear.gather [spmem:s10], $0x2710, $0x38;
	[tilespmem:$0x18C10] =	vst v63  }
0x30d: {  	_ =	swait.ge [sflag:s22], $0x2710  }
0x30e: {  	[sflag:s22] =	ssyncset.done $0x0  }
0x30f: {  	[sflag:s22] =	ssyncadd.s32 $0xFFFFD8F0  }
0x310: {  	_ =	swait.ge [sflag:s24], $0x2710  }
0x311: {  	[sflag:s24] =	ssyncset.done $0x0  }
0x312: {  	s11 =	simm.s32 $0x9F20;
	[sflag:s24] =	ssyncadd.s32 $0xFFFFD8F0  }
0x313: {  	v2 =	vld [tilespmem:s11+$0x10];
	_ =	sdelay $0x1  }
0x314: {  	v4 =	vld [tilespmem:s11+$0xFFFFFFE0]  }
0x315: {  	v3 =	vld [tilespmem:s11+$0xFFFFFFF0]  }
0x316: {  	s12 =	simm.s32 $0xC6A0;
	v9 =	vld [tilespmem:s11+$0x0]  }
0x317: {  	s6 =	simm.s32 $0x9F60;
	v8 =	vld [tilespmem:s12+$0x10];
	v5 =	vshra.s32 v2, $0xE  }
0x318: {  	v14 =	vld [tilespmem:s6+$0x10]  }
0x319: {  	v11 =	vld [tilespmem:s12+$0xFFFFFFE0];
	v7 =	vshra.s32 v4, $0xE  }
0x31a: {  	v13 =	vld [tilespmem:s6+$0xFFFFFFF0]  }
0x31b: {  	v15 =	vld [tilespmem:s6+$0x0]  }
0x31c: {  	v6 =	vshra.s32 v3, $0xE;
	v5 =	vld.idx.msk [tilespmem:v5+s23+$0x0], $0xffff  }
0x31d: {  	v16 =	vld [tilespmem:s6+$0xFFFFFFE0];
	v10 =	vshra.s32 v9, $0xE  }
0x31e: {  	v2 =	vand.u32 $0x3FFF, v2;
	v7 =	vld.idx.msk [tilespmem:v7+s23+$0x0], $0xffff  }
0x31f: {  	s5 =	simm.s32 $0xC6E0;
	v18 =	vld [tilespmem:s12+$0x0]  }
0x320: {  	v12 =	vld [tilespmem:s5+$0x10];
	v4 =	vand.u32 $0x3FFF, v4  }
0x321: {  	v6 =	vld.idx.msk [tilespmem:v6+s23+$0x0], $0xffff;
	v5 =	vmul.f32 v5, v8;
	v8 =	vshra.s32 v14, $0xE  }
0x322: {  	v19 =	vshra.s32 v16, $0xE;
	v17 =	vld.idx.msk [tilespmem:v10+s23+$0x0], $0xffff  }
0x323: {  	[tilespmem:v2+s2+$0x0] =	vst.idx.add.f32.msk $0xffff, v5;
	v2 =	vmul.f32 v7, v11  }
0x324: {  	v5 =	vld [tilespmem:s12+$0xFFFFFFF0];
	v7 =	vshra.s32 v13, $0xE  }
0x325: {  	v10 =	vshra.s32 v15, $0xE;
	[tilespmem:v4+s2+$0x0] =	vst.idx.add.f32.msk $0xffff, v2  }
0x326: {  	v11 =	vld.idx.msk [tilespmem:v8+s23+$0x0], $0xffff  }
0x327: {  	v2 =	vand.u32 $0x3FFF, v13;
	v13 =	vld.idx.msk [tilespmem:v19+s23+$0x0], $0xffff  }
0x328: {  	v14 =	vand.u32 $0x3FFF, v14;
	v4 =	vand.u32 $0x3FFF, v3;
	v3 =	vand.u32 $0x3FFF, v15;
	v15 =	vld [tilespmem:s5+$0xFFFFFFE0]  }
0x329: {  	v7 =	vld.idx.msk [tilespmem:v7+s23+$0x0], $0xffff;
	v8 =	vmul.f32 v6, v5  }
0x32a: {  	s7 =	simm.s32 $0x9FA0;
	s6 =	simm.s32 $0x4;
	v6 =	vld.idx.msk [tilespmem:v10+s23+$0x0], $0xffff;
	v5 =	vand.u32 $0x3FFF, v9;
	v10 =	vand.u32 $0x3FFF, v16;
	v9 =	vmul.f32 v17, v18  }
.LBB2_28:
0x32b: {  	v16 =	vld [tilespmem:s7+$0x10];
	s6 =	sadd.s32 $0x4, s6;
	v11 =	vmul.f32 v11, v12  }
0x32c: {  	v12 =	vld [tilespmem:s7+$0xFFFFFFF0];
	p1 =	slt.u32 s6, $0x26C  }
0x32d: {  	[tilespmem:v14+s2+$0x0] =	vst.idx.add.f32.msk $0xffff, v11  }
0x32e: {  	v11 =	vld [tilespmem:s7+$0x0]  }
0x32f: {  	v14 =	vld [tilespmem:s7+$0xFFFFFFE0];
	v13 =	vmul.f32 v13, v15  }
0x330: {  	v15 =	vshra.s32 v16, $0xE;
	v17 =	vld [tilespmem:s5+$0xFFFFFFF0]  }
0x331: {  	v18 =	vshra.s32 v12, $0xE;
	v12 =	vand.u32 $0x3FFF, v12;
	v19 =	vld [tilespmem:s5+$0x0]  }
0x332: {  	[tilespmem:v10+s2+$0x0] =	vst.idx.add.f32.msk $0xffff, v13  }
0x333: {  	v13 =	vshra.s32 v11, $0xE;
	v11 =	vand.u32 $0x3FFF, v11;
	[tilespmem:v4+s2+$0x0] =	vst.idx.add.f32.msk $0xffff, v8;
	v4 =	vmovc v2;
	v2 =	vmov v12  }
0x334: {  	v20 =	vshra.s32 v14, $0xE;
	v10 =	vand.u32 $0x3FFF, v14;
	[tilespmem:v5+s2+$0x0] =	vst.idx.add.f32.msk $0xffff, v9;
	v5 =	vmovc v3;
	v3 =	vmov v11  }
0x335: {  	s5 =	sadd.s32 $0x40, s5;
	v11 =	vld.idx.msk [tilespmem:v15+s23+$0x0], $0xffff;
	v8 =	vmul.f32 v7, v17  }
.Ltmp13:
0x336: {  	v12 =	vld [tilespmem:s5+$0x10];
	v9 =	vmul.f32 v6, v19;
	(pc) =	sbr.rel @p1 .LBB2_28-.Ltmp13, $4  }
0x337: {  	v7 =	vld.idx.msk [tilespmem:v18+s23+$0x0], $0xffff  }
0x338: {  	v14 =	vand.u32 $0x3FFF, v16;
	v6 =	vld.idx.msk [tilespmem:v13+s23+$0x0], $0xffff  }
0x339: {  	v13 =	vld.idx.msk [tilespmem:v20+s23+$0x0], $0xffff  }
0x33a: {  	s7 =	sadd.s32 $0x40, s7;
	v15 =	vld [tilespmem:s5+$0xFFFFFFE0]  }
0x33b: {  	_ = 	snop  }
0x33c: {  	v16 =	vld [tilespmem:s5+$0xFFFFFFF0]  }
0x33d: {  	v11 =	vmul.f32 v11, v12;
	v12 =	vld [tilespmem:s5+$0x0];
	_ =	sdelay $0x1  }
0x33e: {  	[tilespmem:v4+s2+$0x0] =	vst.idx.add.f32.msk $0xffff, v8  }
0x33f: {  	[tilespmem:v5+s2+$0x0] =	vst.idx.add.f32.msk $0xffff, v9;
	v13 =	vmul.f32 v13, v15  }
0x340: {  	[tilespmem:v14+s2+$0x0] =	vst.idx.add.f32.msk $0xffff, v11;
	v4 =	vmul.f32 v7, v16  }
0x341: {  	v5 =	vmul.f32 v6, v12;
	[tilespmem:v10+s2+$0x0] =	vst.idx.add.f32.msk $0xffff, v13  }
0x342: {  	[tilespmem:v2+s2+$0x0] =	vst.idx.add.f32.msk $0xffff, v4  }
0x343: {  	[tilespmem:v3+s2+$0x0] =	vst.idx.add.f32.msk $0xffff, v5  }
0x344: {  	v2 =	vld [tilespmem:$0xC600];
	_ =	sdelay $0x4  }
0x345: {  	v3 =	vshra.s32 v2, $0xE;
	_ =	sdelay $0x3  }
0x346: {  	v4 =	vld [tilespmem:$0xED80]  }
0x347: {  	v3 =	vld.idx.msk [tilespmem:v3+s23+$0x0], $0xffff;
	_ =	sdelay $0x1  }
0x348: {  	v2 =	vand.u32 $0x3FFF, v2;
	_ =	sdelay $0x2  }
0x349: {  	v3 =	vmul.f32 v3, v4;
	_ =	sdelay $0x1  }
0x34a: {  	s9 =	rddreg [dreg:$0x13];
	[tilespmem:v2+s2+$0x0] =	vst.idx.add.f32.msk $0xffff, v3  }
0x34b: {  	[tilespmem:s18], [sflag:$0x1] =	stream.linear.gather [hbm4b:s9+s23], $0x2710, $0x38;
	[tilespmem:$0x18C10] =	vst v63  }
0x34c: {  	s10 =	rddreg [dreg:$0x1c]  }
0x34d: {  	[tilespmem:s19], [sflag:$0x2] =	stream.linear.gather [spmem:s10], $0x2710, $0x38;
	[tilespmem:$0x18C10] =	vst v63  }
0x34e: {  	_ =	swait.ge [sflag:s29], $0x2710  }
0x34f: {  	[sflag:s29] =	ssyncset.done $0x0  }
0x350: {  	[sflag:s29] =	ssyncadd.s32 $0xFFFFD8F0  }
0x351: {  	_ =	swait.ge [sflag:s0], $0x2710  }
0x352: {  	[sflag:s0] =	ssyncset.done $0x0  }
0x353: {  	s11 =	simm.s32 $0xEE20;
	[sflag:s0] =	ssyncadd.s32 $0xFFFFD8F0  }
0x354: {  	v2 =	vld [tilespmem:s11+$0x10];
	_ =	sdelay $0x1  }
0x355: {  	v4 =	vld [tilespmem:s11+$0xFFFFFFE0]  }
0x356: {  	v3 =	vld [tilespmem:s11+$0xFFFFFFF0]  }
0x357: {  	s12 =	simm.s32 $0x115A0;
	v9 =	vld [tilespmem:s11+$0x0]  }
0x358: {  	s6 =	simm.s32 $0xEE60;
	v8 =	vld [tilespmem:s12+$0x10];
	v5 =	vshra.s32 v2, $0xE  }
0x359: {  	v14 =	vld [tilespmem:s6+$0x10]  }
0x35a: {  	v11 =	vld [tilespmem:s12+$0xFFFFFFE0];
	v7 =	vshra.s32 v4, $0xE  }
0x35b: {  	v13 =	vld [tilespmem:s6+$0xFFFFFFF0]  }
0x35c: {  	v15 =	vld [tilespmem:s6+$0x0]  }
0x35d: {  	v6 =	vshra.s32 v3, $0xE;
	v5 =	vld.idx.msk [tilespmem:v5+s23+$0x0], $0xffff  }
0x35e: {  	v16 =	vld [tilespmem:s6+$0xFFFFFFE0];
	v10 =	vshra.s32 v9, $0xE  }
0x35f: {  	v2 =	vand.u32 $0x3FFF, v2;
	v7 =	vld.idx.msk [tilespmem:v7+s23+$0x0], $0xffff  }
0x360: {  	s5 =	simm.s32 $0x115E0;
	v18 =	vld [tilespmem:s12+$0x0]  }
0x361: {  	v12 =	vld [tilespmem:s5+$0x10];
	v4 =	vand.u32 $0x3FFF, v4  }
0x362: {  	v6 =	vld.idx.msk [tilespmem:v6+s23+$0x0], $0xffff;
	v5 =	vmul.f32 v5, v8;
	v8 =	vshra.s32 v14, $0xE  }
0x363: {  	v19 =	vshra.s32 v16, $0xE;
	v17 =	vld.idx.msk [tilespmem:v10+s23+$0x0], $0xffff  }
0x364: {  	[tilespmem:v2+s2+$0x0] =	vst.idx.add.f32.msk $0xffff, v5;
	v2 =	vmul.f32 v7, v11  }
0x365: {  	v5 =	vld [tilespmem:s12+$0xFFFFFFF0];
	v7 =	vshra.s32 v13, $0xE  }
0x366: {  	v10 =	vshra.s32 v15, $0xE;
	[tilespmem:v4+s2+$0x0] =	vst.idx.add.f32.msk $0xffff, v2  }
0x367: {  	v11 =	vld.idx.msk [tilespmem:v8+s23+$0x0], $0xffff  }
0x368: {  	v2 =	vand.u32 $0x3FFF, v13;
	v13 =	vld.idx.msk [tilespmem:v19+s23+$0x0], $0xffff  }
0x369: {  	v14 =	vand.u32 $0x3FFF, v14;
	v4 =	vand.u32 $0x3FFF, v3;
	v3 =	vand.u32 $0x3FFF, v15;
	v15 =	vld [tilespmem:s5+$0xFFFFFFE0]  }
0x36a: {  	v7 =	vld.idx.msk [tilespmem:v7+s23+$0x0], $0xffff;
	v8 =	vmul.f32 v6, v5  }
0x36b: {  	s7 =	simm.s32 $0xEEA0;
	s6 =	simm.s32 $0x4;
	v6 =	vld.idx.msk [tilespmem:v10+s23+$0x0], $0xffff;
	v5 =	vand.u32 $0x3FFF, v9;
	v10 =	vand.u32 $0x3FFF, v16;
	v9 =	vmul.f32 v17, v18  }
.LBB2_30:
0x36c: {  	v16 =	vld [tilespmem:s7+$0x10];
	s6 =	sadd.s32 $0x4, s6;
	v11 =	vmul.f32 v11, v12  }
0x36d: {  	v12 =	vld [tilespmem:s7+$0xFFFFFFF0];
	p1 =	slt.u32 s6, $0x26C  }
0x36e: {  	[tilespmem:v14+s2+$0x0] =	vst.idx.add.f32.msk $0xffff, v11  }
0x36f: {  	v11 =	vld [tilespmem:s7+$0x0]  }
0x370: {  	v14 =	vld [tilespmem:s7+$0xFFFFFFE0];
	v13 =	vmul.f32 v13, v15  }
0x371: {  	v15 =	vshra.s32 v16, $0xE;
	v17 =	vld [tilespmem:s5+$0xFFFFFFF0]  }
0x372: {  	v18 =	vshra.s32 v12, $0xE;
	v12 =	vand.u32 $0x3FFF, v12;
	v19 =	vld [tilespmem:s5+$0x0]  }
0x373: {  	[tilespmem:v10+s2+$0x0] =	vst.idx.add.f32.msk $0xffff, v13  }
0x374: {  	v13 =	vshra.s32 v11, $0xE;
	v11 =	vand.u32 $0x3FFF, v11;
	[tilespmem:v4+s2+$0x0] =	vst.idx.add.f32.msk $0xffff, v8;
	v4 =	vmovc v2;
	v2 =	vmov v12  }
0x375: {  	v20 =	vshra.s32 v14, $0xE;
	v10 =	vand.u32 $0x3FFF, v14;
	[tilespmem:v5+s2+$0x0] =	vst.idx.add.f32.msk $0xffff, v9;
	v5 =	vmovc v3;
	v3 =	vmov v11  }
0x376: {  	s5 =	sadd.s32 $0x40, s5;
	v11 =	vld.idx.msk [tilespmem:v15+s23+$0x0], $0xffff;
	v8 =	vmul.f32 v7, v17  }
.Ltmp14:
0x377: {  	v12 =	vld [tilespmem:s5+$0x10];
	v9 =	vmul.f32 v6, v19;
	(pc) =	sbr.rel @p1 .LBB2_30-.Ltmp14, $4  }
0x378: {  	v7 =	vld.idx.msk [tilespmem:v18+s23+$0x0], $0xffff  }
0x379: {  	v14 =	vand.u32 $0x3FFF, v16;
	v6 =	vld.idx.msk [tilespmem:v13+s23+$0x0], $0xffff  }
0x37a: {  	v13 =	vld.idx.msk [tilespmem:v20+s23+$0x0], $0xffff  }
0x37b: {  	s7 =	sadd.s32 $0x40, s7;
	v15 =	vld [tilespmem:s5+$0xFFFFFFE0]  }
0x37c: {  	_ = 	snop  }
0x37d: {  	v16 =	vld [tilespmem:s5+$0xFFFFFFF0]  }
0x37e: {  	v11 =	vmul.f32 v11, v12;
	v12 =	vld [tilespmem:s5+$0x0];
	_ =	sdelay $0x1  }
0x37f: {  	[tilespmem:v4+s2+$0x0] =	vst.idx.add.f32.msk $0xffff, v8  }
0x380: {  	[tilespmem:v5+s2+$0x0] =	vst.idx.add.f32.msk $0xffff, v9;
	v13 =	vmul.f32 v13, v15  }
0x381: {  	[tilespmem:v14+s2+$0x0] =	vst.idx.add.f32.msk $0xffff, v11;
	v4 =	vmul.f32 v7, v16  }
0x382: {  	v5 =	vmul.f32 v6, v12;
	[tilespmem:v10+s2+$0x0] =	vst.idx.add.f32.msk $0xffff, v13  }
0x383: {  	[tilespmem:v2+s2+$0x0] =	vst.idx.add.f32.msk $0xffff, v4  }
0x384: {  	[tilespmem:v3+s2+$0x0] =	vst.idx.add.f32.msk $0xffff, v5  }
0x385: {  	v2 =	vld [tilespmem:$0x11500];
	_ =	sdelay $0x4  }
0x386: {  	v3 =	vshra.s32 v2, $0xE;
	_ =	sdelay $0x3  }
0x387: {  	v4 =	vld [tilespmem:$0x13C80]  }
0x388: {  	v3 =	vld.idx.msk [tilespmem:v3+s23+$0x0], $0xffff;
	_ =	sdelay $0x1  }
0x389: {  	v2 =	vand.u32 $0x3FFF, v2;
	_ =	sdelay $0x2  }
0x38a: {  	v3 =	vmul.f32 v3, v4;
	_ =	sdelay $0x1  }
0x38b: {  	s9 =	rddreg [dreg:$0x14];
	[tilespmem:v2+s2+$0x0] =	vst.idx.add.f32.msk $0xffff, v3  }
0x38c: {  	[tilespmem:s20], [sflag:$0x3] =	stream.linear.gather [hbm4b:s9+s23], $0x2710, $0x38;
	[tilespmem:$0x18C10] =	vst v63  }
0x38d: {  	s10 =	rddreg [dreg:$0x1d]  }
0x38e: {  	[tilespmem:s21], [sflag:$0x4] =	stream.linear.gather [spmem:s10], $0x2710, $0x38;
	[tilespmem:$0x18C10] =	vst v63  }
0x38f: {  	_ =	swait.ge [sflag:s22], $0x2710  }
0x390: {  	[sflag:s22] =	ssyncset.done $0x0  }
0x391: {  	[sflag:s22] =	ssyncadd.s32 $0xFFFFD8F0  }
0x392: {  	_ =	swait.ge [sflag:s24], $0x2710  }
0x393: {  	[sflag:s24] =	ssyncset.done $0x0  }
0x394: {  	s11 =	simm.s32 $0x9F20;
	[sflag:s24] =	ssyncadd.s32 $0xFFFFD8F0  }
0x395: {  	v2 =	vld [tilespmem:s11+$0x10];
	_ =	sdelay $0x1  }
0x396: {  	v4 =	vld [tilespmem:s11+$0xFFFFFFE0]  }
0x397: {  	v3 =	vld [tilespmem:s11+$0xFFFFFFF0]  }
0x398: {  	s12 =	simm.s32 $0xC6A0;
	v9 =	vld [tilespmem:s11+$0x0]  }
0x399: {  	s6 =	simm.s32 $0x9F60;
	v8 =	vld [tilespmem:s12+$0x10];
	v5 =	vshra.s32 v2, $0xE  }
0x39a: {  	v14 =	vld [tilespmem:s6+$0x10]  }
0x39b: {  	v11 =	vld [tilespmem:s12+$0xFFFFFFE0];
	v7 =	vshra.s32 v4, $0xE  }
0x39c: {  	v13 =	vld [tilespmem:s6+$0xFFFFFFF0]  }
0x39d: {  	v15 =	vld [tilespmem:s6+$0x0]  }
0x39e: {  	v6 =	vshra.s32 v3, $0xE;
	v5 =	vld.idx.msk [tilespmem:v5+s23+$0x0], $0xffff  }
0x39f: {  	v16 =	vld [tilespmem:s6+$0xFFFFFFE0];
	v10 =	vshra.s32 v9, $0xE  }
0x3a0: {  	v2 =	vand.u32 $0x3FFF, v2;
	v7 =	vld.idx.msk [tilespmem:v7+s23+$0x0], $0xffff  }
0x3a1: {  	s5 =	simm.s32 $0xC6E0;
	v18 =	vld [tilespmem:s12+$0x0]  }
0x3a2: {  	v12 =	vld [tilespmem:s5+$0x10];
	v4 =	vand.u32 $0x3FFF, v4  }
0x3a3: {  	v6 =	vld.idx.msk [tilespmem:v6+s23+$0x0], $0xffff;
	v5 =	vmul.f32 v5, v8;
	v8 =	vshra.s32 v14, $0xE  }
0x3a4: {  	v19 =	vshra.s32 v16, $0xE;
	v17 =	vld.idx.msk [tilespmem:v10+s23+$0x0], $0xffff  }
0x3a5: {  	[tilespmem:v2+s2+$0x0] =	vst.idx.add.f32.msk $0xffff, v5;
	v2 =	vmul.f32 v7, v11  }
0x3a6: {  	v5 =	vld [tilespmem:s12+$0xFFFFFFF0];
	v7 =	vshra.s32 v13, $0xE  }
0x3a7: {  	v10 =	vshra.s32 v15, $0xE;
	[tilespmem:v4+s2+$0x0] =	vst.idx.add.f32.msk $0xffff, v2  }
0x3a8: {  	v11 =	vld.idx.msk [tilespmem:v8+s23+$0x0], $0xffff  }
0x3a9: {  	v2 =	vand.u32 $0x3FFF, v13;
	v13 =	vld.idx.msk [tilespmem:v19+s23+$0x0], $0xffff  }
0x3aa: {  	v14 =	vand.u32 $0x3FFF, v14;
	v4 =	vand.u32 $0x3FFF, v3;
	v3 =	vand.u32 $0x3FFF, v15;
	v15 =	vld [tilespmem:s5+$0xFFFFFFE0]  }
0x3ab: {  	v7 =	vld.idx.msk [tilespmem:v7+s23+$0x0], $0xffff;
	v8 =	vmul.f32 v6, v5  }
0x3ac: {  	s7 =	simm.s32 $0x9FA0;
	s6 =	simm.s32 $0x4;
	v6 =	vld.idx.msk [tilespmem:v10+s23+$0x0], $0xffff;
	v5 =	vand.u32 $0x3FFF, v9;
	v10 =	vand.u32 $0x3FFF, v16;
	v9 =	vmul.f32 v17, v18  }
.LBB2_32:
0x3ad: {  	v16 =	vld [tilespmem:s7+$0x10];
	s6 =	sadd.s32 $0x4, s6;
	v11 =	vmul.f32 v11, v12  }
0x3ae: {  	v12 =	vld [tilespmem:s7+$0xFFFFFFF0];
	p1 =	slt.u32 s6, $0x26C  }
0x3af: {  	[tilespmem:v14+s2+$0x0] =	vst.idx.add.f32.msk $0xffff, v11  }
0x3b0: {  	v11 =	vld [tilespmem:s7+$0x0]  }
0x3b1: {  	v14 =	vld [tilespmem:s7+$0xFFFFFFE0];
	v13 =	vmul.f32 v13, v15  }
0x3b2: {  	v15 =	vshra.s32 v16, $0xE;
	v17 =	vld [tilespmem:s5+$0xFFFFFFF0]  }
0x3b3: {  	v18 =	vshra.s32 v12, $0xE;
	v12 =	vand.u32 $0x3FFF, v12;
	v19 =	vld [tilespmem:s5+$0x0]  }
0x3b4: {  	[tilespmem:v10+s2+$0x0] =	vst.idx.add.f32.msk $0xffff, v13  }
0x3b5: {  	v13 =	vshra.s32 v11, $0xE;
	v11 =	vand.u32 $0x3FFF, v11;
	[tilespmem:v4+s2+$0x0] =	vst.idx.add.f32.msk $0xffff, v8;
	v4 =	vmovc v2;
	v2 =	vmov v12  }
0x3b6: {  	v20 =	vshra.s32 v14, $0xE;
	v10 =	vand.u32 $0x3FFF, v14;
	[tilespmem:v5+s2+$0x0] =	vst.idx.add.f32.msk $0xffff, v9;
	v5 =	vmovc v3;
	v3 =	vmov v11  }
0x3b7: {  	s5 =	sadd.s32 $0x40, s5;
	v11 =	vld.idx.msk [tilespmem:v15+s23+$0x0], $0xffff;
	v8 =	vmul.f32 v7, v17  }
.Ltmp15:
0x3b8: {  	v12 =	vld [tilespmem:s5+$0x10];
	v9 =	vmul.f32 v6, v19;
	(pc) =	sbr.rel @p1 .LBB2_32-.Ltmp15, $4  }
0x3b9: {  	v7 =	vld.idx.msk [tilespmem:v18+s23+$0x0], $0xffff  }
0x3ba: {  	v14 =	vand.u32 $0x3FFF, v16;
	v6 =	vld.idx.msk [tilespmem:v13+s23+$0x0], $0xffff  }
0x3bb: {  	v13 =	vld.idx.msk [tilespmem:v20+s23+$0x0], $0xffff  }
0x3bc: {  	s7 =	sadd.s32 $0x40, s7;
	v15 =	vld [tilespmem:s5+$0xFFFFFFE0]  }
0x3bd: {  	_ = 	snop  }
0x3be: {  	v16 =	vld [tilespmem:s5+$0xFFFFFFF0]  }
0x3bf: {  	v11 =	vmul.f32 v11, v12;
	v12 =	vld [tilespmem:s5+$0x0];
	_ =	sdelay $0x1  }
0x3c0: {  	[tilespmem:v4+s2+$0x0] =	vst.idx.add.f32.msk $0xffff, v8  }
0x3c1: {  	[tilespmem:v5+s2+$0x0] =	vst.idx.add.f32.msk $0xffff, v9;
	v13 =	vmul.f32 v13, v15  }
0x3c2: {  	[tilespmem:v14+s2+$0x0] =	vst.idx.add.f32.msk $0xffff, v11;
	v4 =	vmul.f32 v7, v16  }
0x3c3: {  	v5 =	vmul.f32 v6, v12;
	[tilespmem:v10+s2+$0x0] =	vst.idx.add.f32.msk $0xffff, v13  }
0x3c4: {  	[tilespmem:v2+s2+$0x0] =	vst.idx.add.f32.msk $0xffff, v4  }
0x3c5: {  	[tilespmem:v3+s2+$0x0] =	vst.idx.add.f32.msk $0xffff, v5  }
0x3c6: {  	v2 =	vld [tilespmem:$0xC600];
	_ =	sdelay $0x4  }
0x3c7: {  	v3 =	vshra.s32 v2, $0xE;
	_ =	sdelay $0x3  }
0x3c8: {  	v4 =	vld [tilespmem:$0xED80]  }
0x3c9: {  	v3 =	vld.idx.msk [tilespmem:v3+s23+$0x0], $0xffff;
	_ =	sdelay $0x1  }
0x3ca: {  	v2 =	vand.u32 $0x3FFF, v2;
	_ =	sdelay $0x2  }
0x3cb: {  	v3 =	vmul.f32 v3, v4;
	_ =	sdelay $0x1  }
0x3cc: {  	[tilespmem:v2+s2+$0x0] =	vst.idx.add.f32.msk $0xffff, v3  }
0x3cd: {  	_ =	swait.ge [sflag:s29], $0x2710  }
0x3ce: {  	[sflag:s29] =	ssyncset.done $0x0  }
0x3cf: {  	[sflag:s29] =	ssyncadd.s32 $0xFFFFD8F0  }
0x3d0: {  	_ =	swait.ge [sflag:s0], $0x2710  }
0x3d1: {  	[sflag:s0] =	ssyncset.done $0x0  }
0x3d2: {  	s11 =	simm.s32 $0xEE20;
	[sflag:s0] =	ssyncadd.s32 $0xFFFFD8F0  }
0x3d3: {  	v2 =	vld [tilespmem:s11+$0x10];
	_ =	sdelay $0x1  }
0x3d4: {  	v4 =	vld [tilespmem:s11+$0xFFFFFFE0]  }
0x3d5: {  	v3 =	vld [tilespmem:s11+$0xFFFFFFF0]  }
0x3d6: {  	s12 =	simm.s32 $0x115A0;
	v9 =	vld [tilespmem:s11+$0x0]  }
0x3d7: {  	s6 =	simm.s32 $0xEE60;
	v8 =	vld [tilespmem:s12+$0x10];
	v5 =	vshra.s32 v2, $0xE  }
0x3d8: {  	v14 =	vld [tilespmem:s6+$0x10]  }
0x3d9: {  	v11 =	vld [tilespmem:s12+$0xFFFFFFE0];
	v7 =	vshra.s32 v4, $0xE  }
0x3da: {  	v13 =	vld [tilespmem:s6+$0xFFFFFFF0]  }
0x3db: {  	v15 =	vld [tilespmem:s6+$0x0]  }
0x3dc: {  	v6 =	vshra.s32 v3, $0xE;
	v5 =	vld.idx.msk [tilespmem:v5+s23+$0x0], $0xffff  }
0x3dd: {  	v16 =	vld [tilespmem:s6+$0xFFFFFFE0];
	v10 =	vshra.s32 v9, $0xE  }
0x3de: {  	v2 =	vand.u32 $0x3FFF, v2;
	v7 =	vld.idx.msk [tilespmem:v7+s23+$0x0], $0xffff  }
0x3df: {  	s5 =	simm.s32 $0x115E0;
	v18 =	vld [tilespmem:s12+$0x0]  }
0x3e0: {  	v12 =	vld [tilespmem:s5+$0x10];
	v4 =	vand.u32 $0x3FFF, v4  }
0x3e1: {  	v6 =	vld.idx.msk [tilespmem:v6+s23+$0x0], $0xffff;
	v5 =	vmul.f32 v5, v8;
	v8 =	vshra.s32 v14, $0xE  }
0x3e2: {  	v19 =	vshra.s32 v16, $0xE;
	v17 =	vld.idx.msk [tilespmem:v10+s23+$0x0], $0xffff  }
0x3e3: {  	[tilespmem:v2+s2+$0x0] =	vst.idx.add.f32.msk $0xffff, v5;
	v2 =	vmul.f32 v7, v11  }
0x3e4: {  	v5 =	vld [tilespmem:s12+$0xFFFFFFF0];
	v7 =	vshra.s32 v13, $0xE  }
0x3e5: {  	v10 =	vshra.s32 v15, $0xE;
	[tilespmem:v4+s2+$0x0] =	vst.idx.add.f32.msk $0xffff, v2  }
0x3e6: {  	v11 =	vld.idx.msk [tilespmem:v8+s23+$0x0], $0xffff  }
0x3e7: {  	v2 =	vand.u32 $0x3FFF, v13;
	v13 =	vld.idx.msk [tilespmem:v19+s23+$0x0], $0xffff  }
0x3e8: {  	v14 =	vand.u32 $0x3FFF, v14;
	v4 =	vand.u32 $0x3FFF, v3;
	v3 =	vand.u32 $0x3FFF, v15;
	v15 =	vld [tilespmem:s5+$0xFFFFFFE0]  }
0x3e9: {  	v7 =	vld.idx.msk [tilespmem:v7+s23+$0x0], $0xffff;
	v8 =	vmul.f32 v6, v5  }
0x3ea: {  	s7 =	simm.s32 $0xEEA0;
	s6 =	simm.s32 $0x4;
	v6 =	vld.idx.msk [tilespmem:v10+s23+$0x0], $0xffff;
	v5 =	vand.u32 $0x3FFF, v9;
	v10 =	vand.u32 $0x3FFF, v16;
	v9 =	vmul.f32 v17, v18  }
.LBB2_34:
0x3eb: {  	v16 =	vld [tilespmem:s7+$0x10];
	s6 =	sadd.s32 $0x4, s6;
	v11 =	vmul.f32 v11, v12  }
0x3ec: {  	v12 =	vld [tilespmem:s7+$0xFFFFFFF0];
	p1 =	slt.u32 s6, $0x26C  }
0x3ed: {  	[tilespmem:v14+s2+$0x0] =	vst.idx.add.f32.msk $0xffff, v11  }
0x3ee: {  	v11 =	vld [tilespmem:s7+$0x0]  }
0x3ef: {  	v14 =	vld [tilespmem:s7+$0xFFFFFFE0];
	v13 =	vmul.f32 v13, v15  }
0x3f0: {  	v15 =	vshra.s32 v16, $0xE;
	v17 =	vld [tilespmem:s5+$0xFFFFFFF0]  }
0x3f1: {  	v18 =	vshra.s32 v12, $0xE;
	v12 =	vand.u32 $0x3FFF, v12;
	v19 =	vld [tilespmem:s5+$0x0]  }
0x3f2: {  	[tilespmem:v10+s2+$0x0] =	vst.idx.add.f32.msk $0xffff, v13  }
0x3f3: {  	v13 =	vshra.s32 v11, $0xE;
	v11 =	vand.u32 $0x3FFF, v11;
	[tilespmem:v4+s2+$0x0] =	vst.idx.add.f32.msk $0xffff, v8;
	v4 =	vmovc v2;
	v2 =	vmov v12  }
0x3f4: {  	v20 =	vshra.s32 v14, $0xE;
	v10 =	vand.u32 $0x3FFF, v14;
	[tilespmem:v5+s2+$0x0] =	vst.idx.add.f32.msk $0xffff, v9;
	v5 =	vmovc v3;
	v3 =	vmov v11  }
0x3f5: {  	s5 =	sadd.s32 $0x40, s5;
	v11 =	vld.idx.msk [tilespmem:v15+s23+$0x0], $0xffff;
	v8 =	vmul.f32 v7, v17  }
.Ltmp16:
0x3f6: {  	v12 =	vld [tilespmem:s5+$0x10];
	v9 =	vmul.f32 v6, v19;
	(pc) =	sbr.rel @p1 .LBB2_34-.Ltmp16, $4  }
0x3f7: {  	v7 =	vld.idx.msk [tilespmem:v18+s23+$0x0], $0xffff  }
0x3f8: {  	v14 =	vand.u32 $0x3FFF, v16;
	v6 =	vld.idx.msk [tilespmem:v13+s23+$0x0], $0xffff  }
0x3f9: {  	v13 =	vld.idx.msk [tilespmem:v20+s23+$0x0], $0xffff  }
0x3fa: {  	s7 =	sadd.s32 $0x40, s7;
	v15 =	vld [tilespmem:s5+$0xFFFFFFE0]  }
0x3fb: {  	_ = 	snop  }
0x3fc: {  	v16 =	vld [tilespmem:s5+$0xFFFFFFF0]  }
0x3fd: {  	v61 =	vld [tilespmem:s5+$0x0];
	_ =	sdelay $0x1  }
0x3fe: {  	v11 =	vmul.f32 v11, v12;
	[tilespmem:v4+s2+$0x0] =	vst.idx.add.f32.msk $0xffff, v8  }
0x3ff: {  	[tilespmem:v5+s2+$0x0] =	vst.idx.add.f32.msk $0xffff, v9;
	v13 =	vmul.f32 v13, v15  }
0x400: {  	[tilespmem:v14+s2+$0x0] =	vst.idx.add.f32.msk $0xffff, v11;
	v62 =	vmul.f32 v7, v16  }
0x401: {  	v63 =	vmul.f32 v6, v61;
	[tilespmem:v10+s2+$0x0] =	vst.idx.add.f32.msk $0xffff, v13  }
0x402: {  	[tilespmem:v2+s2+$0x0] =	vst.idx.add.f32.msk $0xffff, v62  }
0x403: {  	[tilespmem:v3+s2+$0x0] =	vst.idx.add.f32.msk $0xffff, v63  }
0x404: {  	v2 =	vld [tilespmem:$0x11500];
	_ =	sdelay $0x4  }
0x405: {  	v3 =	vshra.s32 v2, $0xE;
	_ =	sdelay $0x3  }
0x406: {  	v4 =	vld [tilespmem:$0x13C80]  }
0x407: {  	v3 =	vld.idx.msk [tilespmem:v3+s23+$0x0], $0xffff;
	_ =	sdelay $0x1  }
0x408: {  	v2 =	vand.u32 $0x3FFF, v2;
	_ =	sdelay $0x2  }
0x409: {  	v3 =	vmul.f32 v3, v4;
	_ =	sdelay $0x1  }
0x40a: {  	s11 =	rddreg [dreg:$0x1f];
	[tilespmem:v2+s2+$0x0] =	vst.idx.add.f32.msk $0xffff, v3  }
0x40b: {  	[hbm4b:s11+s16] =	stream.strided.scatter [tilespmem:s2], [sflag:$0x8], $0x2780, s17, s16, $0x38;
	[tilespmem:$0x18C10] =	vst v63  }
0x40c: {  	_ =	swait.ge [sflag:s30], $0x2780  }
0x40d: {  	s12 =	sld [smem:$0x7F0];
	_ =	sdelay $0x1  }
0x40e: {  	s4 =	sadd.s32 $0x1, s4  }
0x40f: {  	p1 =	sne.s32 s4, s12  }
.Ltmp17:
0x410: {  	_ = 	snop;
	(pc) =	sbr.rel @p1 .LBB2_1-.Ltmp17, $3  }
0x411: {  	_ =	sdelay $0x1  }
0x412: {  	[sflag:s30] =	ssyncset.done $0x0  }
0x413: {  	[sflag:s30] =	ssyncadd.s32 $0xFFFFD880  }
0x414: {  	_ =	sfence.sel $0x180000  }
0x415: {  	[bflag:$0x0] =	sbarrier.arrive $0xFFFF  }
0x416: {  	_ =	strace $0x90000047  }
0x417: {  	s0 =	stileid.u32;
	[bflag:$0x2] =	sbarrier.arrive $0xFFFF  }
0x418: {  	p0 =	sne.s32 s0, $0x0;
	s0 =	rddreg [dreg:$0x6]  }
0x419: {  	s0 =	sadd.s32 @!p0 $0x100000, s0  }
0x41a: {  	[sflag:s0] =	ssyncadd.tile.s32 @!p0 $0x1;
	_ =	shalt  }
.Lfunc_end2:
_tile_overlayer_lowered:
.L_overlay_start_2:
0x41b: {  	(tag) =	ssettag $0x2  }
0x41c: {  	s0 =	rddreg [dreg:$0x0];
	s2 =	stileid.u32  }
0x41d: {  	s1 =	rddreg [dreg:$0x1];
	p0 =	sne.s32 s2, $0x0  }
0x41e: {  	s3 =	rddreg [dreg:$0x2];
	[bflag:$0x3] =	sbarrier.arrive $0xFFFF;
	s2 =	simm.s32 @!p0 $0x1C08  }
0x41f: {  	[timem:s3], [sflag:s2] =	dma.local @!p0 [hbm:s0], s1  }
0x420: {  	s0 =	simm.s32 @!p0 $0x8  }
0x421: {  	_ =	swait.ge @!p0 [sflag:s0], s1  }
0x422: {  	s1 =	ssub.s32 @!p0 $0x0, s1;
	[sflag:s0] =	ssyncset.done @!p0 $0x0  }
0x423: {  	[sflag:s0] =	ssyncadd.s32 @!p0 s1  }
0x424: {  	[bflag:$0x3] =	sbarrier.arrive $0xFFFF  }
0x425: {  	_ =	shalt  }

// kernel: kernel.9.cloned.1.call-start
scs
__scs_entry_jumppad:
0x0: {  	(pc) =	sbr.rel $0x88, $3  }
0x1: {  	(tag) =	ssettag $0x0;
	lr =	simm.s32 $0x1  }
0x2: {  	[smem:$0x3F96] =	sst lr;
	_ =	strace $0xD0000000  }
0x3: {  	_ = 	snop  }
0x4: {  	_ = 	snop  }
0x5: {  	_ = 	snop  }
0x6: {  	_ = 	snop  }
0x7: {  	_ = 	snop  }
__scs_overlays_trampoline_lowered:
0x8: {  	[smem:$0x3FA5] =	sst s0  }
0x9: {  	[smem:$0x3FA6] =	sst s1  }
0xa: {  	[smem:$0x3FA7] =	sst s2  }
0xb: {  	[smem:$0x3FA8] =	sst s3  }
0xc: {  	[smem:$0x3FA9] =	sst s4  }
0xd: {  	[smem:$0x3FAA] =	sst s5  }
0xe: {  	[smem:$0x3FAB] =	sst s6  }
0xf: {  	[smem:$0x3FAC] =	sst s7  }
0x10: {  	[smem:$0x3FAD] =	sst s8  }
0x11: {  	[smem:$0x3FAE] =	sst s9;
	s0 =	simm.s32 @!p0 $0x0  }
0x12: {  	s1 =	sld [smem:$0x3F94];
	s0 =	simm.s32 @p0 $0x1  }
0x13: {  	[smem:$0x3FAF] =	sst s0;
	s0 =	simm.s32 @!p1 $0x0  }
0x14: {  	s2 =	sld [smem:$0x3F93];
	s0 =	simm.s32 @p1 $0x1  }
0x15: {  	[smem:$0x3FB0] =	sst s0;
	s0 =	simm.s32 @!p2 $0x0  }
0x16: {  	s3 =	sld [smem:$0x3FDB];
	s0 =	simm.s32 @p2 $0x1  }
0x17: {  	s4 =	simm.s32 $0x1BF5;
	[smem:$0x3FB2] =	sst s0  }
0x18: {  	s0 =	sld [smem:$0x3F95];
	_ =	swait.ge [sflag:s4], $0x0  }
0x19: {  	s7 =	sld [smem:$0x3F96]  }
0x1a: {  	s8 =	sadd.s32 $0xFFFFE003, lr  }
0x1b: {  	s9 =	sadd.s32 $0xFFFFFEF7, lr;
	s5 =	simm.s32 $0xFFFFFFFF;
	p2 =	slt.u32 s8, $0xFFFFF086  }
0x1c: {  	p1 =	slt.u32 s9, $0xF7A;
	s5 =	simm.s32 @!p2 $0x0  }
0x1d: {  	s5 =	simm.s32 @p1 $0x1;
	p0 =	seq.s32 s7, s2  }
0x1e: {  	s7 =	smul.u32 @!p0 $0xF7A, s2;
	p2 =	seq.s32 @!p0 s5, $0x0  }
0x1f: {  	s9 =	smul.u32 $0xF7A, s1;
	s8 =	simm.s32 @!p0 $0x1BF5;
	p2 =	por !p2, p0  }
0x20: {  	[sflag:s8] =	ssyncset.s32 @!p0 $0xFFFFF086;
	s6 =	sadd.s32 @!p0 s3, s7;
	s7 =	simm.s32 @!p0 $0x108  }
0x21: {  	s3 =	sadd.s32 s3, s9;
	s6 =	sadd.s32 @!p0 $0x88, s6;
	s7 =	simm.s32 @p2 $0x1082  }
0x22: {  	[simem:s7], [sflag:s8] =	dma.local @!p0 [hbm:s6], $0xF7A  }
0x23: {  	s9 =	sor.u32 $0xD0000000, s2;
	s6 =	simm.s32 $0x108;
	_ =	swait.ge @!p0 [sflag:s8], $0x0  }
0x24: {  	s3 =	sadd.s32 $0x88, s3;
	s6 =	simm.s32 @!p1 $0x1082;
	[sflag:s4] =	ssyncset.s32 $0xFFFFF086  }
0x25: {  	[simem:s6], [sflag:s4] =	dma.local [hbm:s3], $0xF7A  }
0x26: {  	[smem:$0x3F96] =	sst s1;
	(tag) =	ssettag s2;
	_ =	strace s9  }
0x27: {  	s1 =	sld [smem:$0x3FA6]  }
0x28: {  	s2 =	sld [smem:$0x3FA7]  }
0x29: {  	s4 =	sld [smem:$0x3FA9]  }
0x2a: {  	p0 =	seq.s32 s5, $0x0;
	s5 =	sld [smem:$0x3FAA]  }
0x2b: {  	s6 =	sld [smem:$0x3FAB]  }
0x2c: {  	s7 =	sld [smem:$0x3FAC]  }
0x2d: {  	s3 =	simm.s32 $0x108;
	s8 =	sld [smem:$0x3FAD]  }
0x2e: {  	s3 =	simm.s32 @!p0 $0x1082;
	s9 =	sld [smem:$0x3FAE]  }
0x2f: {  	lr =	sadd.s32 s0, s3;
	s0 =	sld [smem:$0x3FA5]  }
0x30: {  	s3 =	sld [smem:$0x3FA8]  }
0x31: {  	[smem:$0x3FB1] =	sst s10  }
0x32: {  	s10 =	sld [smem:$0x3FAF];
	_ =	sdelay $0x3  }
0x33: {  	p0 =	seq.s32 s10, $0x1;
	s10 =	sld [smem:$0x3FB1];
	_ =	sdelay $0x3  }
0x34: {  	[smem:$0x3FB1] =	sst s10  }
0x35: {  	s10 =	sld [smem:$0x3FB0];
	_ =	sdelay $0x3  }
0x36: {  	p1 =	seq.s32 s10, $0x1;
	s10 =	sld [smem:$0x3FB1];
	_ =	sdelay $0x3  }
0x37: {  	[smem:$0x3FB1] =	sst s10  }
0x38: {  	s10 =	sld [smem:$0x3FB2]  }
0x39: {  	_ = 	snop;
	(pc) =	sbr.ind lr, $3  }
0x3a: {  	_ = 	snop  }
0x3b: {  	_ = 	snop  }
0x3c: {  	p2 =	seq.s32 s10, $0x1;
	s10 =	sld [smem:$0x3FB1]  }
0x3d: {  	_ =	shalt  }
0x3e: {  	_ =	shalt  }
0x3f: {  	_ =	shalt  }
0x40: {  	_ =	shalt  }
0x41: {  	_ =	shalt  }
0x42: {  	_ =	shalt  }
0x43: {  	_ =	shalt  }
0x44: {  	_ =	shalt  }
0x45: {  	_ =	shalt  }
0x46: {  	_ =	shalt  }
0x47: {  	_ =	shalt  }
0x48: {  	_ =	shalt  }
0x49: {  	_ =	shalt  }
0x4a: {  	_ =	shalt  }
0x4b: {  	_ =	shalt  }
0x4c: {  	_ =	shalt  }
0x4d: {  	_ =	shalt  }
0x4e: {  	_ =	shalt  }
0x4f: {  	_ =	shalt  }
0x50: {  	_ =	shalt  }
0x51: {  	_ =	shalt  }
0x52: {  	_ =	shalt  }
0x53: {  	_ =	shalt  }
0x54: {  	_ =	shalt  }
0x55: {  	_ =	shalt  }
0x56: {  	_ =	shalt  }
0x57: {  	_ =	shalt  }
0x58: {  	_ =	shalt  }
0x59: {  	_ =	shalt  }
0x5a: {  	_ =	shalt  }
0x5b: {  	_ =	shalt  }
0x5c: {  	_ =	shalt  }
0x5d: {  	_ =	shalt  }
0x5e: {  	_ =	shalt  }
0x5f: {  	_ =	shalt  }
0x60: {  	_ =	shalt  }
0x61: {  	_ =	shalt  }
0x62: {  	_ =	shalt  }
0x63: {  	_ =	shalt  }
0x64: {  	_ =	shalt  }
0x65: {  	_ =	shalt  }
0x66: {  	_ =	shalt  }
0x67: {  	_ =	shalt  }
0x68: {  	_ =	shalt  }
0x69: {  	_ =	shalt  }
0x6a: {  	_ =	shalt  }
0x6b: {  	_ =	shalt  }
0x6c: {  	_ =	shalt  }
0x6d: {  	_ =	shalt  }
0x6e: {  	_ =	shalt  }
0x6f: {  	_ =	shalt  }
0x70: {  	_ =	shalt  }
0x71: {  	_ =	shalt  }
0x72: {  	_ =	shalt  }
0x73: {  	_ =	shalt  }
0x74: {  	_ =	shalt  }
0x75: {  	_ =	shalt  }
0x76: {  	_ =	shalt  }
0x77: {  	_ =	shalt  }
0x78: {  	_ =	shalt  }
0x79: {  	_ =	shalt  }
0x7a: {  	_ =	shalt  }
0x7b: {  	_ =	shalt  }
0x7c: {  	_ =	shalt  }
0x7d: {  	_ =	shalt  }
0x7e: {  	_ =	shalt  }
0x7f: {  	_ =	shalt  }
0x80: {  	_ =	shalt  }
0x81: {  	_ =	shalt  }
0x82: {  	_ =	shalt  }
0x83: {  	_ =	shalt  }
0x84: {  	_ =	shalt  }
0x85: {  	_ =	shalt  }
0x86: {  	_ =	shalt  }
0x87: {  	_ =	shalt  }
.Lfunc_end0:
.L_simem_size_0:
called_computation.1_lowered:
.L_overlay_start_0:
0x88: {  	s2 =	sld [smem:$0x3FD9]  }
0x89: {  	s3 =	sld [smem:$0x3FFE];
	_ =	sdelay $0x1  }
0x8a: {  	s1 =	srdreg.scid  }
0x8b: {  	s0 =	sand.u32 $0x1, s1  }
0x8c: {  	s17 =	sshll.u32 s0, $0xA;
	s2 =	sadd.s32 s3, s2  }
0x8d: {  	s2 =	sadd.s32 s2, s17  }
0x8e: {  	[smem:$0x3FBD] =	sst s2  }
0x8f: {  	_ = 	snop  }
0x90: {  	s2 =	sld [smem:$0x3FC8]  }
0x91: {  	s18 =	sld [smem:$0x3FC7];
	(tm) =	ssettm $0x1  }
0x92: {  	s4 =	sld [smem:$0x3FFB];
	_ =	sdelay $0x3  }
0x93: {  	_ =	strace s4  }
0x94: {  	s4 =	sld [smem:$0x3FFC];
	_ =	sdelay $0x3  }
0x95: {  	_ =	strace s4  }
0x96: {  	s4 =	sld [smem:$0x3FFD];
	_ =	sdelay $0x3  }
0x97: {  	_ =	strace s4  }
0x98: {  	_ =	strace $0x8FFFFFFF  }
0x99: {  	s19 =	sld [smem:$0x3FDB];
	_ =	sdelay $0x1  }
0x9a: {  	s5 =	simm.s32 $_scs_section_size  }
0x9b: {  	s6 =	simm.s32 $_size__tile_overlayer_lowered;
	s7 =	simm.s32 $_tile_overlayer_lowered  }
0x9c: {  	s22 =	simm.s32 $0x1BFF;
	s21 =	sshll.u32 s7, $0x1;
	s4 =	sadd.s32 s5, s19  }
0x9d: {  	s8 =	simm.s32 $0x0;
	s20 =	sshll.u32 s6, $0x1;
	s6 =	sadd.s32 s21, s4  }
0x9e: {  	[timem:s8], [sflag:s22] =	dma.local [hbm:s6], s20  }
0x9f: {  	_ =	swait.ge [sflag:s22], s20  }
0xa0: {  	s5 =	ssub.s32 $0x0, s20;
	[sflag:s22] =	ssyncset.done $0x0  }
0xa1: {  	[sflag:s22] =	ssyncadd.s32 s5;
	_ =	sdelay $0x1  }
0xa2: {  	s23 =	simm.s32 $0x1B8B  }
0xa3: {  	_ =	swait.ge [sflag:s23], $0x1  }
0xa4: {  	[sflag:s23] =	ssyncset.done $0x0  }
0xa5: {  	s25 =	simm.s32 $0x1B8E;
	s24 =	sld [smem:$0x3FFE];
	[sflag:s23] =	ssyncadd.s32 $0xFFFFFFFF  }
0xa6: {  	s26 =	simm.s32 $execute0_lowered;
	[smem:$0x3FD2] =	sst s25  }
0xa7: {  	s6 =	sshll.u32 s26, $0x1;
	_ =	strace $0x80000049;
	[dreg:$0x1] =	wrdreg $0xFFFFFFFF  }
0xa8: {  	s28 =	simm.s32 $_size_execute0_lowered;
	s4 =	sadd.s32 s4, s6;
	[dreg:$0x0] =	wrdreg $0x0  }
0xa9: {  	s6 =	sshll.u32 s28, $0x1;
	[dreg:$0x2] =	wrdreg s4  }
0xaa: {  	[dreg:$0x3] =	wrdreg s6  }
0xab: {  	[dreg:$0x4] =	wrdreg $0xC0  }
0xac: {  	_ =	task [dreg:s8], $0x5FFFF  }
0xad: {  	[dreg:$0x1] =	wrdreg $0xFFFFFFFF  }
0xae: {  	[dreg:$0x0] =	wrdreg $0x60  }
0xaf: {  	[dreg:$0x2] =	wrdreg s24  }
0xb0: {  	[dreg:$0x3] =	wrdreg s2  }
0xb1: {  	[dreg:$0x4] =	wrdreg s18  }
0xb2: {  	[dreg:$0x5] =	wrdreg $0x9  }
0xb3: {  	_ =	task.clear_ibuf [dreg:s8], $0x6FFFF;
	_ =	strace $0x90000049  }
0xb4: {  	s29 =	simm.s32 $0x9;
	_ =	strace $0x8000004B  }
0xb5: {  	_ =	swait.ge [sflag:s29], $0x1  }
0xb6: {  	[sflag:s29] =	ssyncadd.s32 $0xFFFFFFFF  }
0xb7: {  	_ =	strace $0x9000004B  }
0xb8: {  	_ =	sfence  }
0xb9: {  	s30 =	sld [smem:$0x0];
	_ =	sdelay $0x2  }
0xba: {  	s31 =	sshll.u32 s1, $0xD;
	s1 =	sshrl.u32 s1, $0x2  }
0xbb: {  	s3 =	sand.u32 $0x4000, s31;
	s1 =	sadd.s32 s1, s30  }
0xbc: {  	s0 =	sor.u32 s3, s0;
	s1 =	sshll.u32 s1, $0x11  }
0xbd: {  	s0 =	sor.u32 s1, s0  }
0xbe: {  	s0 =	sadd.s32 $0x8F2B, s0  }
0xbf: {  	[sflag:s0] =	ssyncadd.remote.s32 $0x1  }
0xc0: {  	_ =	sfence.sel $0xFFFF  }
0xc1: {  	[dreg:$0x0] =	wrdreg $0xFFFFFFFF;
	(pc) =	sbr.abs _section_cstart, $3  }
0xc2: {  	[dreg:$0x1] =	wrdreg $0xFFFFFFFF  }
0xc3: {  	_ =	task.clear_ibuf [dreg:s8], $0x2FFFF;
	_ =	strace $0x9FFFFFFF  }
0xc4: {  	(tm) =	ssettm $0x7FFFFFFF  }
0xc5: {  	_ =	shalt  }
tec
execute0_lowered:
.L_overlay_start_1:
0x0: {  	(tag) =	ssettag $0x1  }
0x1: {  	s4 =	rddreg [dreg:$0x0]  }
0x2: {  	s5 =	rddreg [dreg:$0x1]  }
0x3: {  	s6 =	rddreg [dreg:$0x2]  }
0x4: {  	s0 =	rddreg [dreg:$0x3]  }
0x5: {  	s2 =	simm.s32 $0x0;
	s3 =	srdreg.scid;
	s1 =	stileid.u32  }
0x6: {  	s11 =	simm.s32 $0x3;
	s12 =	simm.s32 $0x0;
	[smem:$0x7FF] =	sst s2  }
0x7: {  	s7 =	sand.u32 $0x1, s3;
	s8 =	sshll.u32 s1, $0x1;
	s3 =	sadd.s32 $0x1800, s4  }
0x8: {  	p0 =	slt.u32 s1, $0x8;
	_ =	strace $0x8000004A;
	s8 =	sor.u32 s7, s8  }
0x9: {  	s7 =	ssub.s32 $0x2, s7;
	s9 =	sshll.u32 s8, $0xC;
	s10 =	sshll.u32 s8, $0x8  }
0xa: {  	s30 =	sshrl.u32 s7, $0x1;
	s8 =	sshll.u32 s8, $0x5;
	s9 =	sadd.s32 s9, s4  }
0xb: {  	s10 =	sadd.s32 $0xFFFFF000, s10;
	s7 =	ssub.s32 s7, s30;
	s8 =	sadd.s32 s5, s8  }
0xc: {  	s31 =	sshrl.u32 s10, $0x3;
	s5 =	sadd.s32 $0x2C00, s9;
	s9 =	simm.s32 $0x1  }
0xd: {  	v0 =	vlaneseq.u32;
	s10 =	simm.s32 $0x9F00;
	s4 =	sadd.s32 s6, s31;
	s6 =	smax.u32 s7, $0x1  }
0xe: {  	v0 =	vmul.u32 $0x80, v0;
	s7 =	simm.s32 $0x9E00;
	s4 =	smov.u32 @p0 s8;
	s8 =	simm.s32 $0x2  }
.LBB2_1:
0xf: {  	[tilespmem:s2], [sflag:$0x1] =	stream.linear.gather [hbm4b:s3+s2], $0x9E00, $0x38;
	[tilespmem:$0x11F00] =	vst v63  }
0x10: {  	_ = 	snop  }
0x11: {  	[tilespmem:s7], [sflag:$0x2] =	stream.linear.gather [hbm4b:s4+s2], $0x100, $0x38;
	[tilespmem:$0x11F00] =	vst v63  }
0x12: {  	_ =	swait.ge [sflag:s8], $0x100  }
0x13: {  	[sflag:s8] =	ssyncset.done $0x0  }
0x14: {  	[sflag:s8] =	ssyncadd.s32 $0xFFFFFF00  }
0x15: {  	_ =	swait.ge [sflag:s9], $0x9E00  }
0x16: {  	[sflag:s9] =	ssyncset.done $0x0  }
0x17: {  	s13 =	simm.s32 $0x9E10;
	[sflag:s9] =	ssyncadd.s32 $0xFFFF6200  }
0x18: {  	v1 =	vld [tilespmem:s13+$0xFFFFFFF0];
	_ =	sdelay $0x1  }
0x19: {  	v2 =	vld [tilespmem:s13+$0x0];
	_ =	sdelay $0x2  }
0x1a: {  	v3 =	vshll.u32 v1, $0x2  }
0x1b: {  	v1 =	vand.u32 $0x7F, v1;
	v3 =	vand.u32 $0xFFFFFE00, v3  }
0x1c: {  	s22 =	simm.s32 $0x9E30;
	v7 =	vor.u32 v1, v3;
	v1 =	vshll.u32 v2, $0x2  }
0x1d: {  	v2 =	vand.u32 $0x7F, v2;
	v3 =	vld [tilespmem:s22+$0xFFFFFFF0];
	v1 =	vand.u32 $0xFFFFFE00, v1  }
0x1e: {  	s14 =	simm.s32 $0x0;
	v8 =	vor.u32 v2, v1  }
0x1f: {  	v1 =	vmov s14  }
0x20: {  	s23 =	simm.s32 $0x10;
	v2 =	vld [tilespmem:s22+$0x0];
	v1 =	vshll.u32 v1, $0x7  }
0x21: {  	v9 =	vor.u32 v0, v1;
	v1 =	vmov s23;
	v4 =	vld.idx.msk [tilespmem:v7+s2+$0x0], $0xffff  }
0x22: {  	v5 =	vor.u32 $0x80, v7;
	v1 =	vshll.u32 v1, $0x7;
	v6 =	vshll.u32 v3, $0x2  }
0x23: {  	v11 =	vor.u32 v0, v1;
	v1 =	vand.u32 $0x7F, v3;
	v3 =	vand.u32 $0xFFFFFE00, v6;
	v10 =	vld.idx.msk [tilespmem:v8+s2+$0x0], $0xffff  }
0x24: {  	v3 =	vor.u32 v1, v3  }
0x25: {  	s24 =	simm.s32 $0x9E50;
	v6 =	vor.u32 $0x80, v8;
	v1 =	vshll.u32 v2, $0x2  }
0x26: {  	s25 =	simm.s32 $0x20;
	v12 =	vld [tilespmem:s24+$0xFFFFFFF0];
	v2 =	vand.u32 $0x7F, v2;
	v1 =	vand.u32 $0xFFFFFE00, v1;
	[tilespmem:v9+s10+$0x0] =	vst.idx.msk $0xffff, v4  }
0x27: {  	s28 =	simm.s32 $0x30;
	v13 =	vor.u32 $0x1, v9;
	v2 =	vor.u32 v2, v1;
	v1 =	vmov s25;
	v5 =	vld.idx.msk [tilespmem:v5+s2+$0x0], $0xffff  }
0x28: {  	s26 =	simm.s32 $0x40;
	v17 =	vmov s28;
	v14 =	vor.u32 $0x100, v7;
	v1 =	vshll.u32 v1, $0x7;
	[tilespmem:v11+s10+$0x0] =	vst.idx.msk $0xffff, v10;
	v10 =	vld [tilespmem:s24+$0x0]  }
0x29: {  	v15 =	vor.u32 $0x1, v11;
	v4 =	vmov s26;
	v1 =	vor.u32 v0, v1;
	v16 =	vld.idx.msk [tilespmem:v3+s2+$0x0], $0xffff  }
0x2a: {  	v19 =	vshll.u32 v4, $0x7;
	v4 =	vshll.u32 v17, $0x7;
	v17 =	vor.u32 $0x80, v3;
	v6 =	vld.idx.msk [tilespmem:v6+s2+$0x0], $0xffff  }
0x2b: {  	v18 =	vor.u32 $0x100, v8  }
0x2c: {  	v20 =	vand.u32 $0x7F, v12;
	v12 =	vshll.u32 v12, $0x2;
	v4 =	vor.u32 v0, v4;
	v21 =	vld.idx.msk [tilespmem:v2+s2+$0x0], $0xffff;
	[tilespmem:v13+s10+$0x0] =	vst.idx.msk $0xffff, v5  }
0x2d: {  	s29 =	simm.s32 $0x9E70;
	v27 =	vor.u32 $0x180, v7;
	v5 =	vand.u32 $0xFFFFFE00, v12;
	v13 =	vor.u32 $0x80, v2;
	v22 =	vld.idx.msk [tilespmem:v14+s2+$0x0], $0xffff  }
0x2e: {  	v23 =	vor.u32 $0x2, v9;
	v12 =	vshll.u32 v10, $0x2;
	v5 =	vor.u32 v20, v5;
	v20 =	vld [tilespmem:s29+$0xFFFFFFF0];
	[tilespmem:v1+s10+$0x0] =	vst.idx.msk $0xffff, v16  }
0x2f: {  	s31 =	simm.s32 $0x50;
	v28 =	vor.u32 $0x180, v8;
	v10 =	vand.u32 $0x7F, v10;
	v12 =	vand.u32 $0xFFFFFE00, v12;
	[tilespmem:v15+s10+$0x0] =	vst.idx.msk $0xffff, v6;
	v26 =	vld.idx.msk [tilespmem:v17+s2+$0x0], $0xffff  }
0x30: {  	s30 =	simm.s32 $0x60;
	v25 =	vor.u32 $0x2, v11;
	v8 =	vmov s31;
	v6 =	vor.u32 v10, v12;
	v24 =	vld.idx.msk [tilespmem:v18+s2+$0x0], $0xffff  }
0x31: {  	v8 =	vshll.u32 v8, $0x7;
	v29 =	vor.u32 $0x1, v1;
	v14 =	vmov s30;
	v15 =	vld [tilespmem:s29+$0x0];
	[tilespmem:v4+s10+$0x0] =	vst.idx.msk $0xffff, v21  }
0x32: {  	v7 =	vor.u32 v0, v19;
	v12 =	vshll.u32 v14, $0x7;
	v14 =	vor.u32 $0x100, v3;
	v16 =	vld.idx.msk [tilespmem:v13+s2+$0x0], $0xffff  }
0x33: {  	v17 =	vor.u32 $0x1, v4;
	v10 =	vor.u32 $0x3, v11;
	v18 =	vld.idx.msk [tilespmem:v5+s2+$0x0], $0xffff;
	[tilespmem:v23+s10+$0x0] =	vst.idx.msk $0xffff, v22;
	v19 =	vshll.u32 v20, $0x2  }
0x34: {  	v13 =	vor.u32 $0x100, v2;
	v11 =	vand.u32 $0x7F, v20;
	v20 =	vand.u32 $0xFFFFFE00, v19;
	v19 =	vld.idx.msk [tilespmem:v27+s2+$0x0], $0xffff  }
0x35: {  	s15 =	simm.s32 $0x9E90;
	v8 =	vor.u32 v0, v8;
	v9 =	vor.u32 $0x3, v9;
	v23 =	vor.u32 $0x80, v5;
	v21 =	vld.idx.msk [tilespmem:v6+s2+$0x0], $0xffff;
	[tilespmem:v25+s10+$0x0] =	vst.idx.msk $0xffff, v24  }
0x36: {  	s16 =	simm.s32 $0x90;
	s13 =	simm.s32 $0x70;
	s14 =	simm.s32 $0x6;
	v22 =	vor.u32 $0x80, v6;
	[tilespmem:v29+s10+$0x0] =	vst.idx.msk $0xffff, v26;
	v11 =	vor.u32 v11, v20;
	v24 =	vshll.u32 v15, $0x2;
	v20 =	vld.idx.msk [tilespmem:v28+s2+$0x0], $0xffff  }
.LBB2_2:
0x37: {  	s17 =	sadd.s32 $0xFFFFFFF0, s16;
	s14 =	sadd.s32 $0x2, s14;
	v25 =	vld.idx.msk [tilespmem:v14+s2+$0x0], $0xffff;
	v26 =	vor.u32 $0x2, v1  }
0x38: {  	v15 =	vand.u32 $0x7F, v15;
	v24 =	vand.u32 $0xFFFFFE00, v24;
	v27 =	vld [tilespmem:s15+$0xFFFFFFF0];
	v14 =	vmov s17;
	p0 =	slt.u32 s14, $0xE;
	[tilespmem:v17+s10+$0x0] =	vst.idx.msk $0xffff, v16  }
0x39: {  	v30 =	vor.u32 $0x2, v4;
	v24 =	vor.u32 v15, v24;
	v28 =	vshll.u32 v14, $0x7;
	[tilespmem:v7+s10+$0x0] =	vst.idx.msk $0xffff, v18;
	v29 =	vld.idx.msk [tilespmem:v13+s2+$0x0], $0xffff  }
0x3a: {  	v32 =	vor.u32 $0x180, v3;
	v33 =	vor.u32 $0x180, v2;
	v2 =	vmovc v6;
	v6 =	vmov v24;
	v31 =	vld.idx.msk [tilespmem:v23+s2+$0x0], $0xffff;
	[tilespmem:v8+s10+$0x0] =	vst.idx.msk $0xffff, v21  }
0x3b: {  	v34 =	vor.u32 $0x1, v7;
	v3 =	vmovc v5;
	v5 =	vmovc v11;
	v15 =	vld [tilespmem:s15+$0x0];
	[tilespmem:v9+s10+$0x0] =	vst.idx.msk $0xffff, v19;
	v9 =	vor.u32 $0x3, v1;
	v1 =	vmov v7  }
.Ltmp0:
0x3c: {  	v17 =	vor.u32 $0x1, v8;
	v14 =	vor.u32 $0x100, v3;
	v16 =	vld.idx.msk [tilespmem:v22+s2+$0x0], $0xffff;
	[tilespmem:v10+s10+$0x0] =	vst.idx.msk $0xffff, v20;
	v10 =	vor.u32 $0x3, v4;
	v4 =	vmovc v8;
	(pc) =	sbr.rel @p0 .LBB2_2-.Ltmp0, $4  }
0x3d: {  	v13 =	vor.u32 $0x100, v2;
	v7 =	vor.u32 v0, v12;
	v12 =	vmovc v28;
	v8 =	vmov s13;
	s13 =	smov.u32 s16;
	v18 =	vld.idx.msk [tilespmem:v11+s2+$0x0], $0xffff;
	[tilespmem:v26+s10+$0x0] =	vst.idx.msk $0xffff, v25  }
0x3e: {  	v11 =	vand.u32 $0x7F, v27;
	v19 =	vshll.u32 v27, $0x2;
	v8 =	vshll.u32 v8, $0x7;
	v21 =	vld.idx.msk [tilespmem:v24+s2+$0x0], $0xffff  }
0x3f: {  	v23 =	vor.u32 $0x80, v5;
	v20 =	vand.u32 $0xFFFFFE00, v19;
	v8 =	vor.u32 v0, v8;
	v19 =	vld.idx.msk [tilespmem:v32+s2+$0x0], $0xffff;
	[tilespmem:v30+s10+$0x0] =	vst.idx.msk $0xffff, v29  }
0x40: {  	s15 =	sadd.s32 $0x20, s15;
	s16 =	sadd.s32 $0x20, s16;
	v22 =	vor.u32 $0x80, v6;
	v11 =	vor.u32 v11, v20;
	v24 =	vshll.u32 v15, $0x2;
	[tilespmem:v34+s10+$0x0] =	vst.idx.msk $0xffff, v31;
	v20 =	vld.idx.msk [tilespmem:v33+s2+$0x0], $0xffff  }
0x41: {  	v15 =	vand.u32 $0x7F, v15;
	v24 =	vand.u32 $0xFFFFFE00, v24  }
0x42: {  	v15 =	vor.u32 v15, v24;
	_ =	sdelay $0x2  }
0x43: {  	v38 =	vmov s13  }
0x44: {  	v25 =	vld.idx.msk [tilespmem:v11+s2+$0x0], $0xffff;
	v12 =	vor.u32 v0, v12;
	v24 =	vshll.u32 v38, $0x7  }
0x45: {  	v27 =	vor.u32 $0x80, v11;
	v24 =	vor.u32 v0, v24;
	v26 =	vld.idx.msk [tilespmem:v15+s2+$0x0], $0xffff  }
0x46: {  	[tilespmem:v17+s10+$0x0] =	vst.idx.msk $0xffff, v16;
	v39 =	vor.u32 $0x80, v15  }
0x47: {  	[tilespmem:v7+s10+$0x0] =	vst.idx.msk $0xffff, v18  }
0x48: {  	v41 =	vor.u32 $0x1, v7;
	v40 =	vld.idx.msk [tilespmem:v23+s2+$0x0], $0xffff;
	[tilespmem:v8+s10+$0x0] =	vst.idx.msk $0xffff, v21  }
0x49: {  	v42 =	vor.u32 $0x100, v5;
	v43 =	vor.u32 $0x1, v8;
	v22 =	vld.idx.msk [tilespmem:v22+s2+$0x0], $0xffff;
	[tilespmem:v12+s10+$0x0] =	vst.idx.msk $0xffff, v25  }
0x4a: {  	v44 =	vor.u32 $0x100, v6;
	v45 =	vor.u32 $0x1, v12;
	v27 =	vld.idx.msk [tilespmem:v27+s2+$0x0], $0xffff;
	[tilespmem:v24+s10+$0x0] =	vst.idx.msk $0xffff, v26  }
0x4b: {  	v46 =	vor.u32 $0x100, v11;
	[tilespmem:v9+s10+$0x0] =	vst.idx.msk $0xffff, v19;
	v47 =	vor.u32 $0x1, v24;
	v16 =	vld.idx.msk [tilespmem:v39+s2+$0x0], $0xffff  }
0x4c: {  	v14 =	vld.idx.msk [tilespmem:v14+s2+$0x0], $0xffff;
	v48 =	vor.u32 $0x2, v1;
	v49 =	vor.u32 $0x100, v15;
	[tilespmem:v10+s10+$0x0] =	vst.idx.msk $0xffff, v20  }
0x4d: {  	v50 =	vor.u32 $0x2, v4;
	v3 =	vor.u32 $0x180, v3;
	v13 =	vld.idx.msk [tilespmem:v13+s2+$0x0], $0xffff;
	[tilespmem:v41+s10+$0x0] =	vst.idx.msk $0xffff, v40  }
0x4e: {  	v2 =	vor.u32 $0x180, v2;
	v51 =	vor.u32 $0x2, v7;
	[tilespmem:v43+s10+$0x0] =	vst.idx.msk $0xffff, v22;
	v18 =	vld.idx.msk [tilespmem:v42+s2+$0x0], $0xffff  }
0x4f: {  	v52 =	vor.u32 $0x2, v8;
	v53 =	vor.u32 $0x180, v5;
	v22 =	vld.idx.msk [tilespmem:v44+s2+$0x0], $0xffff;
	[tilespmem:v45+s10+$0x0] =	vst.idx.msk $0xffff, v27  }
0x50: {  	v54 =	vor.u32 $0x180, v6;
	v55 =	vor.u32 $0x2, v12;
	v9 =	vld.idx.msk [tilespmem:v46+s2+$0x0], $0xffff;
	[tilespmem:v47+s10+$0x0] =	vst.idx.msk $0xffff, v16  }
0x51: {  	v58 =	vor.u32 $0x180, v11;
	v57 =	vor.u32 $0x2, v24;
	[tilespmem:v48+s10+$0x0] =	vst.idx.msk $0xffff, v14;
	v56 =	vld.idx.msk [tilespmem:v49+s2+$0x0], $0xffff  }
0x52: {  	v1 =	vor.u32 $0x3, v1;
	v59 =	vor.u32 $0x180, v15;
	v3 =	vld.idx.msk [tilespmem:v3+s2+$0x0], $0xffff;
	[tilespmem:v50+s10+$0x0] =	vst.idx.msk $0xffff, v13  }
0x53: {  	v60 =	vor.u32 $0x3, v4;
	v2 =	vld.idx.msk [tilespmem:v2+s2+$0x0], $0xffff;
	[tilespmem:v51+s10+$0x0] =	vst.idx.msk $0xffff, v18  }
0x54: {  	v61 =	vor.u32 $0x3, v7;
	v5 =	vld.idx.msk [tilespmem:v53+s2+$0x0], $0xffff;
	[tilespmem:v52+s10+$0x0] =	vst.idx.msk $0xffff, v22  }
0x55: {  	v62 =	vor.u32 $0x3, v8;
	v6 =	vld.idx.msk [tilespmem:v54+s2+$0x0], $0xffff;
	[tilespmem:v55+s10+$0x0] =	vst.idx.msk $0xffff, v9  }
0x56: {  	v63 =	vor.u32 $0x3, v12;
	v11 =	vld.idx.msk [tilespmem:v58+s2+$0x0], $0xffff;
	[tilespmem:v57+s10+$0x0] =	vst.idx.msk $0xffff, v56  }
0x57: {  	[tilespmem:v1+s10+$0x0] =	vst.idx.msk $0xffff, v3;
	v1 =	vor.u32 $0x3, v24;
	v3 =	vld.idx.msk [tilespmem:v59+s2+$0x0], $0xffff  }
0x58: {  	[tilespmem:v60+s10+$0x0] =	vst.idx.msk $0xffff, v2  }
0x59: {  	[tilespmem:v61+s10+$0x0] =	vst.idx.msk $0xffff, v5  }
0x5a: {  	s12 =	sadd.s32 $0x1, s12;
	[tilespmem:v62+s10+$0x0] =	vst.idx.msk $0xffff, v6  }
0x5b: {  	p0 =	sne.s32 s12, s6;
	[tilespmem:v63+s10+$0x0] =	vst.idx.msk $0xffff, v11  }
.Ltmp1:
0x5c: {  	[tilespmem:v1+s10+$0x0] =	vst.idx.msk $0xffff, v3;
	(pc) =	sbr.rel @p0 .LBB2_1-.Ltmp1, $4  }
0x5d: {  	[hbm4b:s5+s2] =	stream.linear.scatter [tilespmem:s10], [sflag:$0x3], $0x8000, $0x38;
	[tilespmem:$0x11F00] =	vst v63  }
0x5e: {  	_ =	swait.ge [sflag:s11], $0x8000  }
0x5f: {  	[sflag:s11] =	ssyncset.done $0x0  }
0x60: {  	[sflag:s11] =	ssyncadd.s32 $0xFFFF8000  }
0x61: {  	_ =	sfence.sel $0x180000  }
0x62: {  	[bflag:$0x0] =	sbarrier.arrive $0xFFFF  }
0x63: {  	p0 =	sne.s32 s1, $0x0;
	_ =	strace $0x9000004A  }
0x64: {  	s0 =	sadd.s32 @!p0 $0x100000, s0;
	[bflag:$0x2] =	sbarrier.arrive $0xFFFF  }
0x65: {  	[sflag:s0] =	ssyncadd.tile.s32 @!p0 $0x1;
	_ =	shalt  }
.Lfunc_end2:
_tile_overlayer_lowered:
.L_overlay_start_2:
0x66: {  	(tag) =	ssettag $0x2  }
0x67: {  	s0 =	rddreg [dreg:$0x0];
	s2 =	stileid.u32  }
0x68: {  	s1 =	rddreg [dreg:$0x1];
	p0 =	sne.s32 s2, $0x0  }
0x69: {  	s3 =	rddreg [dreg:$0x2];
	[bflag:$0x3] =	sbarrier.arrive $0xFFFF;
	s2 =	simm.s32 @!p0 $0x1C03  }
0x6a: {  	[timem:s3], [sflag:s2] =	dma.local @!p0 [hbm:s0], s1  }
0x6b: {  	s0 =	simm.s32 @!p0 $0x3  }
0x6c: {  	_ =	swait.ge @!p0 [sflag:s0], s1  }
0x6d: {  	s1 =	ssub.s32 @!p0 $0x0, s1;
	[sflag:s0] =	ssyncset.done @!p0 $0x0  }
0x6e: {  	[sflag:s0] =	ssyncadd.s32 @!p0 s1  }
0x6f: {  	[bflag:$0x3] =	sbarrier.arrive $0xFFFF  }
0x70: {  	_ =	shalt  }

</sc_bundles>
